<compile_context>
chip_gen: v7x
topology: tpu7x:2x2x1
jax: 0.10.2.dev20260603
libtpu: 0.0.44.dev20260713+nightly
codegen_flags: <defaults>
</compile_context>

<pallas_src>
import functools

import jax
import jax.numpy as jnp
from jax import lax
from jax.experimental import pallas as pl
from jax.experimental.pallas import tpu as pltpu
from jax.experimental.pallas import tpu_sc as plsc

N = 10000
NP = 10240
PAD = NP - N
E = 320000
NUM_GRAPHS = 64
NC = 2
NS = 16
NW = NC * NS
EPT = E // NW
CHUNK = 80
NCHUNK = EPT // CHUNK
ROWS_PT = NP // NS
DEGW = 16
D = 5
NG = NCHUNK // D


def _mesh():
    return plsc.VectorSubcoreMesh(
        core_axis_name="c", subcore_axis_name="s",
        num_cores=NC, num_subcores=NS)


def _deg_body(dst3d_hbm, degp_hbm, dstb, ones_v, zbuf, deg_sp, sd):
    c = lax.axis_index("c")
    s = lax.axis_index("s")
    wid = c * NS + s

    def fill(i, _):
        zbuf[i] = jnp.zeros((DEGW,), jnp.float32)
        return 0
    lax.fori_loop(0, ROWS_PT, fill, 0)

    def fill1(i, _):
        ones_v[i] = jnp.ones((DEGW,), jnp.float32)
        return 0
    lax.fori_loop(0, CHUNK, fill1, 0)

    pltpu.sync_copy(zbuf, deg_sp.at[pl.ds(s * ROWS_PT, ROWS_PT)])
    pltpu.sync_copy(dst3d_hbm.at[wid], dstb)
    plsc.subcore_barrier()

    for d in range(D):
        pltpu.async_copy(ones_v, deg_sp.at[dstb.at[d]], sd, add=True)

    def body(i, _):
        for d in range(D):
            pltpu.async_copy(ones_v, deg_sp.at[dstb.at[(i + 1) * D + d]],
                             sd, add=True)
        for d in range(D):
            pltpu.make_async_copy(ones_v, deg_sp.at[dstb.at[i * D + d]],
                                  sd).wait()
        return 0
    lax.fori_loop(0, NG - 1, body, 0)

    lastd = (NG - 1) * D
    for d in range(D):
        pltpu.make_async_copy(ones_v, deg_sp.at[dstb.at[lastd + d]],
                              sd).wait()

    plsc.subcore_barrier()
    pltpu.sync_copy(deg_sp.at[pl.ds(s * ROWS_PT, ROWS_PT)],
                    degp_hbm.at[c, pl.ds(s * ROWS_PT, ROWS_PT)])


def _deg(dst3d):
    return pl.kernel(
        _deg_body,
        out_type=jax.ShapeDtypeStruct((NC, NP, DEGW), jnp.float32),
        mesh=_mesh(),
        compiler_params=pltpu.CompilerParams(use_tc_tiling_on_sc=False),
        scratch_types=[
            pltpu.VMEM((NCHUNK, CHUNK), jnp.int32),
            pltpu.VMEM((CHUNK, DEGW), jnp.float32),
            pltpu.VMEM((ROWS_PT, DEGW), jnp.float32),
            pltpu.VMEM_SHARED((NP, DEGW), jnp.float32),
            pltpu.SemaphoreType.DMA,
        ],
    )(dst3d)


def _make_prop_body(dd):
    ng = NCHUNK // dd

    def _prop_body(hs_hbm, src3d_hbm, dst3d_hbm, part_hbm,
                   srcb, dstb, rows, acc_sp, g0, g1, s0, s1):
        c = lax.axis_index("c")
        s = lax.axis_index("s")
        wid = c * NS + s

        pltpu.sync_copy(hs_hbm.at[pl.ds(s * ROWS_PT, ROWS_PT)],
                        acc_sp.at[pl.ds(s * ROWS_PT, ROWS_PT)])
        pltpu.sync_copy(src3d_hbm.at[wid], srcb)
        pltpu.sync_copy(dst3d_hbm.at[wid], dstb)
        plsc.subcore_barrier()

        for d in range(dd):
            pltpu.async_copy(hs_hbm.at[srcb.at[d]], rows.at[d], g0)
        for d in range(dd):
            pltpu.async_copy(hs_hbm.at[srcb.at[dd + d]], rows.at[dd + d], g1)

        def _phase(j, j_next, off, gsem, ssem):
            for d in range(dd):
                pltpu.make_async_copy(hs_hbm.at[srcb.at[j + d]],
                                      rows.at[off + d], gsem).wait()
            for d in range(dd):
                pltpu.async_copy(rows.at[off + d],
                                 acc_sp.at[dstb.at[j + d]], ssem, add=True)
            for d in range(dd):
                pltpu.make_async_copy(rows.at[off + d],
                                      acc_sp.at[dstb.at[j + d]],
                                      ssem).wait()
            for d in range(dd):
                pltpu.async_copy(hs_hbm.at[srcb.at[j_next + d]],
                                 rows.at[off + d], gsem)

        def body(i, _):
            jA = (2 * i) * dd
            jB = jA + dd
            jB2 = jnp.where(jA + 3 * dd >= NCHUNK, 0, jA + 3 * dd)
            _phase(jA, jA + 2 * dd, 0, g0, s0)
            _phase(jB, jB2, dd, g1, s1)
            return 0
        lax.fori_loop(0, (ng - 1) // 2, body, 0)

        last = (ng - 1) * dd
        for d in range(dd):
            pltpu.make_async_copy(hs_hbm.at[srcb.at[last + d]],
                                  rows.at[d], g0).wait()
        for d in range(dd):
            pltpu.async_copy(rows.at[d], acc_sp.at[dstb.at[last + d]],
                             s0, add=True)
        for d in range(dd):
            pltpu.make_async_copy(rows.at[d], acc_sp.at[dstb.at[last + d]],
                                  s0).wait()
        for d in range(dd):
            pltpu.make_async_copy(hs_hbm.at[srcb.at[d]],
                                  rows.at[dd + d], g1).wait()

        plsc.subcore_barrier()
        pltpu.sync_copy(acc_sp.at[pl.ds(s * ROWS_PT, ROWS_PT)],
                        part_hbm.at[c, pl.ds(s * ROWS_PT, ROWS_PT)])

    return _prop_body


def _prop(hs, src3d, dst3d, w):
    dd = D if w == 64 else 1
    return pl.kernel(
        _make_prop_body(dd),
        out_type=jax.ShapeDtypeStruct((NC, NP, w), jnp.float32),
        mesh=_mesh(),
        compiler_params=pltpu.CompilerParams(use_tc_tiling_on_sc=False),
        scratch_types=[
            pltpu.VMEM((NCHUNK, CHUNK), jnp.int32),
            pltpu.VMEM((NCHUNK, CHUNK), jnp.int32),
            pltpu.VMEM((2 * dd, CHUNK, w), jnp.float32),
            pltpu.VMEM_SHARED((NP, w), jnp.float32),
            pltpu.SemaphoreType.DMA,
            pltpu.SemaphoreType.DMA,
            pltpu.SemaphoreType.DMA,
            pltpu.SemaphoreType.DMA,
        ],
    )(hs, src3d, dst3d)


def _dinv_from(degp):
    deg = degp[0] + degp[1]
    return lax.rsqrt(deg[:, :1] + 1.0)


def _mm_scale_body(x_ref, w_ref, degp_ref, hs_ref):
    dinv = _dinv_from(degp_ref[...])
    xw = jnp.dot(x_ref[...], w_ref[...], preferred_element_type=jnp.float32)
    hs_ref[pl.ds(0, N), :] = xw * dinv[:N]
    hs_ref[pl.ds(N, PAD), :] = jnp.zeros((PAD, 64), jnp.float32)


def _combine_mm_body(a_ref, hs_ref, degp_ref, b1_ref, w2_ref, out_ref):
    dinv = _dinv_from(degp_ref[...])
    a = a_ref[...]
    hs = hs_ref[...]
    p = (a[0] + a[1] - hs) * dinv + b1_ref[...]
    h1 = jnp.maximum(p, 0.0)
    hh = jnp.dot(h1, w2_ref[...], preferred_element_type=jnp.float32)
    out_ref[...] = hh * dinv
    out_ref[pl.ds(N, PAD), :] = jnp.zeros((PAD, 128), jnp.float32)


def _leaky(v, alpha):
    return jnp.where(v > 0, v, alpha * v)


def _head_body(a_ref, hs_ref, degp_ref, b2_ref, batch_ref,
               m0_ref, mb0_ref, m1_ref, mb1_ref, m2_ref, mb2_ref,
               m3_ref, mb3_ref, out_ref):
    dinv = _dinv_from(degp_ref[...])
    a = a_ref[...]
    p2 = (a[0] + a[1] - hs_ref[...]) * dinv + b2_ref[...]
    h2 = jnp.maximum(p2, 0.0)
    gids = lax.broadcasted_iota(jnp.int32, (NUM_GRAPHS, NP), 0)
    onehot = (batch_ref[...] == gids).astype(jnp.float32)
    sums = jnp.dot(onehot, h2, preferred_element_type=jnp.float32,
                   precision=lax.Precision.HIGHEST)
    cnt = jnp.sum(onehot, axis=1, keepdims=True)
    g = sums / jnp.maximum(cnt, 1.0)
    g = _leaky(jnp.dot(g, m0_ref[...], preferred_element_type=jnp.float32)
               + mb0_ref[...], 0.2)
    g = _leaky(jnp.dot(g, m1_ref[...], preferred_element_type=jnp.float32)
               + mb1_ref[...], 0.1)
    g = _leaky(jnp.dot(g, m2_ref[...], preferred_element_type=jnp.float32)
               + mb2_ref[...], 0.1)
    g = jnp.dot(g, m3_ref[...], preferred_element_type=jnp.float32)
    out_ref[...] = jnp.maximum(g + mb3_ref[...], 0.0)


def _tc_call(body, out_shape, *args):
    return pl.pallas_call(
        body,
        out_shape=jax.ShapeDtypeStruct(out_shape, jnp.float32),
    )(*args)


def kernel(x, edge_index, batch, W1, b1, W2, b2,
           M0, mb0, M1, mb1, M2, mb2, M3, mb3):
    src3d = edge_index[0].reshape(NW, NCHUNK, CHUNK)
    dst3d = edge_index[1].reshape(NW, NCHUNK, CHUNK)
    batch_pad = jnp.concatenate(
        [batch, jnp.full((PAD,), -1, jnp.int32)]).reshape(1, NP)

    degp = _deg(dst3d)
    hs1 = _tc_call(_mm_scale_body, (NP, 64),
                   x, W1, degp)
    part1 = _prop(hs1, src3d, dst3d, 64)
    hs2 = _tc_call(_combine_mm_body, (NP, 128),
                   part1, hs1, degp, b1.reshape(1, 64),
                   W2)
    part2 = _prop(hs2, src3d, dst3d, 128)
    out = _tc_call(_head_body, (NUM_GRAPHS, 1),
                   part2, hs2, degp, b2.reshape(1, 128), batch_pad,
                   M0, mb0.reshape(1, 64), M1, mb1.reshape(1, 64),
                   M2, mb2.reshape(1, 64), M3, mb3.reshape(1, 1))
    return out

# --- scband reference (transcript-rebuilt; emitter-appended) ---
"""Pipeline reference for scband-gcnnet-42777874268531 (READ-ONLY COPY).

The authoritative reference and input builder live on the scoring server;
editing this copy changes nothing except your own understanding.
"""

import jax, jax.numpy as jnp
import numpy as np

N = 10000
E = 320000
F_IN = 128
NUM_GRAPHS = 64


def _glorot(key, shape):
    fan_in, fan_out = shape
    lim = (6.0 / (fan_in + fan_out)) ** 0.5
    return jax.random.uniform(key, shape, minval=-lim, maxval=lim, dtype=jnp.float32)


def setup_inputs(seed: int = 0):
    key = jax.random.key(seed)
    ks = jax.random.split(key, 16)
    inp = {}
    inp["x"] = jax.random.normal(ks[0], (N, F_IN), dtype=jnp.float32)
    inp["edge_index"] = jax.random.randint(ks[1], (2, E), 0, N, dtype=jnp.int32)
    inp["batch"] = jnp.sort(jax.random.randint(ks[2], (N,), 0, NUM_GRAPHS, dtype=jnp.int32))
    # GCNConv params: in->64, 64->128
    inp["W1"] = _glorot(ks[3], (F_IN, 64))
    inp["b1"] = jnp.zeros((64,), jnp.float32)
    inp["W2"] = _glorot(ks[4], (64, 128))
    inp["b2"] = jnp.zeros((128,), jnp.float32)
    # MLP params: channels [128, 64, 64, 64, 1]
    inp["M0"] = _glorot(ks[5], (128, 64))
    inp["mb0"] = jnp.zeros((64,), jnp.float32)
    inp["M1"] = _glorot(ks[6], (64, 64))
    inp["mb1"] = jnp.zeros((64,), jnp.float32)
    inp["M2"] = _glorot(ks[7], (64, 64))
    inp["mb2"] = jnp.zeros((64,), jnp.float32)
    inp["M3"] = _glorot(ks[8], (64, 1))
    inp["mb3"] = jnp.zeros((1,), jnp.float32)
    return inp


def _gcn_conv(x, src, dst, W, b):
    # PyG GCNConv: D^{-1/2} (A + I) D^{-1/2} X W + b
    n = x.shape[0]
    loop = jnp.arange(n, dtype=src.dtype)
    s = jnp.concatenate([src, loop])
    d = jnp.concatenate([dst, loop])
    deg = jnp.zeros((n,), jnp.float32).at[d].add(1.0)
    dinv = jnp.where(deg > 0, jax.lax.rsqrt(jnp.maximum(deg, 1e-12)), 0.0)
    norm = dinv[s] * dinv[d]
    h = x @ W
    msg = h[s] * norm[:, None]
    out = jnp.zeros((n, W.shape[1]), jnp.float32).at[d].add(msg)
    return out + b


def _forward(x, edge_index, batch, W1, b1, W2, b2, M0, mb0, M1, mb1, M2, mb2, M3, mb3):
    x = x.astype(jnp.float32)
    src = edge_index[0]
    dst = edge_index[1]
    h = jax.nn.relu(_gcn_conv(x, src, dst, W1, b1))
    # dropout p=0.0 in conv loop -> identity
    h = jax.nn.relu(_gcn_conv(h, src, dst, W2, b2))
    # global mean pool over graphs
    sums = jax.ops.segment_sum(h, batch, num_segments=NUM_GRAPHS)
    cnt = jax.ops.segment_sum(jnp.ones((h.shape[0],), jnp.float32), batch, num_segments=NUM_GRAPHS)
    g = sums / jnp.maximum(cnt, 1.0)[:, None]
    # MLP head (dropout omitted: eval-mode determinism)
    g = jax.nn.leaky_relu(g @ M0 + mb0, negative_slope=0.2)
    g = jax.nn.leaky_relu(g @ M1 + mb1, negative_slope=0.1)
    g = jax.nn.leaky_relu(g @ M2 + mb2, negative_slope=0.1)
    g = jax.nn.relu(g @ M3 + mb3)
    return g


def reference(x, edge_index, batch, W1, b1, W2, b2, M0, mb0, M1, mb1, M2, mb2, M3, mb3):
    return _forward(x, edge_index, batch, W1, b1, W2, b2, M0, mb0, M1, mb1, M2, mb2, M3, mb3)

if __name__ == "__main__":
    import jax
    _d = setup_inputs()
    print(jax.jit(kernel)(*tuple(_d.values())))

</pallas_src>

<mosaic_0001>
#map = affine_map<(d0, d1) -> (0, 0, 0)>
module attributes {stable_mosaic.version = 14 : i64} {
  func.func @_deg_body(%arg0: i32, %arg1: i32, %arg2: memref<32x125x80xi32, #tpu.memory_space<hbm>>, %arg3: memref<2x10240x16xf32, #tpu.memory_space<hbm>>, %arg4: memref<125x80xi32, #tpu.memory_space<vmem>>, %arg5: memref<80x16xf32, #tpu.memory_space<vmem>>, %arg6: memref<640x16xf32, #tpu.memory_space<vmem>>, %arg7: memref<10240x16xf32, #tpu.memory_space<vmem_shared>>, %arg8: memref<!tpu.dma_semaphore, #tpu.memory_space<semaphore_mem>>) attributes {dimension_semantics = [#tpu.dimension_semantics<core_parallel>, #tpu.dimension_semantics<subcore_parallel>], iteration_bounds = array<i64: 2, 16>, scalar_prefetch = 0 : i64, scratch_operands = 5 : i64, tpu.core_type = #tpu.core_type<sc_vector_subcore>, window_params = [{transform_indices = #map}, {transform_indices = #map}]} {
    %mul3A = arith.constant 16 : i32
    %mul3A_0 = arith.muli %arg0, %mul3A : i32
    %add3A = arith.addi %mul3A_0, %arg1 : i32
    %scan3A = arith.constant 0 : i32
    %scan3A_1 = arith.constant 0 : i32
    %scan3A_2 = arith.constant 640 : i32
    %scan3A_3 = arith.addi %scan3A_1, %scan3A_2 : i32
    %scan3A_4 = arith.constant 1 : i32
    %scan3A_5 = scf.for %scan3A_96 = %scan3A_1 to %scan3A_3 step %scan3A_4 iter_args(%scan3A_97 = %scan3A) -> (i32)  : i32 {
      %broadcast_in_dim3A = arith.constant 0.000000e+00 : f32
      %broadcast_in_dim3A_98 = vector.broadcast %broadcast_in_dim3A : f32 to vector<16xf32>
      %swap3A = arith.index_cast %scan3A_96 : i32 to index
      %swap3A_99 = arith.constant 0 : index
      %swap3A_100 = tpu.vector_load %arg6[%swap3A, %swap3A_99] {strides = array<i32>} : memref<640x16xf32, #tpu.memory_space<vmem>>, vector<1x16xf32>,
      %swap3A_101 = vector.shape_cast %swap3A_100 : vector<1x16xf32> to vector<16xf32>
      %swap3A_102 = vector.shape_cast %broadcast_in_dim3A_98 : vector<16xf32> to vector<1x16xf32>
      tpu.vector_store %arg6[%swap3A, %swap3A_99], %swap3A_102 {strides = array<i32>} : memref<640x16xf32, #tpu.memory_space<vmem>>, vector<1x16xf32>,
      %scan3A_103 = arith.constant 0 : i32
      scf.yield %scan3A_103 : i32
    }
    %scan3A_6 = arith.constant 640 : i32
    %scan3A_7 = arith.constant 0 : i32
    %scan3A_8 = arith.constant 0 : i32
    %scan3A_9 = arith.constant 80 : i32
    %scan3A_10 = arith.addi %scan3A_8, %scan3A_9 : i32
    %scan3A_11 = arith.constant 1 : i32
    %scan3A_12 = scf.for %scan3A_96 = %scan3A_8 to %scan3A_10 step %scan3A_11 iter_args(%scan3A_97 = %scan3A_7) -> (i32)  : i32 {
      %broadcast_in_dim3A = arith.constant 1.000000e+00 : f32
      %broadcast_in_dim3A_98 = vector.broadcast %broadcast_in_dim3A : f32 to vector<16xf32>
      %swap3A = arith.index_cast %scan3A_96 : i32 to index
      %swap3A_99 = arith.constant 0 : index
      %swap3A_100 = tpu.vector_load %arg5[%swap3A, %swap3A_99] {strides = array<i32>} : memref<80x16xf32, #tpu.memory_space<vmem>>, vector<1x16xf32>,
      %swap3A_101 = vector.shape_cast %swap3A_100 : vector<1x16xf32> to vector<16xf32>
      %swap3A_102 = vector.shape_cast %broadcast_in_dim3A_98 : vector<16xf32> to vector<1x16xf32>
      tpu.vector_store %arg5[%swap3A, %swap3A_99], %swap3A_102 {strides = array<i32>} : memref<80x16xf32, #tpu.memory_space<vmem>>, vector<1x16xf32>,
      %scan3A_103 = arith.constant 0 : i32
      scf.yield %scan3A_103 : i32
    }
    %scan3A_13 = arith.constant 80 : i32
    %mul3A_14 = arith.constant 640 : i32
    %mul3A_15 = arith.muli %arg1, %mul3A_14 : i32
    "tpu.region"() ({
      %run_scoped3A = tpu.sem_alloc : memref<!tpu.dma_semaphore, #tpu.memory_space<semaphore_mem>>
      %dma_start3A_96 = arith.constant 0 : i32
      %dma_start3A_97 = tpu.memref_slice %arg7[%mul3A_15, %dma_start3A_96] : memref<10240x16xf32, #tpu.memory_space<vmem_shared>> -> memref<640x16xf32, #tpu.memory_space<vmem_shared>>
      %dma_start3A_98 = arith.constant 0 : i32
      %dma_start3A_99 = tpu.memref_slice %arg7[%mul3A_15, %dma_start3A_98] : memref<10240x16xf32, #tpu.memory_space<vmem_shared>> -> memref<640x16xf32, #tpu.memory_space<vmem_shared>>
      tpu.enqueue_dma source(%arg6 : memref<640x16xf32, #tpu.memory_space<vmem>>) target(%dma_start3A_99 : memref<640x16xf32, #tpu.memory_space<vmem_shared>>) target_semaphore(%run_scoped3A : memref<!tpu.dma_semaphore, #tpu.memory_space<semaphore_mem>>)
      %dma_wait3A_100 = arith.constant 0 : i32
      %dma_wait3A_101 = tpu.memref_slice %arg7[%mul3A_15, %dma_wait3A_100] : memref<10240x16xf32, #tpu.memory_space<vmem_shared>> -> memref<640x16xf32, #tpu.memory_space<vmem_shared>>
      %dma_wait3A_102 = arith.constant 0 : i32
      %dma_wait3A_103 = tpu.memref_slice %arg7[%mul3A_15, %dma_wait3A_102] : memref<10240x16xf32, #tpu.memory_space<vmem_shared>> -> memref<640x16xf32, #tpu.memory_space<vmem_shared>>
      tpu.wait_dma2 semaphore(%run_scoped3A : memref<!tpu.dma_semaphore, #tpu.memory_space<semaphore_mem>>) src(%arg6 : memref<640x16xf32, #tpu.memory_space<vmem>>) dst(%dma_wait3A_103 : memref<640x16xf32, #tpu.memory_space<vmem_shared>>)
      tpu.yield
    }) : () -> ()
    "tpu.region"() ({
      %run_scoped3A = tpu.sem_alloc : memref<!tpu.dma_semaphore, #tpu.memory_space<semaphore_mem>>
      %dma_start3A_96 = arith.constant 0 : i32
      %dma_start3A_97 = arith.constant 0 : i32
      %dma_start3A_98 = tpu.memref_slice %arg2[%add3A, %dma_start3A_96, %dma_start3A_97] : memref<32x125x80xi32, #tpu.memory_space<hbm>> -> memref<1x125x80xi32, #tpu.memory_space<hbm>>
      %dma_start3A_99 = tpu.memref_squeeze %dma_start3A_98 : memref<1x125x80xi32, #tpu.memory_space<hbm>> -> memref<125x80xi32, #tpu.memory_space<hbm>>
      %dma_start3A_100 = arith.constant 0 : i32
      %dma_start3A_101 = arith.constant 0 : i32
      %dma_start3A_102 = tpu.memref_slice %arg2[%add3A, %dma_start3A_100, %dma_start3A_101] : memref<32x125x80xi32, #tpu.memory_space<hbm>> -> memref<1x125x80xi32, #tpu.memory_space<hbm>>
      %dma_start3A_103 = tpu.memref_squeeze %dma_start3A_102 : memref<1x125x80xi32, #tpu.memory_space<hbm>> -> memref<125x80xi32, #tpu.memory_space<hbm>>
      tpu.enqueue_dma source(%dma_start3A_103 : memref<125x80xi32, #tpu.memory_space<hbm>>) target(%arg4 : memref<125x80xi32, #tpu.memory_space<vmem>>) target_semaphore(%run_scoped3A : memref<!tpu.dma_semaphore, #tpu.memory_space<semaphore_mem>>)
      %dma_wait3A_104 = arith.constant 0 : i32
      %dma_wait3A_105 = arith.constant 0 : i32
      %dma_wait3A_106 = tpu.memref_slice %arg2[%add3A, %dma_wait3A_104, %dma_wait3A_105] : memref<32x125x80xi32, #tpu.memory_space<hbm>> -> memref<1x125x80xi32, #tpu.memory_space<hbm>>
      %dma_wait3A_107 = tpu.memref_squeeze %dma_wait3A_106 : memref<1x125x80xi32, #tpu.memory_space<hbm>> -> memref<125x80xi32, #tpu.memory_space<hbm>>
      %dma_wait3A_108 = arith.constant 0 : i32
      %dma_wait3A_109 = arith.constant 0 : i32
      %dma_wait3A_110 = tpu.memref_slice %arg2[%add3A, %dma_wait3A_108, %dma_wait3A_109] : memref<32x125x80xi32, #tpu.memory_space<hbm>> -> memref<1x125x80xi32, #tpu.memory_space<hbm>>
      %dma_wait3A_111 = tpu.memref_squeeze %dma_wait3A_110 : memref<1x125x80xi32, #tpu.memory_space<hbm>> -> memref<125x80xi32, #tpu.memory_space<hbm>>
      tpu.wait_dma2 semaphore(%run_scoped3A : memref<!tpu.dma_semaphore, #tpu.memory_space<semaphore_mem>>) src(%dma_wait3A_111 : memref<125x80xi32, #tpu.memory_space<hbm>>) dst(%arg4 : memref<125x80xi32, #tpu.memory_space<vmem>>)
      tpu.yield
    }) : () -> ()
    %barrier3A = arith.constant 0 : index
    tpu.barrier barrier_id(%barrier3A)
    %dma_start3A = arith.constant 0 : i32
    %dma_start3A_16 = arith.constant 0 : i32
    %dma_start3A_17 = tpu.memref_slice %arg4[%dma_start3A, %dma_start3A_16] : memref<125x80xi32, #tpu.memory_space<vmem>> -> memref<1x80xi32, #tpu.memory_space<vmem>>
    %dma_start3A_18 = tpu.memref_squeeze %dma_start3A_17 : memref<1x80xi32, #tpu.memory_space<vmem>> -> memref<80xi32, #tpu.memory_space<vmem>>
    %dma_start3A_19 = arith.constant 0 : i32
    %dma_start3A_20 = arith.constant 0 : i32
    %dma_start3A_21 = tpu.memref_slice %arg7[%dma_start3A_19, %dma_start3A_20] : memref<10240x16xf32, #tpu.memory_space<vmem_shared>> -> memref<10240x16xf32, #tpu.memory_space<vmem_shared>>
    tpu.enqueue_indirect_dma source(%arg5 : memref<80x16xf32, #tpu.memory_space<vmem>>) target(%dma_start3A_21 : memref<10240x16xf32, #tpu.memory_space<vmem_shared>>) offsets(%dma_start3A_18 : memref<80xi32, #tpu.memory_space<vmem>>) semaphore(%arg8 : memref<!tpu.dma_semaphore, #tpu.memory_space<semaphore_mem>>) {add = true}
    %dma_start3A_22 = arith.constant 1 : i32
    %dma_start3A_23 = arith.constant 0 : i32
    %dma_start3A_24 = tpu.memref_slice %arg4[%dma_start3A_22, %dma_start3A_23] : memref<125x80xi32, #tpu.memory_space<vmem>> -> memref<1x80xi32, #tpu.memory_space<vmem>>
    %dma_start3A_25 = tpu.memref_squeeze %dma_start3A_24 : memref<1x80xi32, #tpu.memory_space<vmem>> -> memref<80xi32, #tpu.memory_space<vmem>>
    %dma_start3A_26 = arith.constant 0 : i32
    %dma_start3A_27 = arith.constant 0 : i32
    %dma_start3A_28 = tpu.memref_slice %arg7[%dma_start3A_26, %dma_start3A_27] : memref<10240x16xf32, #tpu.memory_space<vmem_shared>> -> memref<10240x16xf32, #tpu.memory_space<vmem_shared>>
    tpu.enqueue_indirect_dma source(%arg5 : memref<80x16xf32, #tpu.memory_space<vmem>>) target(%dma_start3A_28 : memref<10240x16xf32, #tpu.memory_space<vmem_shared>>) offsets(%dma_start3A_25 : memref<80xi32, #tpu.memory_space<vmem>>) semaphore(%arg8 : memref<!tpu.dma_semaphore, #tpu.memory_space<semaphore_mem>>) {add = true}
    %dma_start3A_29 = arith.constant 2 : i32
    %dma_start3A_30 = arith.constant 0 : i32
    %dma_start3A_31 = tpu.memref_slice %arg4[%dma_start3A_29, %dma_start3A_30] : memref<125x80xi32, #tpu.memory_space<vmem>> -> memref<1x80xi32, #tpu.memory_space<vmem>>
    %dma_start3A_32 = tpu.memref_squeeze %dma_start3A_31 : memref<1x80xi32, #tpu.memory_space<vmem>> -> memref<80xi32, #tpu.memory_space<vmem>>
    %dma_start3A_33 = arith.constant 0 : i32
    %dma_start3A_34 = arith.constant 0 : i32
    %dma_start3A_35 = tpu.memref_slice %arg7[%dma_start3A_33, %dma_start3A_34] : memref<10240x16xf32, #tpu.memory_space<vmem_shared>> -> memref<10240x16xf32, #tpu.memory_space<vmem_shared>>
    tpu.enqueue_indirect_dma source(%arg5 : memref<80x16xf32, #tpu.memory_space<vmem>>) target(%dma_start3A_35 : memref<10240x16xf32, #tpu.memory_space<vmem_shared>>) offsets(%dma_start3A_32 : memref<80xi32, #tpu.memory_space<vmem>>) semaphore(%arg8 : memref<!tpu.dma_semaphore, #tpu.memory_space<semaphore_mem>>) {add = true}
    %dma_start3A_36 = arith.constant 3 : i32
    %dma_start3A_37 = arith.constant 0 : i32
    %dma_start3A_38 = tpu.memref_slice %arg4[%dma_start3A_36, %dma_start3A_37] : memref<125x80xi32, #tpu.memory_space<vmem>> -> memref<1x80xi32, #tpu.memory_space<vmem>>
    %dma_start3A_39 = tpu.memref_squeeze %dma_start3A_38 : memref<1x80xi32, #tpu.memory_space<vmem>> -> memref<80xi32, #tpu.memory_space<vmem>>
    %dma_start3A_40 = arith.constant 0 : i32
    %dma_start3A_41 = arith.constant 0 : i32
    %dma_start3A_42 = tpu.memref_slice %arg7[%dma_start3A_40, %dma_start3A_41] : memref<10240x16xf32, #tpu.memory_space<vmem_shared>> -> memref<10240x16xf32, #tpu.memory_space<vmem_shared>>
    tpu.enqueue_indirect_dma source(%arg5 : memref<80x16xf32, #tpu.memory_space<vmem>>) target(%dma_start3A_42 : memref<10240x16xf32, #tpu.memory_space<vmem_shared>>) offsets(%dma_start3A_39 : memref<80xi32, #tpu.memory_space<vmem>>) semaphore(%arg8 : memref<!tpu.dma_semaphore, #tpu.memory_space<semaphore_mem>>) {add = true}
    %dma_start3A_43 = arith.constant 4 : i32
    %dma_start3A_44 = arith.constant 0 : i32
    %dma_start3A_45 = tpu.memref_slice %arg4[%dma_start3A_43, %dma_start3A_44] : memref<125x80xi32, #tpu.memory_space<vmem>> -> memref<1x80xi32, #tpu.memory_space<vmem>>
    %dma_start3A_46 = tpu.memref_squeeze %dma_start3A_45 : memref<1x80xi32, #tpu.memory_space<vmem>> -> memref<80xi32, #tpu.memory_space<vmem>>
    %dma_start3A_47 = arith.constant 0 : i32
    %dma_start3A_48 = arith.constant 0 : i32
    %dma_start3A_49 = tpu.memref_slice %arg7[%dma_start3A_47, %dma_start3A_48] : memref<10240x16xf32, #tpu.memory_space<vmem_shared>> -> memref<10240x16xf32, #tpu.memory_space<vmem_shared>>
    tpu.enqueue_indirect_dma source(%arg5 : memref<80x16xf32, #tpu.memory_space<vmem>>) target(%dma_start3A_49 : memref<10240x16xf32, #tpu.memory_space<vmem_shared>>) offsets(%dma_start3A_46 : memref<80xi32, #tpu.memory_space<vmem>>) semaphore(%arg8 : memref<!tpu.dma_semaphore, #tpu.memory_space<semaphore_mem>>) {add = true}
    %scan3A_50 = arith.constant 0 : i32
    %scan3A_51 = arith.constant 0 : i32
    %scan3A_52 = arith.constant 24 : i32
    %scan3A_53 = arith.addi %scan3A_51, %scan3A_52 : i32
    %scan3A_54 = arith.constant 1 : i32
    %scan3A_55 = scf.for %scan3A_96 = %scan3A_51 to %scan3A_53 step %scan3A_54 iter_args(%scan3A_97 = %scan3A_50) -> (i32)  : i32 {
      %add3A_98 = arith.constant 1 : i32
      %add3A_99 = arith.addi %scan3A_96, %add3A_98 : i32
      %mul3A_100 = arith.constant 5 : i32
      %mul3A_101 = arith.muli %add3A_99, %mul3A_100 : i32
      %add3A_102 = arith.constant 0 : i32
      %add3A_103 = arith.addi %mul3A_101, %add3A_102 : i32
      %dma_start3A_104 = arith.constant 0 : i32
      %dma_start3A_105 = tpu.memref_slice %arg4[%add3A_103, %dma_start3A_104] : memref<125x80xi32, #tpu.memory_space<vmem>> -> memref<1x80xi32, #tpu.memory_space<vmem>>
      %dma_start3A_106 = tpu.memref_squeeze %dma_start3A_105 : memref<1x80xi32, #tpu.memory_space<vmem>> -> memref<80xi32, #tpu.memory_space<vmem>>
      %dma_start3A_107 = arith.constant 0 : i32
      %dma_start3A_108 = arith.constant 0 : i32
      %dma_start3A_109 = tpu.memref_slice %arg7[%dma_start3A_107, %dma_start3A_108] : memref<10240x16xf32, #tpu.memory_space<vmem_shared>> -> memref<10240x16xf32, #tpu.memory_space<vmem_shared>>
      tpu.enqueue_indirect_dma source(%arg5 : memref<80x16xf32, #tpu.memory_space<vmem>>) target(%dma_start3A_109 : memref<10240x16xf32, #tpu.memory_space<vmem_shared>>) offsets(%dma_start3A_106 : memref<80xi32, #tpu.memory_space<vmem>>) semaphore(%arg8 : memref<!tpu.dma_semaphore, #tpu.memory_space<semaphore_mem>>) {add = true}
      %add3A_110 = arith.constant 1 : i32
      %add3A_111 = arith.addi %scan3A_96, %add3A_110 : i32
      %mul3A_112 = arith.constant 5 : i32
      %mul3A_113 = arith.muli %add3A_111, %mul3A_112 : i32
      %add3A_114 = arith.constant 1 : i32
      %add3A_115 = arith.addi %mul3A_113, %add3A_114 : i32
      %dma_start3A_116 = arith.constant 0 : i32
      %dma_start3A_117 = tpu.memref_slice %arg4[%add3A_115, %dma_start3A_116] : memref<125x80xi32, #tpu.memory_space<vmem>> -> memref<1x80xi32, #tpu.memory_space<vmem>>
      %dma_start3A_118 = tpu.memref_squeeze %dma_start3A_117 : memref<1x80xi32, #tpu.memory_space<vmem>> -> memref<80xi32, #tpu.memory_space<vmem>>
      %dma_start3A_119 = arith.constant 0 : i32
      %dma_start3A_120 = arith.constant 0 : i32
      %dma_start3A_121 = tpu.memref_slice %arg7[%dma_start3A_119, %dma_start3A_120] : memref<10240x16xf32, #tpu.memory_space<vmem_shared>> -> memref<10240x16xf32, #tpu.memory_space<vmem_shared>>
      tpu.enqueue_indirect_dma source(%arg5 : memref<80x16xf32, #tpu.memory_space<vmem>>) target(%dma_start3A_121 : memref<10240x16xf32, #tpu.memory_space<vmem_shared>>) offsets(%dma_start3A_118 : memref<80xi32, #tpu.memory_space<vmem>>) semaphore(%arg8 : memref<!tpu.dma_semaphore, #tpu.memory_space<semaphore_mem>>) {add = true}
      %add3A_122 = arith.constant 1 : i32
      %add3A_123 = arith.addi %scan3A_96, %add3A_122 : i32
      %mul3A_124 = arith.constant 5 : i32
      %mul3A_125 = arith.muli %add3A_123, %mul3A_124 : i32
      %add3A_126 = arith.constant 2 : i32
      %add3A_127 = arith.addi %mul3A_125, %add3A_126 : i32
      %dma_start3A_128 = arith.constant 0 : i32
      %dma_start3A_129 = tpu.memref_slice %arg4[%add3A_127, %dma_start3A_128] : memref<125x80xi32, #tpu.memory_space<vmem>> -> memref<1x80xi32, #tpu.memory_space<vmem>>
      %dma_start3A_130 = tpu.memref_squeeze %dma_start3A_129 : memref<1x80xi32, #tpu.memory_space<vmem>> -> memref<80xi32, #tpu.memory_space<vmem>>
      %dma_start3A_131 = arith.constant 0 : i32
      %dma_start3A_132 = arith.constant 0 : i32
      %dma_start3A_133 = tpu.memref_slice %arg7[%dma_start3A_131, %dma_start3A_132] : memref<10240x16xf32, #tpu.memory_space<vmem_shared>> -> memref<10240x16xf32, #tpu.memory_space<vmem_shared>>
      tpu.enqueue_indirect_dma source(%arg5 : memref<80x16xf32, #tpu.memory_space<vmem>>) target(%dma_start3A_133 : memref<10240x16xf32, #tpu.memory_space<vmem_shared>>) offsets(%dma_start3A_130 : memref<80xi32, #tpu.memory_space<vmem>>) semaphore(%arg8 : memref<!tpu.dma_semaphore, #tpu.memory_space<semaphore_mem>>) {add = true}
      %add3A_134 = arith.constant 1 : i32
      %add3A_135 = arith.addi %scan3A_96, %add3A_134 : i32
      %mul3A_136 = arith.constant 5 : i32
      %mul3A_137 = arith.muli %add3A_135, %mul3A_136 : i32
      %add3A_138 = arith.constant 3 : i32
      %add3A_139 = arith.addi %mul3A_137, %add3A_138 : i32
      %dma_start3A_140 = arith.constant 0 : i32
      %dma_start3A_141 = tpu.memref_slice %arg4[%add3A_139, %dma_start3A_140] : memref<125x80xi32, #tpu.memory_space<vmem>> -> memref<1x80xi32, #tpu.memory_space<vmem>>
      %dma_start3A_142 = tpu.memref_squeeze %dma_start3A_141 : memref<1x80xi32, #tpu.memory_space<vmem>> -> memref<80xi32, #tpu.memory_space<vmem>>
      %dma_start3A_143 = arith.constant 0 : i32
      %dma_start3A_144 = arith.constant 0 : i32
      %dma_start3A_145 = tpu.memref_slice %arg7[%dma_start3A_143, %dma_start3A_144] : memref<10240x16xf32, #tpu.memory_space<vmem_shared>> -> memref<10240x16xf32, #tpu.memory_space<vmem_shared>>
      tpu.enqueue_indirect_dma source(%arg5 : memref<80x16xf32, #tpu.memory_space<vmem>>) target(%dma_start3A_145 : memref<10240x16xf32, #tpu.memory_space<vmem_shared>>) offsets(%dma_start3A_142 : memref<80xi32, #tpu.memory_space<vmem>>) semaphore(%arg8 : memref<!tpu.dma_semaphore, #tpu.memory_space<semaphore_mem>>) {add = true}
      %add3A_146 = arith.constant 1 : i32
      %add3A_147 = arith.addi %scan3A_96, %add3A_146 : i32
      %mul3A_148 = arith.constant 5 : i32
      %mul3A_149 = arith.muli %add3A_147, %mul3A_148 : i32
      %add3A_150 = arith.constant 4 : i32
      %add3A_151 = arith.addi %mul3A_149, %add3A_150 : i32
      %dma_start3A_152 = arith.constant 0 : i32
      %dma_start3A_153 = tpu.memref_slice %arg4[%add3A_151, %dma_start3A_152] : memref<125x80xi32, #tpu.memory_space<vmem>> -> memref<1x80xi32, #tpu.memory_space<vmem>>
      %dma_start3A_154 = tpu.memref_squeeze %dma_start3A_153 : memref<1x80xi32, #tpu.memory_space<vmem>> -> memref<80xi32, #tpu.memory_space<vmem>>
      %dma_start3A_155 = arith.constant 0 : i32
      %dma_start3A_156 = arith.constant 0 : i32
      %dma_start3A_157 = tpu.memref_slice %arg7[%dma_start3A_155, %dma_start3A_156] : memref<10240x16xf32, #tpu.memory_space<vmem_shared>> -> memref<10240x16xf32, #tpu.memory_space<vmem_shared>>
      tpu.enqueue_indirect_dma source(%arg5 : memref<80x16xf32, #tpu.memory_space<vmem>>) target(%dma_start3A_157 : memref<10240x16xf32, #tpu.memory_space<vmem_shared>>) offsets(%dma_start3A_154 : memref<80xi32, #tpu.memory_space<vmem>>) semaphore(%arg8 : memref<!tpu.dma_semaphore, #tpu.memory_space<semaphore_mem>>) {add = true}
      %mul3A_158 = arith.constant 5 : i32
      %mul3A_159 = arith.muli %scan3A_96, %mul3A_158 : i32
      %add3A_160 = arith.constant 0 : i32
      %add3A_161 = arith.addi %mul3A_159, %add3A_160 : i32
      %dma_wait3A_162 = arith.constant 0 : i32
      %dma_wait3A_163 = tpu.memref_slice %arg4[%add3A_161, %dma_wait3A_162] : memref<125x80xi32, #tpu.memory_space<vmem>> -> memref<1x80xi32, #tpu.memory_space<vmem>>
      %dma_wait3A_164 = tpu.memref_squeeze %dma_wait3A_163 : memref<1x80xi32, #tpu.memory_space<vmem>> -> memref<80xi32, #tpu.memory_space<vmem>>
      %dma_wait3A_165 = arith.constant 0 : i32
      %dma_wait3A_166 = arith.constant 0 : i32
      %dma_wait3A_167 = tpu.memref_slice %arg7[%dma_wait3A_165, %dma_wait3A_166] : memref<10240x16xf32, #tpu.memory_space<vmem_shared>> -> memref<10240x16xf32, #tpu.memory_space<vmem_shared>>
      tpu.wait_indirect_dma semaphore(%arg8 : memref<!tpu.dma_semaphore, #tpu.memory_space<semaphore_mem>>) src(%arg5 : memref<80x16xf32, #tpu.memory_space<vmem>>) dst(%dma_wait3A_167 : memref<10240x16xf32, #tpu.memory_space<vmem_shared>>)
      %mul3A_168 = arith.constant 5 : i32
      %mul3A_169 = arith.muli %scan3A_96, %mul3A_168 : i32
      %add3A_170 = arith.constant 1 : i32
      %add3A_171 = arith.addi %mul3A_169, %add3A_170 : i32
      %dma_wait3A_172 = arith.constant 0 : i32
      %dma_wait3A_173 = tpu.memref_slice %arg4[%add3A_171, %dma_wait3A_172] : memref<125x80xi32, #tpu.memory_space<vmem>> -> memref<1x80xi32, #tpu.memory_space<vmem>>
      %dma_wait3A_174 = tpu.memref_squeeze %dma_wait3A_173 : memref<1x80xi32, #tpu.memory_space<vmem>> -> memref<80xi32, #tpu.memory_space<vmem>>
      %dma_wait3A_175 = arith.constant 0 : i32
      %dma_wait3A_176 = arith.constant 0 : i32
      %dma_wait3A_177 = tpu.memref_slice %arg7[%dma_wait3A_175, %dma_wait3A_176] : memref<10240x16xf32, #tpu.memory_space<vmem_shared>> -> memref<10240x16xf32, #tpu.memory_space<vmem_shared>>
      tpu.wait_indirect_dma semaphore(%arg8 : memref<!tpu.dma_semaphore, #tpu.memory_space<semaphore_mem>>) src(%arg5 : memref<80x16xf32, #tpu.memory_space<vmem>>) dst(%dma_wait3A_177 : memref<10240x16xf32, #tpu.memory_space<vmem_shared>>)
      %mul3A_178 = arith.constant 5 : i32
      %mul3A_179 = arith.muli %scan3A_96, %mul3A_178 : i32
      %add3A_180 = arith.constant 2 : i32
      %add3A_181 = arith.addi %mul3A_179, %add3A_180 : i32
      %dma_wait3A_182 = arith.constant 0 : i32
      %dma_wait3A_183 = tpu.memref_slice %arg4[%add3A_181, %dma_wait3A_182] : memref<125x80xi32, #tpu.memory_space<vmem>> -> memref<1x80xi32, #tpu.memory_space<vmem>>
      %dma_wait3A_184 = tpu.memref_squeeze %dma_wait3A_183 : memref<1x80xi32, #tpu.memory_space<vmem>> -> memref<80xi32, #tpu.memory_space<vmem>>
      %dma_wait3A_185 = arith.constant 0 : i32
      %dma_wait3A_186 = arith.constant 0 : i32
      %dma_wait3A_187 = tpu.memref_slice %arg7[%dma_wait3A_185, %dma_wait3A_186] : memref<10240x16xf32, #tpu.memory_space<vmem_shared>> -> memref<10240x16xf32, #tpu.memory_space<vmem_shared>>
      tpu.wait_indirect_dma semaphore(%arg8 : memref<!tpu.dma_semaphore, #tpu.memory_space<semaphore_mem>>) src(%arg5 : memref<80x16xf32, #tpu.memory_space<vmem>>) dst(%dma_wait3A_187 : memref<10240x16xf32, #tpu.memory_space<vmem_shared>>)
      %mul3A_188 = arith.constant 5 : i32
      %mul3A_189 = arith.muli %scan3A_96, %mul3A_188 : i32
      %add3A_190 = arith.constant 3 : i32
      %add3A_191 = arith.addi %mul3A_189, %add3A_190 : i32
      %dma_wait3A_192 = arith.constant 0 : i32
      %dma_wait3A_193 = tpu.memref_slice %arg4[%add3A_191, %dma_wait3A_192] : memref<125x80xi32, #tpu.memory_space<vmem>> -> memref<1x80xi32, #tpu.memory_space<vmem>>
      %dma_wait3A_194 = tpu.memref_squeeze %dma_wait3A_193 : memref<1x80xi32, #tpu.memory_space<vmem>> -> memref<80xi32, #tpu.memory_space<vmem>>
      %dma_wait3A_195 = arith.constant 0 : i32
      %dma_wait3A_196 = arith.constant 0 : i32
      %dma_wait3A_197 = tpu.memref_slice %arg7[%dma_wait3A_195, %dma_wait3A_196] : memref<10240x16xf32, #tpu.memory_space<vmem_shared>> -> memref<10240x16xf32, #tpu.memory_space<vmem_shared>>
      tpu.wait_indirect_dma semaphore(%arg8 : memref<!tpu.dma_semaphore, #tpu.memory_space<semaphore_mem>>) src(%arg5 : memref<80x16xf32, #tpu.memory_space<vmem>>) dst(%dma_wait3A_197 : memref<10240x16xf32, #tpu.memory_space<vmem_shared>>)
      %mul3A_198 = arith.constant 5 : i32
      %mul3A_199 = arith.muli %scan3A_96, %mul3A_198 : i32
      %add3A_200 = arith.constant 4 : i32
      %add3A_201 = arith.addi %mul3A_199, %add3A_200 : i32
      %dma_wait3A_202 = arith.constant 0 : i32
      %dma_wait3A_203 = tpu.memref_slice %arg4[%add3A_201, %dma_wait3A_202] : memref<125x80xi32, #tpu.memory_space<vmem>> -> memref<1x80xi32, #tpu.memory_space<vmem>>
      %dma_wait3A_204 = tpu.memref_squeeze %dma_wait3A_203 : memref<1x80xi32, #tpu.memory_space<vmem>> -> memref<80xi32, #tpu.memory_space<vmem>>
      %dma_wait3A_205 = arith.constant 0 : i32
      %dma_wait3A_206 = arith.constant 0 : i32
      %dma_wait3A_207 = tpu.memref_slice %arg7[%dma_wait3A_205, %dma_wait3A_206] : memref<10240x16xf32, #tpu.memory_space<vmem_shared>> -> memref<10240x16xf32, #tpu.memory_space<vmem_shared>>
      tpu.wait_indirect_dma semaphore(%arg8 : memref<!tpu.dma_semaphore, #tpu.memory_space<semaphore_mem>>) src(%arg5 : memref<80x16xf32, #tpu.memory_space<vmem>>) dst(%dma_wait3A_207 : memref<10240x16xf32, #tpu.memory_space<vmem_shared>>)
      %scan3A_208 = arith.constant 0 : i32
      scf.yield %scan3A_208 : i32
    }
    %scan3A_56 = arith.constant 24 : i32
    %dma_wait3A = arith.constant 120 : i32
    %dma_wait3A_57 = arith.constant 0 : i32
    %dma_wait3A_58 = tpu.memref_slice %arg4[%dma_wait3A, %dma_wait3A_57] : memref<125x80xi32, #tpu.memory_space<vmem>> -> memref<1x80xi32, #tpu.memory_space<vmem>>
    %dma_wait3A_59 = tpu.memref_squeeze %dma_wait3A_58 : memref<1x80xi32, #tpu.memory_space<vmem>> -> memref<80xi32, #tpu.memory_space<vmem>>
    %dma_wait3A_60 = arith.constant 0 : i32
    %dma_wait3A_61 = arith.constant 0 : i32
    %dma_wait3A_62 = tpu.memref_slice %arg7[%dma_wait3A_60, %dma_wait3A_61] : memref<10240x16xf32, #tpu.memory_space<vmem_shared>> -> memref<10240x16xf32, #tpu.memory_space<vmem_shared>>
    tpu.wait_indirect_dma semaphore(%arg8 : memref<!tpu.dma_semaphore, #tpu.memory_space<semaphore_mem>>) src(%arg5 : memref<80x16xf32, #tpu.memory_space<vmem>>) dst(%dma_wait3A_62 : memref<10240x16xf32, #tpu.memory_space<vmem_shared>>)
    %dma_wait3A_63 = arith.constant 121 : i32
    %dma_wait3A_64 = arith.constant 0 : i32
    %dma_wait3A_65 = tpu.memref_slice %arg4[%dma_wait3A_63, %dma_wait3A_64] : memref<125x80xi32, #tpu.memory_space<vmem>> -> memref<1x80xi32, #tpu.memory_space<vmem>>
    %dma_wait3A_66 = tpu.memref_squeeze %dma_wait3A_65 : memref<1x80xi32, #tpu.memory_space<vmem>> -> memref<80xi32, #tpu.memory_space<vmem>>
    %dma_wait3A_67 = arith.constant 0 : i32
    %dma_wait3A_68 = arith.constant 0 : i32
    %dma_wait3A_69 = tpu.memref_slice %arg7[%dma_wait3A_67, %dma_wait3A_68] : memref<10240x16xf32, #tpu.memory_space<vmem_shared>> -> memref<10240x16xf32, #tpu.memory_space<vmem_shared>>
    tpu.wait_indirect_dma semaphore(%arg8 : memref<!tpu.dma_semaphore, #tpu.memory_space<semaphore_mem>>) src(%arg5 : memref<80x16xf32, #tpu.memory_space<vmem>>) dst(%dma_wait3A_69 : memref<10240x16xf32, #tpu.memory_space<vmem_shared>>)
    %dma_wait3A_70 = arith.constant 122 : i32
    %dma_wait3A_71 = arith.constant 0 : i32
    %dma_wait3A_72 = tpu.memref_slice %arg4[%dma_wait3A_70, %dma_wait3A_71] : memref<125x80xi32, #tpu.memory_space<vmem>> -> memref<1x80xi32, #tpu.memory_space<vmem>>
    %dma_wait3A_73 = tpu.memref_squeeze %dma_wait3A_72 : memref<1x80xi32, #tpu.memory_space<vmem>> -> memref<80xi32, #tpu.memory_space<vmem>>
    %dma_wait3A_74 = arith.constant 0 : i32
    %dma_wait3A_75 = arith.constant 0 : i32
    %dma_wait3A_76 = tpu.memref_slice %arg7[%dma_wait3A_74, %dma_wait3A_75] : memref<10240x16xf32, #tpu.memory_space<vmem_shared>> -> memref<10240x16xf32, #tpu.memory_space<vmem_shared>>
    tpu.wait_indirect_dma semaphore(%arg8 : memref<!tpu.dma_semaphore, #tpu.memory_space<semaphore_mem>>) src(%arg5 : memref<80x16xf32, #tpu.memory_space<vmem>>) dst(%dma_wait3A_76 : memref<10240x16xf32, #tpu.memory_space<vmem_shared>>)
    %dma_wait3A_77 = arith.constant 123 : i32
    %dma_wait3A_78 = arith.constant 0 : i32
    %dma_wait3A_79 = tpu.memref_slice %arg4[%dma_wait3A_77, %dma_wait3A_78] : memref<125x80xi32, #tpu.memory_space<vmem>> -> memref<1x80xi32, #tpu.memory_space<vmem>>
    %dma_wait3A_80 = tpu.memref_squeeze %dma_wait3A_79 : memref<1x80xi32, #tpu.memory_space<vmem>> -> memref<80xi32, #tpu.memory_space<vmem>>
    %dma_wait3A_81 = arith.constant 0 : i32
    %dma_wait3A_82 = arith.constant 0 : i32
    %dma_wait3A_83 = tpu.memref_slice %arg7[%dma_wait3A_81, %dma_wait3A_82] : memref<10240x16xf32, #tpu.memory_space<vmem_shared>> -> memref<10240x16xf32, #tpu.memory_space<vmem_shared>>
    tpu.wait_indirect_dma semaphore(%arg8 : memref<!tpu.dma_semaphore, #tpu.memory_space<semaphore_mem>>) src(%arg5 : memref<80x16xf32, #tpu.memory_space<vmem>>) dst(%dma_wait3A_83 : memref<10240x16xf32, #tpu.memory_space<vmem_shared>>)
    %dma_wait3A_84 = arith.constant 124 : i32
    %dma_wait3A_85 = arith.constant 0 : i32
    %dma_wait3A_86 = tpu.memref_slice %arg4[%dma_wait3A_84, %dma_wait3A_85] : memref<125x80xi32, #tpu.memory_space<vmem>> -> memref<1x80xi32, #tpu.memory_space<vmem>>
    %dma_wait3A_87 = tpu.memref_squeeze %dma_wait3A_86 : memref<1x80xi32, #tpu.memory_space<vmem>> -> memref<80xi32, #tpu.memory_space<vmem>>
    %dma_wait3A_88 = arith.constant 0 : i32
    %dma_wait3A_89 = arith.constant 0 : i32
    %dma_wait3A_90 = tpu.memref_slice %arg7[%dma_wait3A_88, %dma_wait3A_89] : memref<10240x16xf32, #tpu.memory_space<vmem_shared>> -> memref<10240x16xf32, #tpu.memory_space<vmem_shared>>
    tpu.wait_indirect_dma semaphore(%arg8 : memref<!tpu.dma_semaphore, #tpu.memory_space<semaphore_mem>>) src(%arg5 : memref<80x16xf32, #tpu.memory_space<vmem>>) dst(%dma_wait3A_90 : memref<10240x16xf32, #tpu.memory_space<vmem_shared>>)
    %barrier3A_91 = arith.constant 0 : index
    tpu.barrier barrier_id(%barrier3A_91)
    %mul3A_92 = arith.constant 640 : i32
    %mul3A_93 = arith.muli %arg1, %mul3A_92 : i32
    %mul3A_94 = arith.constant 640 : i32
    %mul3A_95 = arith.muli %arg1, %mul3A_94 : i32
    "tpu.region"() ({
      %run_scoped3A = tpu.sem_alloc : memref<!tpu.dma_semaphore, #tpu.memory_space<semaphore_mem>>
      %dma_start3A_96 = arith.constant 0 : i32
      %dma_start3A_97 = tpu.memref_slice %arg3[%arg0, %mul3A_95, %dma_start3A_96] : memref<2x10240x16xf32, #tpu.memory_space<hbm>> -> memref<1x640x16xf32, #tpu.memory_space<hbm>>
      %dma_start3A_98 = tpu.memref_squeeze %dma_start3A_97 : memref<1x640x16xf32, #tpu.memory_space<hbm>> -> memref<640x16xf32, #tpu.memory_space<hbm>>
      %dma_start3A_99 = arith.constant 0 : i32
      %dma_start3A_100 = tpu.memref_slice %arg7[%mul3A_93, %dma_start3A_99] : memref<10240x16xf32, #tpu.memory_space<vmem_shared>> -> memref<640x16xf32, #tpu.memory_space<vmem_shared>>
      tpu.enqueue_dma source(%dma_start3A_100 : memref<640x16xf32, #tpu.memory_space<vmem_shared>>) target(%dma_start3A_98 : memref<640x16xf32, #tpu.memory_space<hbm>>) target_semaphore(%run_scoped3A : memref<!tpu.dma_semaphore, #tpu.memory_space<semaphore_mem>>)
      %dma_wait3A_101 = arith.constant 0 : i32
      %dma_wait3A_102 = tpu.memref_slice %arg3[%arg0, %mul3A_95, %dma_wait3A_101] : memref<2x10240x16xf32, #tpu.memory_space<hbm>> -> memref<1x640x16xf32, #tpu.memory_space<hbm>>
      %dma_wait3A_103 = tpu.memref_squeeze %dma_wait3A_102 : memref<1x640x16xf32, #tpu.memory_space<hbm>> -> memref<640x16xf32, #tpu.memory_space<hbm>>
      %dma_wait3A_104 = arith.constant 0 : i32
      %dma_wait3A_105 = tpu.memref_slice %arg7[%mul3A_93, %dma_wait3A_104] : memref<10240x16xf32, #tpu.memory_space<vmem_shared>> -> memref<640x16xf32, #tpu.memory_space<vmem_shared>>
      tpu.wait_dma2 semaphore(%run_scoped3A : memref<!tpu.dma_semaphore, #tpu.memory_space<semaphore_mem>>) src(%dma_wait3A_105 : memref<640x16xf32, #tpu.memory_space<vmem_shared>>) dst(%dma_wait3A_103 : memref<640x16xf32, #tpu.memory_space<hbm>>)
      tpu.yield
    }) : () -> ()
    return
  }
}

#map = affine_map<(d0, d1) -> (0, 0)>
#map1 = affine_map<(d0, d1) -> (0, 0, 0)>
module attributes {stable_mosaic.version = 14 : i64} {
  func.func @_prop_body(%arg0: i32, %arg1: i32, %arg2: memref<10240x128xf32, #tpu.memory_space<hbm>>, %arg3: memref<32x125x80xi32, #tpu.memory_space<hbm>>, %arg4: memref<32x125x80xi32, #tpu.memory_space<hbm>>, %arg5: memref<2x10240x128xf32, #tpu.memory_space<hbm>>, %arg6: memref<125x80xi32, #tpu.memory_space<vmem>>, %arg7: memref<125x80xi32, #tpu.memory_space<vmem>>, %arg8: memref<2x80x128xf32, #tpu.memory_space<vmem>>, %arg9: memref<10240x128xf32, #tpu.memory_space<vmem_shared>>, %arg10: memref<!tpu.dma_semaphore, #tpu.memory_space<semaphore_mem>>, %arg11: memref<!tpu.dma_semaphore, #tpu.memory_space<semaphore_mem>>, %arg12: memref<!tpu.dma_semaphore, #tpu.memory_space<semaphore_mem>>, %arg13: memref<!tpu.dma_semaphore, #tpu.memory_space<semaphore_mem>>) attributes {dimension_semantics = [#tpu.dimension_semantics<core_parallel>, #tpu.dimension_semantics<subcore_parallel>], iteration_bounds = array<i64: 2, 16>, scalar_prefetch = 0 : i64, scratch_operands = 8 : i64, tpu.core_type = #tpu.core_type<sc_vector_subcore>, window_params = [{transform_indices = #map}, {transform_indices = #map1}, {transform_indices = #map1}, {transform_indices = #map1}]} {
    %mul3A = arith.constant 16 : i32
    %mul3A_0 = arith.muli %arg0, %mul3A : i32
    %add3A = arith.addi %mul3A_0, %arg1 : i32
    %mul3A_1 = arith.constant 640 : i32
    %mul3A_2 = arith.muli %arg1, %mul3A_1 : i32
    %mul3A_3 = arith.constant 640 : i32
    %mul3A_4 = arith.muli %arg1, %mul3A_3 : i32
    "tpu.region"() ({
      %run_scoped3A = tpu.sem_alloc : memref<!tpu.dma_semaphore, #tpu.memory_space<semaphore_mem>>
      %dma_start3A_86 = arith.constant 0 : i32
      %dma_start3A_87 = tpu.memref_slice %arg9[%mul3A_4, %dma_start3A_86] : memref<10240x128xf32, #tpu.memory_space<vmem_shared>> -> memref<640x128xf32, #tpu.memory_space<vmem_shared>>
      %dma_start3A_88 = arith.constant 0 : i32
      %dma_start3A_89 = tpu.memref_slice %arg2[%mul3A_2, %dma_start3A_88] : memref<10240x128xf32, #tpu.memory_space<hbm>> -> memref<640x128xf32, #tpu.memory_space<hbm>>
      tpu.enqueue_dma source(%dma_start3A_89 : memref<640x128xf32, #tpu.memory_space<hbm>>) target(%dma_start3A_87 : memref<640x128xf32, #tpu.memory_space<vmem_shared>>) target_semaphore(%run_scoped3A : memref<!tpu.dma_semaphore, #tpu.memory_space<semaphore_mem>>)
      %dma_wait3A_90 = arith.constant 0 : i32
      %dma_wait3A_91 = tpu.memref_slice %arg9[%mul3A_4, %dma_wait3A_90] : memref<10240x128xf32, #tpu.memory_space<vmem_shared>> -> memref<640x128xf32, #tpu.memory_space<vmem_shared>>
      %dma_wait3A_92 = arith.constant 0 : i32
      %dma_wait3A_93 = tpu.memref_slice %arg2[%mul3A_2, %dma_wait3A_92] : memref<10240x128xf32, #tpu.memory_space<hbm>> -> memref<640x128xf32, #tpu.memory_space<hbm>>
      tpu.wait_dma2 semaphore(%run_scoped3A : memref<!tpu.dma_semaphore, #tpu.memory_space<semaphore_mem>>) src(%dma_wait3A_93 : memref<640x128xf32, #tpu.memory_space<hbm>>) dst(%dma_wait3A_91 : memref<640x128xf32, #tpu.memory_space<vmem_shared>>)
      tpu.yield
    }) : () -> ()
    "tpu.region"() ({
      %run_scoped3A = tpu.sem_alloc : memref<!tpu.dma_semaphore, #tpu.memory_space<semaphore_mem>>
      %dma_start3A_86 = arith.constant 0 : i32
      %dma_start3A_87 = arith.constant 0 : i32
      %dma_start3A_88 = tpu.memref_slice %arg3[%add3A, %dma_start3A_86, %dma_start3A_87] : memref<32x125x80xi32, #tpu.memory_space<hbm>> -> memref<1x125x80xi32, #tpu.memory_space<hbm>>
      %dma_start3A_89 = tpu.memref_squeeze %dma_start3A_88 : memref<1x125x80xi32, #tpu.memory_space<hbm>> -> memref<125x80xi32, #tpu.memory_space<hbm>>
      %dma_start3A_90 = arith.constant 0 : i32
      %dma_start3A_91 = arith.constant 0 : i32
      %dma_start3A_92 = tpu.memref_slice %arg3[%add3A, %dma_start3A_90, %dma_start3A_91] : memref<32x125x80xi32, #tpu.memory_space<hbm>> -> memref<1x125x80xi32, #tpu.memory_space<hbm>>
      %dma_start3A_93 = tpu.memref_squeeze %dma_start3A_92 : memref<1x125x80xi32, #tpu.memory_space<hbm>> -> memref<125x80xi32, #tpu.memory_space<hbm>>
      tpu.enqueue_dma source(%dma_start3A_93 : memref<125x80xi32, #tpu.memory_space<hbm>>) target(%arg6 : memref<125x80xi32, #tpu.memory_space<vmem>>) target_semaphore(%run_scoped3A : memref<!tpu.dma_semaphore, #tpu.memory_space<semaphore_mem>>)
      %dma_wait3A_94 = arith.constant 0 : i32
      %dma_wait3A_95 = arith.constant 0 : i32
      %dma_wait3A_96 = tpu.memref_slice %arg3[%add3A, %dma_wait3A_94, %dma_wait3A_95] : memref<32x125x80xi32, #tpu.memory_space<hbm>> -> memref<1x125x80xi32, #tpu.memory_space<hbm>>
      %dma_wait3A_97 = tpu.memref_squeeze %dma_wait3A_96 : memref<1x125x80xi32, #tpu.memory_space<hbm>> -> memref<125x80xi32, #tpu.memory_space<hbm>>
      %dma_wait3A_98 = arith.constant 0 : i32
      %dma_wait3A_99 = arith.constant 0 : i32
      %dma_wait3A_100 = tpu.memref_slice %arg3[%add3A, %dma_wait3A_98, %dma_wait3A_99] : memref<32x125x80xi32, #tpu.memory_space<hbm>> -> memref<1x125x80xi32, #tpu.memory_space<hbm>>
      %dma_wait3A_101 = tpu.memref_squeeze %dma_wait3A_100 : memref<1x125x80xi32, #tpu.memory_space<hbm>> -> memref<125x80xi32, #tpu.memory_space<hbm>>
      tpu.wait_dma2 semaphore(%run_scoped3A : memref<!tpu.dma_semaphore, #tpu.memory_space<semaphore_mem>>) src(%dma_wait3A_101 : memref<125x80xi32, #tpu.memory_space<hbm>>) dst(%arg6 : memref<125x80xi32, #tpu.memory_space<vmem>>)
      tpu.yield
    }) : () -> ()
    "tpu.region"() ({
      %run_scoped3A = tpu.sem_alloc : memref<!tpu.dma_semaphore, #tpu.memory_space<semaphore_mem>>
      %dma_start3A_86 = arith.constant 0 : i32
      %dma_start3A_87 = arith.constant 0 : i32
      %dma_start3A_88 = tpu.memref_slice %arg4[%add3A, %dma_start3A_86, %dma_start3A_87] : memref<32x125x80xi32, #tpu.memory_space<hbm>> -> memref<1x125x80xi32, #tpu.memory_space<hbm>>
      %dma_start3A_89 = tpu.memref_squeeze %dma_start3A_88 : memref<1x125x80xi32, #tpu.memory_space<hbm>> -> memref<125x80xi32, #tpu.memory_space<hbm>>
      %dma_start3A_90 = arith.constant 0 : i32
      %dma_start3A_91 = arith.constant 0 : i32
      %dma_start3A_92 = tpu.memref_slice %arg4[%add3A, %dma_start3A_90, %dma_start3A_91] : memref<32x125x80xi32, #tpu.memory_space<hbm>> -> memref<1x125x80xi32, #tpu.memory_space<hbm>>
      %dma_start3A_93 = tpu.memref_squeeze %dma_start3A_92 : memref<1x125x80xi32, #tpu.memory_space<hbm>> -> memref<125x80xi32, #tpu.memory_space<hbm>>
      tpu.enqueue_dma source(%dma_start3A_93 : memref<125x80xi32, #tpu.memory_space<hbm>>) target(%arg7 : memref<125x80xi32, #tpu.memory_space<vmem>>) target_semaphore(%run_scoped3A : memref<!tpu.dma_semaphore, #tpu.memory_space<semaphore_mem>>)
      %dma_wait3A_94 = arith.constant 0 : i32
      %dma_wait3A_95 = arith.constant 0 : i32
      %dma_wait3A_96 = tpu.memref_slice %arg4[%add3A, %dma_wait3A_94, %dma_wait3A_95] : memref<32x125x80xi32, #tpu.memory_space<hbm>> -> memref<1x125x80xi32, #tpu.memory_space<hbm>>
      %dma_wait3A_97 = tpu.memref_squeeze %dma_wait3A_96 : memref<1x125x80xi32, #tpu.memory_space<hbm>> -> memref<125x80xi32, #tpu.memory_space<hbm>>
      %dma_wait3A_98 = arith.constant 0 : i32
      %dma_wait3A_99 = arith.constant 0 : i32
      %dma_wait3A_100 = tpu.memref_slice %arg4[%add3A, %dma_wait3A_98, %dma_wait3A_99] : memref<32x125x80xi32, #tpu.memory_space<hbm>> -> memref<1x125x80xi32, #tpu.memory_space<hbm>>
      %dma_wait3A_101 = tpu.memref_squeeze %dma_wait3A_100 : memref<1x125x80xi32, #tpu.memory_space<hbm>> -> memref<125x80xi32, #tpu.memory_space<hbm>>
      tpu.wait_dma2 semaphore(%run_scoped3A : memref<!tpu.dma_semaphore, #tpu.memory_space<semaphore_mem>>) src(%dma_wait3A_101 : memref<125x80xi32, #tpu.memory_space<hbm>>) dst(%arg7 : memref<125x80xi32, #tpu.memory_space<vmem>>)
      tpu.yield
    }) : () -> ()
    %barrier3A = arith.constant 0 : index
    tpu.barrier barrier_id(%barrier3A)
    %dma_start3A = arith.constant 0 : i32
    %dma_start3A_5 = arith.constant 0 : i32
    %dma_start3A_6 = arith.constant 0 : i32
    %dma_start3A_7 = arith.constant 0 : i32
    %dma_start3A_8 = tpu.memref_slice %arg8[%dma_start3A_5, %dma_start3A_6, %dma_start3A_7] : memref<2x80x128xf32, #tpu.memory_space<vmem>> -> memref<1x80x128xf32, #tpu.memory_space<vmem>>
    %dma_start3A_9 = tpu.memref_squeeze %dma_start3A_8 : memref<1x80x128xf32, #tpu.memory_space<vmem>> -> memref<80x128xf32, #tpu.memory_space<vmem>>
    %dma_start3A_10 = arith.constant 0 : i32
    %dma_start3A_11 = tpu.memref_slice %arg6[%dma_start3A, %dma_start3A_10] : memref<125x80xi32, #tpu.memory_space<vmem>> -> memref<1x80xi32, #tpu.memory_space<vmem>>
    %dma_start3A_12 = tpu.memref_squeeze %dma_start3A_11 : memref<1x80xi32, #tpu.memory_space<vmem>> -> memref<80xi32, #tpu.memory_space<vmem>>
    %dma_start3A_13 = arith.constant 0 : i32
    %dma_start3A_14 = arith.constant 0 : i32
    %dma_start3A_15 = tpu.memref_slice %arg2[%dma_start3A_13, %dma_start3A_14] : memref<10240x128xf32, #tpu.memory_space<hbm>> -> memref<10240x128xf32, #tpu.memory_space<hbm>>
    tpu.enqueue_indirect_dma source(%dma_start3A_15 : memref<10240x128xf32, #tpu.memory_space<hbm>>) target(%dma_start3A_9 : memref<80x128xf32, #tpu.memory_space<vmem>>) offsets(%dma_start3A_12 : memref<80xi32, #tpu.memory_space<vmem>>) semaphore(%arg10 : memref<!tpu.dma_semaphore, #tpu.memory_space<semaphore_mem>>)
    %dma_start3A_16 = arith.constant 1 : i32
    %dma_start3A_17 = arith.constant 1 : i32
    %dma_start3A_18 = arith.constant 0 : i32
    %dma_start3A_19 = arith.constant 0 : i32
    %dma_start3A_20 = tpu.memref_slice %arg8[%dma_start3A_17, %dma_start3A_18, %dma_start3A_19] : memref<2x80x128xf32, #tpu.memory_space<vmem>> -> memref<1x80x128xf32, #tpu.memory_space<vmem>>
    %dma_start3A_21 = tpu.memref_squeeze %dma_start3A_20 : memref<1x80x128xf32, #tpu.memory_space<vmem>> -> memref<80x128xf32, #tpu.memory_space<vmem>>
    %dma_start3A_22 = arith.constant 0 : i32
    %dma_start3A_23 = tpu.memref_slice %arg6[%dma_start3A_16, %dma_start3A_22] : memref<125x80xi32, #tpu.memory_space<vmem>> -> memref<1x80xi32, #tpu.memory_space<vmem>>
    %dma_start3A_24 = tpu.memref_squeeze %dma_start3A_23 : memref<1x80xi32, #tpu.memory_space<vmem>> -> memref<80xi32, #tpu.memory_space<vmem>>
    %dma_start3A_25 = arith.constant 0 : i32
    %dma_start3A_26 = arith.constant 0 : i32
    %dma_start3A_27 = tpu.memref_slice %arg2[%dma_start3A_25, %dma_start3A_26] : memref<10240x128xf32, #tpu.memory_space<hbm>> -> memref<10240x128xf32, #tpu.memory_space<hbm>>
    tpu.enqueue_indirect_dma source(%dma_start3A_27 : memref<10240x128xf32, #tpu.memory_space<hbm>>) target(%dma_start3A_21 : memref<80x128xf32, #tpu.memory_space<vmem>>) offsets(%dma_start3A_24 : memref<80xi32, #tpu.memory_space<vmem>>) semaphore(%arg11 : memref<!tpu.dma_semaphore, #tpu.memory_space<semaphore_mem>>)
    %scan3A = arith.constant 0 : i32
    %scan3A_28 = arith.constant 0 : i32
    %scan3A_29 = arith.constant 62 : i32
    %scan3A_30 = arith.addi %scan3A_28, %scan3A_29 : i32
    %scan3A_31 = arith.constant 1 : i32
    %scan3A_32 = scf.for %scan3A_86 = %scan3A_28 to %scan3A_30 step %scan3A_31 iter_args(%scan3A_87 = %scan3A) -> (i32)  : i32 {
      %mul3A_88 = arith.constant 2 : i32
      %mul3A_89 = arith.muli %mul3A_88, %scan3A_86 : i32
      %mul3A_90 = arith.constant 1 : i32
      %mul3A_91 = arith.muli %mul3A_89, %mul3A_90 : i32
      %add3A_92 = arith.constant 1 : i32
      %add3A_93 = arith.addi %mul3A_91, %add3A_92 : i32
      %add3A_94 = arith.constant 3 : i32
      %add3A_95 = arith.addi %mul3A_91, %add3A_94 : i32
      %ge3A = arith.constant 125 : i32
      %ge3A_96 = arith.cmpi sge, %add3A_95, %ge3A : i32
      %add3A_97 = arith.constant 3 : i32
      %add3A_98 = arith.addi %mul3A_91, %add3A_97 : i32
      %jit3A = arith.constant 0 : i32
      %select_n3A = arith.select %ge3A_96, %jit3A, %add3A_98 : i32
      %add3A_99 = arith.constant 2 : i32
      %add3A_100 = arith.addi %mul3A_91, %add3A_99 : i32
      %add3A_101 = arith.constant 0 : i32
      %add3A_102 = arith.addi %mul3A_91, %add3A_101 : i32
      %dma_wait3A_103 = arith.constant 0 : i32
      %dma_wait3A_104 = arith.constant 0 : i32
      %dma_wait3A_105 = arith.constant 0 : i32
      %dma_wait3A_106 = tpu.memref_slice %arg8[%dma_wait3A_103, %dma_wait3A_104, %dma_wait3A_105] : memref<2x80x128xf32, #tpu.memory_space<vmem>> -> memref<1x80x128xf32, #tpu.memory_space<vmem>>
      %dma_wait3A_107 = tpu.memref_squeeze %dma_wait3A_106 : memref<1x80x128xf32, #tpu.memory_space<vmem>> -> memref<80x128xf32, #tpu.memory_space<vmem>>
      %dma_wait3A_108 = arith.constant 0 : i32
      %dma_wait3A_109 = tpu.memref_slice %arg6[%add3A_102, %dma_wait3A_108] : memref<125x80xi32, #tpu.memory_space<vmem>> -> memref<1x80xi32, #tpu.memory_space<vmem>>
      %dma_wait3A_110 = tpu.memref_squeeze %dma_wait3A_109 : memref<1x80xi32, #tpu.memory_space<vmem>> -> memref<80xi32, #tpu.memory_space<vmem>>
      %dma_wait3A_111 = arith.constant 0 : i32
      %dma_wait3A_112 = arith.constant 0 : i32
      %dma_wait3A_113 = tpu.memref_slice %arg2[%dma_wait3A_111, %dma_wait3A_112] : memref<10240x128xf32, #tpu.memory_space<hbm>> -> memref<10240x128xf32, #tpu.memory_space<hbm>>
      tpu.wait_indirect_dma semaphore(%arg10 : memref<!tpu.dma_semaphore, #tpu.memory_space<semaphore_mem>>) src(%dma_wait3A_113 : memref<10240x128xf32, #tpu.memory_space<hbm>>) dst(%dma_wait3A_107 : memref<80x128xf32, #tpu.memory_space<vmem>>)
      %add3A_114 = arith.constant 0 : i32
      %add3A_115 = arith.addi %mul3A_91, %add3A_114 : i32
      %dma_start3A_116 = arith.constant 0 : i32
      %dma_start3A_117 = arith.constant 0 : i32
      %dma_start3A_118 = arith.constant 0 : i32
      %dma_start3A_119 = tpu.memref_slice %arg8[%dma_start3A_116, %dma_start3A_117, %dma_start3A_118] : memref<2x80x128xf32, #tpu.memory_space<vmem>> -> memref<1x80x128xf32, #tpu.memory_space<vmem>>
      %dma_start3A_120 = tpu.memref_squeeze %dma_start3A_119 : memref<1x80x128xf32, #tpu.memory_space<vmem>> -> memref<80x128xf32, #tpu.memory_space<vmem>>
      %dma_start3A_121 = arith.constant 0 : i32
      %dma_start3A_122 = tpu.memref_slice %arg7[%add3A_115, %dma_start3A_121] : memref<125x80xi32, #tpu.memory_space<vmem>> -> memref<1x80xi32, #tpu.memory_space<vmem>>
      %dma_start3A_123 = tpu.memref_squeeze %dma_start3A_122 : memref<1x80xi32, #tpu.memory_space<vmem>> -> memref<80xi32, #tpu.memory_space<vmem>>
      %dma_start3A_124 = arith.constant 0 : i32
      %dma_start3A_125 = arith.constant 0 : i32
      %dma_start3A_126 = tpu.memref_slice %arg9[%dma_start3A_124, %dma_start3A_125] : memref<10240x128xf32, #tpu.memory_space<vmem_shared>> -> memref<10240x128xf32, #tpu.memory_space<vmem_shared>>
      tpu.enqueue_indirect_dma source(%dma_start3A_120 : memref<80x128xf32, #tpu.memory_space<vmem>>) target(%dma_start3A_126 : memref<10240x128xf32, #tpu.memory_space<vmem_shared>>) offsets(%dma_start3A_123 : memref<80xi32, #tpu.memory_space<vmem>>) semaphore(%arg12 : memref<!tpu.dma_semaphore, #tpu.memory_space<semaphore_mem>>) {add = true}
      %add3A_127 = arith.constant 0 : i32
      %add3A_128 = arith.addi %mul3A_91, %add3A_127 : i32
      %dma_wait3A_129 = arith.constant 0 : i32
      %dma_wait3A_130 = arith.constant 0 : i32
      %dma_wait3A_131 = arith.constant 0 : i32
      %dma_wait3A_132 = tpu.memref_slice %arg8[%dma_wait3A_129, %dma_wait3A_130, %dma_wait3A_131] : memref<2x80x128xf32, #tpu.memory_space<vmem>> -> memref<1x80x128xf32, #tpu.memory_space<vmem>>
      %dma_wait3A_133 = tpu.memref_squeeze %dma_wait3A_132 : memref<1x80x128xf32, #tpu.memory_space<vmem>> -> memref<80x128xf32, #tpu.memory_space<vmem>>
      %dma_wait3A_134 = arith.constant 0 : i32
      %dma_wait3A_135 = tpu.memref_slice %arg7[%add3A_128, %dma_wait3A_134] : memref<125x80xi32, #tpu.memory_space<vmem>> -> memref<1x80xi32, #tpu.memory_space<vmem>>
      %dma_wait3A_136 = tpu.memref_squeeze %dma_wait3A_135 : memref<1x80xi32, #tpu.memory_space<vmem>> -> memref<80xi32, #tpu.memory_space<vmem>>
      %dma_wait3A_137 = arith.constant 0 : i32
      %dma_wait3A_138 = arith.constant 0 : i32
      %dma_wait3A_139 = tpu.memref_slice %arg9[%dma_wait3A_137, %dma_wait3A_138] : memref<10240x128xf32, #tpu.memory_space<vmem_shared>> -> memref<10240x128xf32, #tpu.memory_space<vmem_shared>>
      tpu.wait_indirect_dma semaphore(%arg12 : memref<!tpu.dma_semaphore, #tpu.memory_space<semaphore_mem>>) src(%dma_wait3A_133 : memref<80x128xf32, #tpu.memory_space<vmem>>) dst(%dma_wait3A_139 : memref<10240x128xf32, #tpu.memory_space<vmem_shared>>)
      %add3A_140 = arith.constant 0 : i32
      %add3A_141 = arith.addi %add3A_100, %add3A_140 : i32
      %dma_start3A_142 = arith.constant 0 : i32
      %dma_start3A_143 = arith.constant 0 : i32
      %dma_start3A_144 = arith.constant 0 : i32
      %dma_start3A_145 = tpu.memref_slice %arg8[%dma_start3A_142, %dma_start3A_143, %dma_start3A_144] : memref<2x80x128xf32, #tpu.memory_space<vmem>> -> memref<1x80x128xf32, #tpu.memory_space<vmem>>
      %dma_start3A_146 = tpu.memref_squeeze %dma_start3A_145 : memref<1x80x128xf32, #tpu.memory_space<vmem>> -> memref<80x128xf32, #tpu.memory_space<vmem>>
      %dma_start3A_147 = arith.constant 0 : i32
      %dma_start3A_148 = tpu.memref_slice %arg6[%add3A_141, %dma_start3A_147] : memref<125x80xi32, #tpu.memory_space<vmem>> -> memref<1x80xi32, #tpu.memory_space<vmem>>
      %dma_start3A_149 = tpu.memref_squeeze %dma_start3A_148 : memref<1x80xi32, #tpu.memory_space<vmem>> -> memref<80xi32, #tpu.memory_space<vmem>>
      %dma_start3A_150 = arith.constant 0 : i32
      %dma_start3A_151 = arith.constant 0 : i32
      %dma_start3A_152 = tpu.memref_slice %arg2[%dma_start3A_150, %dma_start3A_151] : memref<10240x128xf32, #tpu.memory_space<hbm>> -> memref<10240x128xf32, #tpu.memory_space<hbm>>
      tpu.enqueue_indirect_dma source(%dma_start3A_152 : memref<10240x128xf32, #tpu.memory_space<hbm>>) target(%dma_start3A_146 : memref<80x128xf32, #tpu.memory_space<vmem>>) offsets(%dma_start3A_149 : memref<80xi32, #tpu.memory_space<vmem>>) semaphore(%arg10 : memref<!tpu.dma_semaphore, #tpu.memory_space<semaphore_mem>>)
      %add3A_153 = arith.constant 0 : i32
      %add3A_154 = arith.addi %add3A_93, %add3A_153 : i32
      %dma_wait3A_155 = arith.constant 1 : i32
      %dma_wait3A_156 = arith.constant 0 : i32
      %dma_wait3A_157 = arith.constant 0 : i32
      %dma_wait3A_158 = tpu.memref_slice %arg8[%dma_wait3A_155, %dma_wait3A_156, %dma_wait3A_157] : memref<2x80x128xf32, #tpu.memory_space<vmem>> -> memref<1x80x128xf32, #tpu.memory_space<vmem>>
      %dma_wait3A_159 = tpu.memref_squeeze %dma_wait3A_158 : memref<1x80x128xf32, #tpu.memory_space<vmem>> -> memref<80x128xf32, #tpu.memory_space<vmem>>
      %dma_wait3A_160 = arith.constant 0 : i32
      %dma_wait3A_161 = tpu.memref_slice %arg6[%add3A_154, %dma_wait3A_160] : memref<125x80xi32, #tpu.memory_space<vmem>> -> memref<1x80xi32, #tpu.memory_space<vmem>>
      %dma_wait3A_162 = tpu.memref_squeeze %dma_wait3A_161 : memref<1x80xi32, #tpu.memory_space<vmem>> -> memref<80xi32, #tpu.memory_space<vmem>>
      %dma_wait3A_163 = arith.constant 0 : i32
      %dma_wait3A_164 = arith.constant 0 : i32
      %dma_wait3A_165 = tpu.memref_slice %arg2[%dma_wait3A_163, %dma_wait3A_164] : memref<10240x128xf32, #tpu.memory_space<hbm>> -> memref<10240x128xf32, #tpu.memory_space<hbm>>
      tpu.wait_indirect_dma semaphore(%arg11 : memref<!tpu.dma_semaphore, #tpu.memory_space<semaphore_mem>>) src(%dma_wait3A_165 : memref<10240x128xf32, #tpu.memory_space<hbm>>) dst(%dma_wait3A_159 : memref<80x128xf32, #tpu.memory_space<vmem>>)
      %add3A_166 = arith.constant 0 : i32
      %add3A_167 = arith.addi %add3A_93, %add3A_166 : i32
      %dma_start3A_168 = arith.constant 1 : i32
      %dma_start3A_169 = arith.constant 0 : i32
      %dma_start3A_170 = arith.constant 0 : i32
      %dma_start3A_171 = tpu.memref_slice %arg8[%dma_start3A_168, %dma_start3A_169, %dma_start3A_170] : memref<2x80x128xf32, #tpu.memory_space<vmem>> -> memref<1x80x128xf32, #tpu.memory_space<vmem>>
      %dma_start3A_172 = tpu.memref_squeeze %dma_start3A_171 : memref<1x80x128xf32, #tpu.memory_space<vmem>> -> memref<80x128xf32, #tpu.memory_space<vmem>>
      %dma_start3A_173 = arith.constant 0 : i32
      %dma_start3A_174 = tpu.memref_slice %arg7[%add3A_167, %dma_start3A_173] : memref<125x80xi32, #tpu.memory_space<vmem>> -> memref<1x80xi32, #tpu.memory_space<vmem>>
      %dma_start3A_175 = tpu.memref_squeeze %dma_start3A_174 : memref<1x80xi32, #tpu.memory_space<vmem>> -> memref<80xi32, #tpu.memory_space<vmem>>
      %dma_start3A_176 = arith.constant 0 : i32
      %dma_start3A_177 = arith.constant 0 : i32
      %dma_start3A_178 = tpu.memref_slice %arg9[%dma_start3A_176, %dma_start3A_177] : memref<10240x128xf32, #tpu.memory_space<vmem_shared>> -> memref<10240x128xf32, #tpu.memory_space<vmem_shared>>
      tpu.enqueue_indirect_dma source(%dma_start3A_172 : memref<80x128xf32, #tpu.memory_space<vmem>>) target(%dma_start3A_178 : memref<10240x128xf32, #tpu.memory_space<vmem_shared>>) offsets(%dma_start3A_175 : memref<80xi32, #tpu.memory_space<vmem>>) semaphore(%arg13 : memref<!tpu.dma_semaphore, #tpu.memory_space<semaphore_mem>>) {add = true}
      %add3A_179 = arith.constant 0 : i32
      %add3A_180 = arith.addi %add3A_93, %add3A_179 : i32
      %dma_wait3A_181 = arith.constant 1 : i32
      %dma_wait3A_182 = arith.constant 0 : i32
      %dma_wait3A_183 = arith.constant 0 : i32
      %dma_wait3A_184 = tpu.memref_slice %arg8[%dma_wait3A_181, %dma_wait3A_182, %dma_wait3A_183] : memref<2x80x128xf32, #tpu.memory_space<vmem>> -> memref<1x80x128xf32, #tpu.memory_space<vmem>>
      %dma_wait3A_185 = tpu.memref_squeeze %dma_wait3A_184 : memref<1x80x128xf32, #tpu.memory_space<vmem>> -> memref<80x128xf32, #tpu.memory_space<vmem>>
      %dma_wait3A_186 = arith.constant 0 : i32
      %dma_wait3A_187 = tpu.memref_slice %arg7[%add3A_180, %dma_wait3A_186] : memref<125x80xi32, #tpu.memory_space<vmem>> -> memref<1x80xi32, #tpu.memory_space<vmem>>
      %dma_wait3A_188 = tpu.memref_squeeze %dma_wait3A_187 : memref<1x80xi32, #tpu.memory_space<vmem>> -> memref<80xi32, #tpu.memory_space<vmem>>
      %dma_wait3A_189 = arith.constant 0 : i32
      %dma_wait3A_190 = arith.constant 0 : i32
      %dma_wait3A_191 = tpu.memref_slice %arg9[%dma_wait3A_189, %dma_wait3A_190] : memref<10240x128xf32, #tpu.memory_space<vmem_shared>> -> memref<10240x128xf32, #tpu.memory_space<vmem_shared>>
      tpu.wait_indirect_dma semaphore(%arg13 : memref<!tpu.dma_semaphore, #tpu.memory_space<semaphore_mem>>) src(%dma_wait3A_185 : memref<80x128xf32, #tpu.memory_space<vmem>>) dst(%dma_wait3A_191 : memref<10240x128xf32, #tpu.memory_space<vmem_shared>>)
      %add3A_192 = arith.constant 0 : i32
      %add3A_193 = arith.addi %select_n3A, %add3A_192 : i32
      %dma_start3A_194 = arith.constant 1 : i32
      %dma_start3A_195 = arith.constant 0 : i32
      %dma_start3A_196 = arith.constant 0 : i32
      %dma_start3A_197 = tpu.memref_slice %arg8[%dma_start3A_194, %dma_start3A_195, %dma_start3A_196] : memref<2x80x128xf32, #tpu.memory_space<vmem>> -> memref<1x80x128xf32, #tpu.memory_space<vmem>>
      %dma_start3A_198 = tpu.memref_squeeze %dma_start3A_197 : memref<1x80x128xf32, #tpu.memory_space<vmem>> -> memref<80x128xf32, #tpu.memory_space<vmem>>
      %dma_start3A_199 = arith.constant 0 : i32
      %dma_start3A_200 = tpu.memref_slice %arg6[%add3A_193, %dma_start3A_199] : memref<125x80xi32, #tpu.memory_space<vmem>> -> memref<1x80xi32, #tpu.memory_space<vmem>>
      %dma_start3A_201 = tpu.memref_squeeze %dma_start3A_200 : memref<1x80xi32, #tpu.memory_space<vmem>> -> memref<80xi32, #tpu.memory_space<vmem>>
      %dma_start3A_202 = arith.constant 0 : i32
      %dma_start3A_203 = arith.constant 0 : i32
      %dma_start3A_204 = tpu.memref_slice %arg2[%dma_start3A_202, %dma_start3A_203] : memref<10240x128xf32, #tpu.memory_space<hbm>> -> memref<10240x128xf32, #tpu.memory_space<hbm>>
      tpu.enqueue_indirect_dma source(%dma_start3A_204 : memref<10240x128xf32, #tpu.memory_space<hbm>>) target(%dma_start3A_198 : memref<80x128xf32, #tpu.memory_space<vmem>>) offsets(%dma_start3A_201 : memref<80xi32, #tpu.memory_space<vmem>>) semaphore(%arg11 : memref<!tpu.dma_semaphore, #tpu.memory_space<semaphore_mem>>)
      %scan3A_205 = arith.constant 0 : i32
      scf.yield %scan3A_205 : i32
    }
    %scan3A_33 = arith.constant 62 : i32
    %dma_wait3A = arith.constant 124 : i32
    %dma_wait3A_34 = arith.constant 0 : i32
    %dma_wait3A_35 = arith.constant 0 : i32
    %dma_wait3A_36 = arith.constant 0 : i32
    %dma_wait3A_37 = tpu.memref_slice %arg8[%dma_wait3A_34, %dma_wait3A_35, %dma_wait3A_36] : memref<2x80x128xf32, #tpu.memory_space<vmem>> -> memref<1x80x128xf32, #tpu.memory_space<vmem>>
    %dma_wait3A_38 = tpu.memref_squeeze %dma_wait3A_37 : memref<1x80x128xf32, #tpu.memory_space<vmem>> -> memref<80x128xf32, #tpu.memory_space<vmem>>
    %dma_wait3A_39 = arith.constant 0 : i32
    %dma_wait3A_40 = tpu.memref_slice %arg6[%dma_wait3A, %dma_wait3A_39] : memref<125x80xi32, #tpu.memory_space<vmem>> -> memref<1x80xi32, #tpu.memory_space<vmem>>
    %dma_wait3A_41 = tpu.memref_squeeze %dma_wait3A_40 : memref<1x80xi32, #tpu.memory_space<vmem>> -> memref<80xi32, #tpu.memory_space<vmem>>
    %dma_wait3A_42 = arith.constant 0 : i32
    %dma_wait3A_43 = arith.constant 0 : i32
    %dma_wait3A_44 = tpu.memref_slice %arg2[%dma_wait3A_42, %dma_wait3A_43] : memref<10240x128xf32, #tpu.memory_space<hbm>> -> memref<10240x128xf32, #tpu.memory_space<hbm>>
    tpu.wait_indirect_dma semaphore(%arg10 : memref<!tpu.dma_semaphore, #tpu.memory_space<semaphore_mem>>) src(%dma_wait3A_44 : memref<10240x128xf32, #tpu.memory_space<hbm>>) dst(%dma_wait3A_38 : memref<80x128xf32, #tpu.memory_space<vmem>>)
    %dma_start3A_45 = arith.constant 0 : i32
    %dma_start3A_46 = arith.constant 124 : i32
    %dma_start3A_47 = arith.constant 0 : i32
    %dma_start3A_48 = arith.constant 0 : i32
    %dma_start3A_49 = tpu.memref_slice %arg8[%dma_start3A_45, %dma_start3A_47, %dma_start3A_48] : memref<2x80x128xf32, #tpu.memory_space<vmem>> -> memref<1x80x128xf32, #tpu.memory_space<vmem>>
    %dma_start3A_50 = tpu.memref_squeeze %dma_start3A_49 : memref<1x80x128xf32, #tpu.memory_space<vmem>> -> memref<80x128xf32, #tpu.memory_space<vmem>>
    %dma_start3A_51 = arith.constant 0 : i32
    %dma_start3A_52 = tpu.memref_slice %arg7[%dma_start3A_46, %dma_start3A_51] : memref<125x80xi32, #tpu.memory_space<vmem>> -> memref<1x80xi32, #tpu.memory_space<vmem>>
    %dma_start3A_53 = tpu.memref_squeeze %dma_start3A_52 : memref<1x80xi32, #tpu.memory_space<vmem>> -> memref<80xi32, #tpu.memory_space<vmem>>
    %dma_start3A_54 = arith.constant 0 : i32
    %dma_start3A_55 = arith.constant 0 : i32
    %dma_start3A_56 = tpu.memref_slice %arg9[%dma_start3A_54, %dma_start3A_55] : memref<10240x128xf32, #tpu.memory_space<vmem_shared>> -> memref<10240x128xf32, #tpu.memory_space<vmem_shared>>
    tpu.enqueue_indirect_dma source(%dma_start3A_50 : memref<80x128xf32, #tpu.memory_space<vmem>>) target(%dma_start3A_56 : memref<10240x128xf32, #tpu.memory_space<vmem_shared>>) offsets(%dma_start3A_53 : memref<80xi32, #tpu.memory_space<vmem>>) semaphore(%arg12 : memref<!tpu.dma_semaphore, #tpu.memory_space<semaphore_mem>>) {add = true}
    %dma_wait3A_57 = arith.constant 0 : i32
    %dma_wait3A_58 = arith.constant 124 : i32
    %dma_wait3A_59 = arith.constant 0 : i32
    %dma_wait3A_60 = arith.constant 0 : i32
    %dma_wait3A_61 = tpu.memref_slice %arg8[%dma_wait3A_57, %dma_wait3A_59, %dma_wait3A_60] : memref<2x80x128xf32, #tpu.memory_space<vmem>> -> memref<1x80x128xf32, #tpu.memory_space<vmem>>
    %dma_wait3A_62 = tpu.memref_squeeze %dma_wait3A_61 : memref<1x80x128xf32, #tpu.memory_space<vmem>> -> memref<80x128xf32, #tpu.memory_space<vmem>>
    %dma_wait3A_63 = arith.constant 0 : i32
    %dma_wait3A_64 = tpu.memref_slice %arg7[%dma_wait3A_58, %dma_wait3A_63] : memref<125x80xi32, #tpu.memory_space<vmem>> -> memref<1x80xi32, #tpu.memory_space<vmem>>
    %dma_wait3A_65 = tpu.memref_squeeze %dma_wait3A_64 : memref<1x80xi32, #tpu.memory_space<vmem>> -> memref<80xi32, #tpu.memory_space<vmem>>
    %dma_wait3A_66 = arith.constant 0 : i32
    %dma_wait3A_67 = arith.constant 0 : i32
    %dma_wait3A_68 = tpu.memref_slice %arg9[%dma_wait3A_66, %dma_wait3A_67] : memref<10240x128xf32, #tpu.memory_space<vmem_shared>> -> memref<10240x128xf32, #tpu.memory_space<vmem_shared>>
    tpu.wait_indirect_dma semaphore(%arg12 : memref<!tpu.dma_semaphore, #tpu.memory_space<semaphore_mem>>) src(%dma_wait3A_62 : memref<80x128xf32, #tpu.memory_space<vmem>>) dst(%dma_wait3A_68 : memref<10240x128xf32, #tpu.memory_space<vmem_shared>>)
    %dma_wait3A_69 = arith.constant 0 : i32
    %dma_wait3A_70 = arith.constant 1 : i32
    %dma_wait3A_71 = arith.constant 0 : i32
    %dma_wait3A_72 = arith.constant 0 : i32
    %dma_wait3A_73 = tpu.memref_slice %arg8[%dma_wait3A_70, %dma_wait3A_71, %dma_wait3A_72] : memref<2x80x128xf32, #tpu.memory_space<vmem>> -> memref<1x80x128xf32, #tpu.memory_space<vmem>>
    %dma_wait3A_74 = tpu.memref_squeeze %dma_wait3A_73 : memref<1x80x128xf32, #tpu.memory_space<vmem>> -> memref<80x128xf32, #tpu.memory_space<vmem>>
    %dma_wait3A_75 = arith.constant 0 : i32
    %dma_wait3A_76 = tpu.memref_slice %arg6[%dma_wait3A_69, %dma_wait3A_75] : memref<125x80xi32, #tpu.memory_space<vmem>> -> memref<1x80xi32, #tpu.memory_space<vmem>>
    %dma_wait3A_77 = tpu.memref_squeeze %dma_wait3A_76 : memref<1x80xi32, #tpu.memory_space<vmem>> -> memref<80xi32, #tpu.memory_space<vmem>>
    %dma_wait3A_78 = arith.constant 0 : i32
    %dma_wait3A_79 = arith.constant 0 : i32
    %dma_wait3A_80 = tpu.memref_slice %arg2[%dma_wait3A_78, %dma_wait3A_79] : memref<10240x128xf32, #tpu.memory_space<hbm>> -> memref<10240x128xf32, #tpu.memory_space<hbm>>
    tpu.wait_indirect_dma semaphore(%arg11 : memref<!tpu.dma_semaphore, #tpu.memory_space<semaphore_mem>>) src(%dma_wait3A_80 : memref<10240x128xf32, #tpu.memory_space<hbm>>) dst(%dma_wait3A_74 : memref<80x128xf32, #tpu.memory_space<vmem>>)
    %barrier3A_81 = arith.constant 0 : index
    tpu.barrier barrier_id(%barrier3A_81)
    %mul3A_82 = arith.constant 640 : i32
    %mul3A_83 = arith.muli %arg1, %mul3A_82 : i32
    %mul3A_84 = arith.constant 640 : i32
    %mul3A_85 = arith.muli %arg1, %mul3A_84 : i32
    "tpu.region"() ({
      %run_scoped3A = tpu.sem_alloc : memref<!tpu.dma_semaphore, #tpu.memory_space<semaphore_mem>>
      %dma_start3A_86 = arith.constant 0 : i32
      %dma_start3A_87 = tpu.memref_slice %arg5[%arg0, %mul3A_85, %dma_start3A_86] : memref<2x10240x128xf32, #tpu.memory_space<hbm>> -> memref<1x640x128xf32, #tpu.memory_space<hbm>>
      %dma_start3A_88 = tpu.memref_squeeze %dma_start3A_87 : memref<1x640x128xf32, #tpu.memory_space<hbm>> -> memref<640x128xf32, #tpu.memory_space<hbm>>
      %dma_start3A_89 = arith.constant 0 : i32
      %dma_start3A_90 = tpu.memref_slice %arg9[%mul3A_83, %dma_start3A_89] : memref<10240x128xf32, #tpu.memory_space<vmem_shared>> -> memref<640x128xf32, #tpu.memory_space<vmem_shared>>
      tpu.enqueue_dma source(%dma_start3A_90 : memref<640x128xf32, #tpu.memory_space<vmem_shared>>) target(%dma_start3A_88 : memref<640x128xf32, #tpu.memory_space<hbm>>) target_semaphore(%run_scoped3A : memref<!tpu.dma_semaphore, #tpu.memory_space<semaphore_mem>>)
      %dma_wait3A_91 = arith.constant 0 : i32
      %dma_wait3A_92 = tpu.memref_slice %arg5[%arg0, %mul3A_85, %dma_wait3A_91] : memref<2x10240x128xf32, #tpu.memory_space<hbm>> -> memref<1x640x128xf32, #tpu.memory_space<hbm>>
      %dma_wait3A_93 = tpu.memref_squeeze %dma_wait3A_92 : memref<1x640x128xf32, #tpu.memory_space<hbm>> -> memref<640x128xf32, #tpu.memory_space<hbm>>
      %dma_wait3A_94 = arith.constant 0 : i32
      %dma_wait3A_95 = tpu.memref_slice %arg9[%mul3A_83, %dma_wait3A_94] : memref<10240x128xf32, #tpu.memory_space<vmem_shared>> -> memref<640x128xf32, #tpu.memory_space<vmem_shared>>
      tpu.wait_dma2 semaphore(%run_scoped3A : memref<!tpu.dma_semaphore, #tpu.memory_space<semaphore_mem>>) src(%dma_wait3A_95 : memref<640x128xf32, #tpu.memory_space<vmem_shared>>) dst(%dma_wait3A_93 : memref<640x128xf32, #tpu.memory_space<hbm>>)
      tpu.yield
    }) : () -> ()
    return
  }
}

#map = affine_map<(d0, d1) -> (0, 0)>
#map1 = affine_map<(d0, d1) -> (0, 0, 0)>
module attributes {stable_mosaic.version = 14 : i64} {
  func.func @_prop_body(%arg0: i32, %arg1: i32, %arg2: memref<10240x64xf32, #tpu.memory_space<hbm>>, %arg3: memref<32x125x80xi32, #tpu.memory_space<hbm>>, %arg4: memref<32x125x80xi32, #tpu.memory_space<hbm>>, %arg5: memref<2x10240x64xf32, #tpu.memory_space<hbm>>, %arg6: memref<125x80xi32, #tpu.memory_space<vmem>>, %arg7: memref<125x80xi32, #tpu.memory_space<vmem>>, %arg8: memref<10x80x64xf32, #tpu.memory_space<vmem>>, %arg9: memref<10240x64xf32, #tpu.memory_space<vmem_shared>>, %arg10: memref<!tpu.dma_semaphore, #tpu.memory_space<semaphore_mem>>, %arg11: memref<!tpu.dma_semaphore, #tpu.memory_space<semaphore_mem>>, %arg12: memref<!tpu.dma_semaphore, #tpu.memory_space<semaphore_mem>>, %arg13: memref<!tpu.dma_semaphore, #tpu.memory_space<semaphore_mem>>) attributes {dimension_semantics = [#tpu.dimension_semantics<core_parallel>, #tpu.dimension_semantics<subcore_parallel>], iteration_bounds = array<i64: 2, 16>, scalar_prefetch = 0 : i64, scratch_operands = 8 : i64, tpu.core_type = #tpu.core_type<sc_vector_subcore>, window_params = [{transform_indices = #map}, {transform_indices = #map1}, {transform_indices = #map1}, {transform_indices = #map1}]} {
    %mul3A = arith.constant 16 : i32
    %mul3A_0 = arith.muli %arg0, %mul3A : i32
    %add3A = arith.addi %mul3A_0, %arg1 : i32
    %mul3A_1 = arith.constant 640 : i32
    %mul3A_2 = arith.muli %arg1, %mul3A_1 : i32
    %mul3A_3 = arith.constant 640 : i32
    %mul3A_4 = arith.muli %arg1, %mul3A_3 : i32
    "tpu.region"() ({
      %run_scoped3A = tpu.sem_alloc : memref<!tpu.dma_semaphore, #tpu.memory_space<semaphore_mem>>
      %dma_start3A_374 = arith.constant 0 : i32
      %dma_start3A_375 = tpu.memref_slice %arg9[%mul3A_4, %dma_start3A_374] : memref<10240x64xf32, #tpu.memory_space<vmem_shared>> -> memref<640x64xf32, #tpu.memory_space<vmem_shared>>
      %dma_start3A_376 = arith.constant 0 : i32
      %dma_start3A_377 = tpu.memref_slice %arg2[%mul3A_2, %dma_start3A_376] : memref<10240x64xf32, #tpu.memory_space<hbm>> -> memref<640x64xf32, #tpu.memory_space<hbm>>
      tpu.enqueue_dma source(%dma_start3A_377 : memref<640x64xf32, #tpu.memory_space<hbm>>) target(%dma_start3A_375 : memref<640x64xf32, #tpu.memory_space<vmem_shared>>) target_semaphore(%run_scoped3A : memref<!tpu.dma_semaphore, #tpu.memory_space<semaphore_mem>>)
      %dma_wait3A_378 = arith.constant 0 : i32
      %dma_wait3A_379 = tpu.memref_slice %arg9[%mul3A_4, %dma_wait3A_378] : memref<10240x64xf32, #tpu.memory_space<vmem_shared>> -> memref<640x64xf32, #tpu.memory_space<vmem_shared>>
      %dma_wait3A_380 = arith.constant 0 : i32
      %dma_wait3A_381 = tpu.memref_slice %arg2[%mul3A_2, %dma_wait3A_380] : memref<10240x64xf32, #tpu.memory_space<hbm>> -> memref<640x64xf32, #tpu.memory_space<hbm>>
      tpu.wait_dma2 semaphore(%run_scoped3A : memref<!tpu.dma_semaphore, #tpu.memory_space<semaphore_mem>>) src(%dma_wait3A_381 : memref<640x64xf32, #tpu.memory_space<hbm>>) dst(%dma_wait3A_379 : memref<640x64xf32, #tpu.memory_space<vmem_shared>>)
      tpu.yield
    }) : () -> ()
    "tpu.region"() ({
      %run_scoped3A = tpu.sem_alloc : memref<!tpu.dma_semaphore, #tpu.memory_space<semaphore_mem>>
      %dma_start3A_374 = arith.constant 0 : i32
      %dma_start3A_375 = arith.constant 0 : i32
      %dma_start3A_376 = tpu.memref_slice %arg3[%add3A, %dma_start3A_374, %dma_start3A_375] : memref<32x125x80xi32, #tpu.memory_space<hbm>> -> memref<1x125x80xi32, #tpu.memory_space<hbm>>
      %dma_start3A_377 = tpu.memref_squeeze %dma_start3A_376 : memref<1x125x80xi32, #tpu.memory_space<hbm>> -> memref<125x80xi32, #tpu.memory_space<hbm>>
      %dma_start3A_378 = arith.constant 0 : i32
      %dma_start3A_379 = arith.constant 0 : i32
      %dma_start3A_380 = tpu.memref_slice %arg3[%add3A, %dma_start3A_378, %dma_start3A_379] : memref<32x125x80xi32, #tpu.memory_space<hbm>> -> memref<1x125x80xi32, #tpu.memory_space<hbm>>
      %dma_start3A_381 = tpu.memref_squeeze %dma_start3A_380 : memref<1x125x80xi32, #tpu.memory_space<hbm>> -> memref<125x80xi32, #tpu.memory_space<hbm>>
      tpu.enqueue_dma source(%dma_start3A_381 : memref<125x80xi32, #tpu.memory_space<hbm>>) target(%arg6 : memref<125x80xi32, #tpu.memory_space<vmem>>) target_semaphore(%run_scoped3A : memref<!tpu.dma_semaphore, #tpu.memory_space<semaphore_mem>>)
      %dma_wait3A_382 = arith.constant 0 : i32
      %dma_wait3A_383 = arith.constant 0 : i32
      %dma_wait3A_384 = tpu.memref_slice %arg3[%add3A, %dma_wait3A_382, %dma_wait3A_383] : memref<32x125x80xi32, #tpu.memory_space<hbm>> -> memref<1x125x80xi32, #tpu.memory_space<hbm>>
      %dma_wait3A_385 = tpu.memref_squeeze %dma_wait3A_384 : memref<1x125x80xi32, #tpu.memory_space<hbm>> -> memref<125x80xi32, #tpu.memory_space<hbm>>
      %dma_wait3A_386 = arith.constant 0 : i32
      %dma_wait3A_387 = arith.constant 0 : i32
      %dma_wait3A_388 = tpu.memref_slice %arg3[%add3A, %dma_wait3A_386, %dma_wait3A_387] : memref<32x125x80xi32, #tpu.memory_space<hbm>> -> memref<1x125x80xi32, #tpu.memory_space<hbm>>
      %dma_wait3A_389 = tpu.memref_squeeze %dma_wait3A_388 : memref<1x125x80xi32, #tpu.memory_space<hbm>> -> memref<125x80xi32, #tpu.memory_space<hbm>>
      tpu.wait_dma2 semaphore(%run_scoped3A : memref<!tpu.dma_semaphore, #tpu.memory_space<semaphore_mem>>) src(%dma_wait3A_389 : memref<125x80xi32, #tpu.memory_space<hbm>>) dst(%arg6 : memref<125x80xi32, #tpu.memory_space<vmem>>)
      tpu.yield
    }) : () -> ()
    "tpu.region"() ({
      %run_scoped3A = tpu.sem_alloc : memref<!tpu.dma_semaphore, #tpu.memory_space<semaphore_mem>>
      %dma_start3A_374 = arith.constant 0 : i32
      %dma_start3A_375 = arith.constant 0 : i32
      %dma_start3A_376 = tpu.memref_slice %arg4[%add3A, %dma_start3A_374, %dma_start3A_375] : memref<32x125x80xi32, #tpu.memory_space<hbm>> -> memref<1x125x80xi32, #tpu.memory_space<hbm>>
      %dma_start3A_377 = tpu.memref_squeeze %dma_start3A_376 : memref<1x125x80xi32, #tpu.memory_space<hbm>> -> memref<125x80xi32, #tpu.memory_space<hbm>>
      %dma_start3A_378 = arith.constant 0 : i32
      %dma_start3A_379 = arith.constant 0 : i32
      %dma_start3A_380 = tpu.memref_slice %arg4[%add3A, %dma_start3A_378, %dma_start3A_379] : memref<32x125x80xi32, #tpu.memory_space<hbm>> -> memref<1x125x80xi32, #tpu.memory_space<hbm>>
      %dma_start3A_381 = tpu.memref_squeeze %dma_start3A_380 : memref<1x125x80xi32, #tpu.memory_space<hbm>> -> memref<125x80xi32, #tpu.memory_space<hbm>>
      tpu.enqueue_dma source(%dma_start3A_381 : memref<125x80xi32, #tpu.memory_space<hbm>>) target(%arg7 : memref<125x80xi32, #tpu.memory_space<vmem>>) target_semaphore(%run_scoped3A : memref<!tpu.dma_semaphore, #tpu.memory_space<semaphore_mem>>)
      %dma_wait3A_382 = arith.constant 0 : i32
      %dma_wait3A_383 = arith.constant 0 : i32
      %dma_wait3A_384 = tpu.memref_slice %arg4[%add3A, %dma_wait3A_382, %dma_wait3A_383] : memref<32x125x80xi32, #tpu.memory_space<hbm>> -> memref<1x125x80xi32, #tpu.memory_space<hbm>>
      %dma_wait3A_385 = tpu.memref_squeeze %dma_wait3A_384 : memref<1x125x80xi32, #tpu.memory_space<hbm>> -> memref<125x80xi32, #tpu.memory_space<hbm>>
      %dma_wait3A_386 = arith.constant 0 : i32
      %dma_wait3A_387 = arith.constant 0 : i32
      %dma_wait3A_388 = tpu.memref_slice %arg4[%add3A, %dma_wait3A_386, %dma_wait3A_387] : memref<32x125x80xi32, #tpu.memory_space<hbm>> -> memref<1x125x80xi32, #tpu.memory_space<hbm>>
      %dma_wait3A_389 = tpu.memref_squeeze %dma_wait3A_388 : memref<1x125x80xi32, #tpu.memory_space<hbm>> -> memref<125x80xi32, #tpu.memory_space<hbm>>
      tpu.wait_dma2 semaphore(%run_scoped3A : memref<!tpu.dma_semaphore, #tpu.memory_space<semaphore_mem>>) src(%dma_wait3A_389 : memref<125x80xi32, #tpu.memory_space<hbm>>) dst(%arg7 : memref<125x80xi32, #tpu.memory_space<vmem>>)
      tpu.yield
    }) : () -> ()
    %barrier3A = arith.constant 0 : index
    tpu.barrier barrier_id(%barrier3A)
    %dma_start3A = arith.constant 0 : i32
    %dma_start3A_5 = arith.constant 0 : i32
    %dma_start3A_6 = arith.constant 0 : i32
    %dma_start3A_7 = arith.constant 0 : i32
    %dma_start3A_8 = tpu.memref_slice %arg8[%dma_start3A_5, %dma_start3A_6, %dma_start3A_7] : memref<10x80x64xf32, #tpu.memory_space<vmem>> -> memref<1x80x64xf32, #tpu.memory_space<vmem>>
    %dma_start3A_9 = tpu.memref_squeeze %dma_start3A_8 : memref<1x80x64xf32, #tpu.memory_space<vmem>> -> memref<80x64xf32, #tpu.memory_space<vmem>>
    %dma_start3A_10 = arith.constant 0 : i32
    %dma_start3A_11 = tpu.memref_slice %arg6[%dma_start3A, %dma_start3A_10] : memref<125x80xi32, #tpu.memory_space<vmem>> -> memref<1x80xi32, #tpu.memory_space<vmem>>
    %dma_start3A_12 = tpu.memref_squeeze %dma_start3A_11 : memref<1x80xi32, #tpu.memory_space<vmem>> -> memref<80xi32, #tpu.memory_space<vmem>>
    %dma_start3A_13 = arith.constant 0 : i32
    %dma_start3A_14 = arith.constant 0 : i32
    %dma_start3A_15 = tpu.memref_slice %arg2[%dma_start3A_13, %dma_start3A_14] : memref<10240x64xf32, #tpu.memory_space<hbm>> -> memref<10240x64xf32, #tpu.memory_space<hbm>>
    tpu.enqueue_indirect_dma source(%dma_start3A_15 : memref<10240x64xf32, #tpu.memory_space<hbm>>) target(%dma_start3A_9 : memref<80x64xf32, #tpu.memory_space<vmem>>) offsets(%dma_start3A_12 : memref<80xi32, #tpu.memory_space<vmem>>) semaphore(%arg10 : memref<!tpu.dma_semaphore, #tpu.memory_space<semaphore_mem>>)
    %dma_start3A_16 = arith.constant 1 : i32
    %dma_start3A_17 = arith.constant 1 : i32
    %dma_start3A_18 = arith.constant 0 : i32
    %dma_start3A_19 = arith.constant 0 : i32
    %dma_start3A_20 = tpu.memref_slice %arg8[%dma_start3A_17, %dma_start3A_18, %dma_start3A_19] : memref<10x80x64xf32, #tpu.memory_space<vmem>> -> memref<1x80x64xf32, #tpu.memory_space<vmem>>
    %dma_start3A_21 = tpu.memref_squeeze %dma_start3A_20 : memref<1x80x64xf32, #tpu.memory_space<vmem>> -> memref<80x64xf32, #tpu.memory_space<vmem>>
    %dma_start3A_22 = arith.constant 0 : i32
    %dma_start3A_23 = tpu.memref_slice %arg6[%dma_start3A_16, %dma_start3A_22] : memref<125x80xi32, #tpu.memory_space<vmem>> -> memref<1x80xi32, #tpu.memory_space<vmem>>
    %dma_start3A_24 = tpu.memref_squeeze %dma_start3A_23 : memref<1x80xi32, #tpu.memory_space<vmem>> -> memref<80xi32, #tpu.memory_space<vmem>>
    %dma_start3A_25 = arith.constant 0 : i32
    %dma_start3A_26 = arith.constant 0 : i32
    %dma_start3A_27 = tpu.memref_slice %arg2[%dma_start3A_25, %dma_start3A_26] : memref<10240x64xf32, #tpu.memory_space<hbm>> -> memref<10240x64xf32, #tpu.memory_space<hbm>>
    tpu.enqueue_indirect_dma source(%dma_start3A_27 : memref<10240x64xf32, #tpu.memory_space<hbm>>) target(%dma_start3A_21 : memref<80x64xf32, #tpu.memory_space<vmem>>) offsets(%dma_start3A_24 : memref<80xi32, #tpu.memory_space<vmem>>) semaphore(%arg10 : memref<!tpu.dma_semaphore, #tpu.memory_space<semaphore_mem>>)
    %dma_start3A_28 = arith.constant 2 : i32
    %dma_start3A_29 = arith.constant 2 : i32
    %dma_start3A_30 = arith.constant 0 : i32
    %dma_start3A_31 = arith.constant 0 : i32
    %dma_start3A_32 = tpu.memref_slice %arg8[%dma_start3A_29, %dma_start3A_30, %dma_start3A_31] : memref<10x80x64xf32, #tpu.memory_space<vmem>> -> memref<1x80x64xf32, #tpu.memory_space<vmem>>
    %dma_start3A_33 = tpu.memref_squeeze %dma_start3A_32 : memref<1x80x64xf32, #tpu.memory_space<vmem>> -> memref<80x64xf32, #tpu.memory_space<vmem>>
    %dma_start3A_34 = arith.constant 0 : i32
    %dma_start3A_35 = tpu.memref_slice %arg6[%dma_start3A_28, %dma_start3A_34] : memref<125x80xi32, #tpu.memory_space<vmem>> -> memref<1x80xi32, #tpu.memory_space<vmem>>
    %dma_start3A_36 = tpu.memref_squeeze %dma_start3A_35 : memref<1x80xi32, #tpu.memory_space<vmem>> -> memref<80xi32, #tpu.memory_space<vmem>>
    %dma_start3A_37 = arith.constant 0 : i32
    %dma_start3A_38 = arith.constant 0 : i32
    %dma_start3A_39 = tpu.memref_slice %arg2[%dma_start3A_37, %dma_start3A_38] : memref<10240x64xf32, #tpu.memory_space<hbm>> -> memref<10240x64xf32, #tpu.memory_space<hbm>>
    tpu.enqueue_indirect_dma source(%dma_start3A_39 : memref<10240x64xf32, #tpu.memory_space<hbm>>) target(%dma_start3A_33 : memref<80x64xf32, #tpu.memory_space<vmem>>) offsets(%dma_start3A_36 : memref<80xi32, #tpu.memory_space<vmem>>) semaphore(%arg10 : memref<!tpu.dma_semaphore, #tpu.memory_space<semaphore_mem>>)
    %dma_start3A_40 = arith.constant 3 : i32
    %dma_start3A_41 = arith.constant 3 : i32
    %dma_start3A_42 = arith.constant 0 : i32
    %dma_start3A_43 = arith.constant 0 : i32
    %dma_start3A_44 = tpu.memref_slice %arg8[%dma_start3A_41, %dma_start3A_42, %dma_start3A_43] : memref<10x80x64xf32, #tpu.memory_space<vmem>> -> memref<1x80x64xf32, #tpu.memory_space<vmem>>
    %dma_start3A_45 = tpu.memref_squeeze %dma_start3A_44 : memref<1x80x64xf32, #tpu.memory_space<vmem>> -> memref<80x64xf32, #tpu.memory_space<vmem>>
    %dma_start3A_46 = arith.constant 0 : i32
    %dma_start3A_47 = tpu.memref_slice %arg6[%dma_start3A_40, %dma_start3A_46] : memref<125x80xi32, #tpu.memory_space<vmem>> -> memref<1x80xi32, #tpu.memory_space<vmem>>
    %dma_start3A_48 = tpu.memref_squeeze %dma_start3A_47 : memref<1x80xi32, #tpu.memory_space<vmem>> -> memref<80xi32, #tpu.memory_space<vmem>>
    %dma_start3A_49 = arith.constant 0 : i32
    %dma_start3A_50 = arith.constant 0 : i32
    %dma_start3A_51 = tpu.memref_slice %arg2[%dma_start3A_49, %dma_start3A_50] : memref<10240x64xf32, #tpu.memory_space<hbm>> -> memref<10240x64xf32, #tpu.memory_space<hbm>>
    tpu.enqueue_indirect_dma source(%dma_start3A_51 : memref<10240x64xf32, #tpu.memory_space<hbm>>) target(%dma_start3A_45 : memref<80x64xf32, #tpu.memory_space<vmem>>) offsets(%dma_start3A_48 : memref<80xi32, #tpu.memory_space<vmem>>) semaphore(%arg10 : memref<!tpu.dma_semaphore, #tpu.memory_space<semaphore_mem>>)
    %dma_start3A_52 = arith.constant 4 : i32
    %dma_start3A_53 = arith.constant 4 : i32
    %dma_start3A_54 = arith.constant 0 : i32
    %dma_start3A_55 = arith.constant 0 : i32
    %dma_start3A_56 = tpu.memref_slice %arg8[%dma_start3A_53, %dma_start3A_54, %dma_start3A_55] : memref<10x80x64xf32, #tpu.memory_space<vmem>> -> memref<1x80x64xf32, #tpu.memory_space<vmem>>
    %dma_start3A_57 = tpu.memref_squeeze %dma_start3A_56 : memref<1x80x64xf32, #tpu.memory_space<vmem>> -> memref<80x64xf32, #tpu.memory_space<vmem>>
    %dma_start3A_58 = arith.constant 0 : i32
    %dma_start3A_59 = tpu.memref_slice %arg6[%dma_start3A_52, %dma_start3A_58] : memref<125x80xi32, #tpu.memory_space<vmem>> -> memref<1x80xi32, #tpu.memory_space<vmem>>
    %dma_start3A_60 = tpu.memref_squeeze %dma_start3A_59 : memref<1x80xi32, #tpu.memory_space<vmem>> -> memref<80xi32, #tpu.memory_space<vmem>>
    %dma_start3A_61 = arith.constant 0 : i32
    %dma_start3A_62 = arith.constant 0 : i32
    %dma_start3A_63 = tpu.memref_slice %arg2[%dma_start3A_61, %dma_start3A_62] : memref<10240x64xf32, #tpu.memory_space<hbm>> -> memref<10240x64xf32, #tpu.memory_space<hbm>>
    tpu.enqueue_indirect_dma source(%dma_start3A_63 : memref<10240x64xf32, #tpu.memory_space<hbm>>) target(%dma_start3A_57 : memref<80x64xf32, #tpu.memory_space<vmem>>) offsets(%dma_start3A_60 : memref<80xi32, #tpu.memory_space<vmem>>) semaphore(%arg10 : memref<!tpu.dma_semaphore, #tpu.memory_space<semaphore_mem>>)
    %dma_start3A_64 = arith.constant 5 : i32
    %dma_start3A_65 = arith.constant 5 : i32
    %dma_start3A_66 = arith.constant 0 : i32
    %dma_start3A_67 = arith.constant 0 : i32
    %dma_start3A_68 = tpu.memref_slice %arg8[%dma_start3A_65, %dma_start3A_66, %dma_start3A_67] : memref<10x80x64xf32, #tpu.memory_space<vmem>> -> memref<1x80x64xf32, #tpu.memory_space<vmem>>
    %dma_start3A_69 = tpu.memref_squeeze %dma_start3A_68 : memref<1x80x64xf32, #tpu.memory_space<vmem>> -> memref<80x64xf32, #tpu.memory_space<vmem>>
    %dma_start3A_70 = arith.constant 0 : i32
    %dma_start3A_71 = tpu.memref_slice %arg6[%dma_start3A_64, %dma_start3A_70] : memref<125x80xi32, #tpu.memory_space<vmem>> -> memref<1x80xi32, #tpu.memory_space<vmem>>
    %dma_start3A_72 = tpu.memref_squeeze %dma_start3A_71 : memref<1x80xi32, #tpu.memory_space<vmem>> -> memref<80xi32, #tpu.memory_space<vmem>>
    %dma_start3A_73 = arith.constant 0 : i32
    %dma_start3A_74 = arith.constant 0 : i32
    %dma_start3A_75 = tpu.memref_slice %arg2[%dma_start3A_73, %dma_start3A_74] : memref<10240x64xf32, #tpu.memory_space<hbm>> -> memref<10240x64xf32, #tpu.memory_space<hbm>>
    tpu.enqueue_indirect_dma source(%dma_start3A_75 : memref<10240x64xf32, #tpu.memory_space<hbm>>) target(%dma_start3A_69 : memref<80x64xf32, #tpu.memory_space<vmem>>) offsets(%dma_start3A_72 : memref<80xi32, #tpu.memory_space<vmem>>) semaphore(%arg11 : memref<!tpu.dma_semaphore, #tpu.memory_space<semaphore_mem>>)
    %dma_start3A_76 = arith.constant 6 : i32
    %dma_start3A_77 = arith.constant 6 : i32
    %dma_start3A_78 = arith.constant 0 : i32
    %dma_start3A_79 = arith.constant 0 : i32
    %dma_start3A_80 = tpu.memref_slice %arg8[%dma_start3A_77, %dma_start3A_78, %dma_start3A_79] : memref<10x80x64xf32, #tpu.memory_space<vmem>> -> memref<1x80x64xf32, #tpu.memory_space<vmem>>
    %dma_start3A_81 = tpu.memref_squeeze %dma_start3A_80 : memref<1x80x64xf32, #tpu.memory_space<vmem>> -> memref<80x64xf32, #tpu.memory_space<vmem>>
    %dma_start3A_82 = arith.constant 0 : i32
    %dma_start3A_83 = tpu.memref_slice %arg6[%dma_start3A_76, %dma_start3A_82] : memref<125x80xi32, #tpu.memory_space<vmem>> -> memref<1x80xi32, #tpu.memory_space<vmem>>
    %dma_start3A_84 = tpu.memref_squeeze %dma_start3A_83 : memref<1x80xi32, #tpu.memory_space<vmem>> -> memref<80xi32, #tpu.memory_space<vmem>>
    %dma_start3A_85 = arith.constant 0 : i32
    %dma_start3A_86 = arith.constant 0 : i32
    %dma_start3A_87 = tpu.memref_slice %arg2[%dma_start3A_85, %dma_start3A_86] : memref<10240x64xf32, #tpu.memory_space<hbm>> -> memref<10240x64xf32, #tpu.memory_space<hbm>>
    tpu.enqueue_indirect_dma source(%dma_start3A_87 : memref<10240x64xf32, #tpu.memory_space<hbm>>) target(%dma_start3A_81 : memref<80x64xf32, #tpu.memory_space<vmem>>) offsets(%dma_start3A_84 : memref<80xi32, #tpu.memory_space<vmem>>) semaphore(%arg11 : memref<!tpu.dma_semaphore, #tpu.memory_space<semaphore_mem>>)
    %dma_start3A_88 = arith.constant 7 : i32
    %dma_start3A_89 = arith.constant 7 : i32
    %dma_start3A_90 = arith.constant 0 : i32
    %dma_start3A_91 = arith.constant 0 : i32
    %dma_start3A_92 = tpu.memref_slice %arg8[%dma_start3A_89, %dma_start3A_90, %dma_start3A_91] : memref<10x80x64xf32, #tpu.memory_space<vmem>> -> memref<1x80x64xf32, #tpu.memory_space<vmem>>
    %dma_start3A_93 = tpu.memref_squeeze %dma_start3A_92 : memref<1x80x64xf32, #tpu.memory_space<vmem>> -> memref<80x64xf32, #tpu.memory_space<vmem>>
    %dma_start3A_94 = arith.constant 0 : i32
    %dma_start3A_95 = tpu.memref_slice %arg6[%dma_start3A_88, %dma_start3A_94] : memref<125x80xi32, #tpu.memory_space<vmem>> -> memref<1x80xi32, #tpu.memory_space<vmem>>
    %dma_start3A_96 = tpu.memref_squeeze %dma_start3A_95 : memref<1x80xi32, #tpu.memory_space<vmem>> -> memref<80xi32, #tpu.memory_space<vmem>>
    %dma_start3A_97 = arith.constant 0 : i32
    %dma_start3A_98 = arith.constant 0 : i32
    %dma_start3A_99 = tpu.memref_slice %arg2[%dma_start3A_97, %dma_start3A_98] : memref<10240x64xf32, #tpu.memory_space<hbm>> -> memref<10240x64xf32, #tpu.memory_space<hbm>>
    tpu.enqueue_indirect_dma source(%dma_start3A_99 : memref<10240x64xf32, #tpu.memory_space<hbm>>) target(%dma_start3A_93 : memref<80x64xf32, #tpu.memory_space<vmem>>) offsets(%dma_start3A_96 : memref<80xi32, #tpu.memory_space<vmem>>) semaphore(%arg11 : memref<!tpu.dma_semaphore, #tpu.memory_space<semaphore_mem>>)
    %dma_start3A_100 = arith.constant 8 : i32
    %dma_start3A_101 = arith.constant 8 : i32
    %dma_start3A_102 = arith.constant 0 : i32
    %dma_start3A_103 = arith.constant 0 : i32
    %dma_start3A_104 = tpu.memref_slice %arg8[%dma_start3A_101, %dma_start3A_102, %dma_start3A_103] : memref<10x80x64xf32, #tpu.memory_space<vmem>> -> memref<1x80x64xf32, #tpu.memory_space<vmem>>
    %dma_start3A_105 = tpu.memref_squeeze %dma_start3A_104 : memref<1x80x64xf32, #tpu.memory_space<vmem>> -> memref<80x64xf32, #tpu.memory_space<vmem>>
    %dma_start3A_106 = arith.constant 0 : i32
    %dma_start3A_107 = tpu.memref_slice %arg6[%dma_start3A_100, %dma_start3A_106] : memref<125x80xi32, #tpu.memory_space<vmem>> -> memref<1x80xi32, #tpu.memory_space<vmem>>
    %dma_start3A_108 = tpu.memref_squeeze %dma_start3A_107 : memref<1x80xi32, #tpu.memory_space<vmem>> -> memref<80xi32, #tpu.memory_space<vmem>>
    %dma_start3A_109 = arith.constant 0 : i32
    %dma_start3A_110 = arith.constant 0 : i32
    %dma_start3A_111 = tpu.memref_slice %arg2[%dma_start3A_109, %dma_start3A_110] : memref<10240x64xf32, #tpu.memory_space<hbm>> -> memref<10240x64xf32, #tpu.memory_space<hbm>>
    tpu.enqueue_indirect_dma source(%dma_start3A_111 : memref<10240x64xf32, #tpu.memory_space<hbm>>) target(%dma_start3A_105 : memref<80x64xf32, #tpu.memory_space<vmem>>) offsets(%dma_start3A_108 : memref<80xi32, #tpu.memory_space<vmem>>) semaphore(%arg11 : memref<!tpu.dma_semaphore, #tpu.memory_space<semaphore_mem>>)
    %dma_start3A_112 = arith.constant 9 : i32
    %dma_start3A_113 = arith.constant 9 : i32
    %dma_start3A_114 = arith.constant 0 : i32
    %dma_start3A_115 = arith.constant 0 : i32
    %dma_start3A_116 = tpu.memref_slice %arg8[%dma_start3A_113, %dma_start3A_114, %dma_start3A_115] : memref<10x80x64xf32, #tpu.memory_space<vmem>> -> memref<1x80x64xf32, #tpu.memory_space<vmem>>
    %dma_start3A_117 = tpu.memref_squeeze %dma_start3A_116 : memref<1x80x64xf32, #tpu.memory_space<vmem>> -> memref<80x64xf32, #tpu.memory_space<vmem>>
    %dma_start3A_118 = arith.constant 0 : i32
    %dma_start3A_119 = tpu.memref_slice %arg6[%dma_start3A_112, %dma_start3A_118] : memref<125x80xi32, #tpu.memory_space<vmem>> -> memref<1x80xi32, #tpu.memory_space<vmem>>
    %dma_start3A_120 = tpu.memref_squeeze %dma_start3A_119 : memref<1x80xi32, #tpu.memory_space<vmem>> -> memref<80xi32, #tpu.memory_space<vmem>>
    %dma_start3A_121 = arith.constant 0 : i32
    %dma_start3A_122 = arith.constant 0 : i32
    %dma_start3A_123 = tpu.memref_slice %arg2[%dma_start3A_121, %dma_start3A_122] : memref<10240x64xf32, #tpu.memory_space<hbm>> -> memref<10240x64xf32, #tpu.memory_space<hbm>>
    tpu.enqueue_indirect_dma source(%dma_start3A_123 : memref<10240x64xf32, #tpu.memory_space<hbm>>) target(%dma_start3A_117 : memref<80x64xf32, #tpu.memory_space<vmem>>) offsets(%dma_start3A_120 : memref<80xi32, #tpu.memory_space<vmem>>) semaphore(%arg11 : memref<!tpu.dma_semaphore, #tpu.memory_space<semaphore_mem>>)
    %scan3A = arith.constant 0 : i32
    %scan3A_124 = arith.constant 0 : i32
    %scan3A_125 = arith.constant 12 : i32
    %scan3A_126 = arith.addi %scan3A_124, %scan3A_125 : i32
    %scan3A_127 = arith.constant 1 : i32
    %scan3A_128 = scf.for %scan3A_374 = %scan3A_124 to %scan3A_126 step %scan3A_127 iter_args(%scan3A_375 = %scan3A) -> (i32)  : i32 {
      %mul3A_376 = arith.constant 2 : i32
      %mul3A_377 = arith.muli %mul3A_376, %scan3A_374 : i32
      %mul3A_378 = arith.constant 5 : i32
      %mul3A_379 = arith.muli %mul3A_377, %mul3A_378 : i32
      %add3A_380 = arith.constant 5 : i32
      %add3A_381 = arith.addi %mul3A_379, %add3A_380 : i32
      %add3A_382 = arith.constant 15 : i32
      %add3A_383 = arith.addi %mul3A_379, %add3A_382 : i32
      %ge3A = arith.constant 125 : i32
      %ge3A_384 = arith.cmpi sge, %add3A_383, %ge3A : i32
      %add3A_385 = arith.constant 15 : i32
      %add3A_386 = arith.addi %mul3A_379, %add3A_385 : i32
      %jit3A = arith.constant 0 : i32
      %select_n3A = arith.select %ge3A_384, %jit3A, %add3A_386 : i32
      %add3A_387 = arith.constant 10 : i32
      %add3A_388 = arith.addi %mul3A_379, %add3A_387 : i32
      %add3A_389 = arith.constant 0 : i32
      %add3A_390 = arith.addi %mul3A_379, %add3A_389 : i32
      %dma_wait3A_391 = arith.constant 0 : i32
      %dma_wait3A_392 = arith.constant 0 : i32
      %dma_wait3A_393 = arith.constant 0 : i32
      %dma_wait3A_394 = tpu.memref_slice %arg8[%dma_wait3A_391, %dma_wait3A_392, %dma_wait3A_393] : memref<10x80x64xf32, #tpu.memory_space<vmem>> -> memref<1x80x64xf32, #tpu.memory_space<vmem>>
      %dma_wait3A_395 = tpu.memref_squeeze %dma_wait3A_394 : memref<1x80x64xf32, #tpu.memory_space<vmem>> -> memref<80x64xf32, #tpu.memory_space<vmem>>
      %dma_wait3A_396 = arith.constant 0 : i32
      %dma_wait3A_397 = tpu.memref_slice %arg6[%add3A_390, %dma_wait3A_396] : memref<125x80xi32, #tpu.memory_space<vmem>> -> memref<1x80xi32, #tpu.memory_space<vmem>>
      %dma_wait3A_398 = tpu.memref_squeeze %dma_wait3A_397 : memref<1x80xi32, #tpu.memory_space<vmem>> -> memref<80xi32, #tpu.memory_space<vmem>>
      %dma_wait3A_399 = arith.constant 0 : i32
      %dma_wait3A_400 = arith.constant 0 : i32
      %dma_wait3A_401 = tpu.memref_slice %arg2[%dma_wait3A_399, %dma_wait3A_400] : memref<10240x64xf32, #tpu.memory_space<hbm>> -> memref<10240x64xf32, #tpu.memory_space<hbm>>
      tpu.wait_indirect_dma semaphore(%arg10 : memref<!tpu.dma_semaphore, #tpu.memory_space<semaphore_mem>>) src(%dma_wait3A_401 : memref<10240x64xf32, #tpu.memory_space<hbm>>) dst(%dma_wait3A_395 : memref<80x64xf32, #tpu.memory_space<vmem>>)
      %add3A_402 = arith.constant 1 : i32
      %add3A_403 = arith.addi %mul3A_379, %add3A_402 : i32
      %dma_wait3A_404 = arith.constant 1 : i32
      %dma_wait3A_405 = arith.constant 0 : i32
      %dma_wait3A_406 = arith.constant 0 : i32
      %dma_wait3A_407 = tpu.memref_slice %arg8[%dma_wait3A_404, %dma_wait3A_405, %dma_wait3A_406] : memref<10x80x64xf32, #tpu.memory_space<vmem>> -> memref<1x80x64xf32, #tpu.memory_space<vmem>>
      %dma_wait3A_408 = tpu.memref_squeeze %dma_wait3A_407 : memref<1x80x64xf32, #tpu.memory_space<vmem>> -> memref<80x64xf32, #tpu.memory_space<vmem>>
      %dma_wait3A_409 = arith.constant 0 : i32
      %dma_wait3A_410 = tpu.memref_slice %arg6[%add3A_403, %dma_wait3A_409] : memref<125x80xi32, #tpu.memory_space<vmem>> -> memref<1x80xi32, #tpu.memory_space<vmem>>
      %dma_wait3A_411 = tpu.memref_squeeze %dma_wait3A_410 : memref<1x80xi32, #tpu.memory_space<vmem>> -> memref<80xi32, #tpu.memory_space<vmem>>
      %dma_wait3A_412 = arith.constant 0 : i32
      %dma_wait3A_413 = arith.constant 0 : i32
      %dma_wait3A_414 = tpu.memref_slice %arg2[%dma_wait3A_412, %dma_wait3A_413] : memref<10240x64xf32, #tpu.memory_space<hbm>> -> memref<10240x64xf32, #tpu.memory_space<hbm>>
      tpu.wait_indirect_dma semaphore(%arg10 : memref<!tpu.dma_semaphore, #tpu.memory_space<semaphore_mem>>) src(%dma_wait3A_414 : memref<10240x64xf32, #tpu.memory_space<hbm>>) dst(%dma_wait3A_408 : memref<80x64xf32, #tpu.memory_space<vmem>>)
      %add3A_415 = arith.constant 2 : i32
      %add3A_416 = arith.addi %mul3A_379, %add3A_415 : i32
      %dma_wait3A_417 = arith.constant 2 : i32
      %dma_wait3A_418 = arith.constant 0 : i32
      %dma_wait3A_419 = arith.constant 0 : i32
      %dma_wait3A_420 = tpu.memref_slice %arg8[%dma_wait3A_417, %dma_wait3A_418, %dma_wait3A_419] : memref<10x80x64xf32, #tpu.memory_space<vmem>> -> memref<1x80x64xf32, #tpu.memory_space<vmem>>
      %dma_wait3A_421 = tpu.memref_squeeze %dma_wait3A_420 : memref<1x80x64xf32, #tpu.memory_space<vmem>> -> memref<80x64xf32, #tpu.memory_space<vmem>>
      %dma_wait3A_422 = arith.constant 0 : i32
      %dma_wait3A_423 = tpu.memref_slice %arg6[%add3A_416, %dma_wait3A_422] : memref<125x80xi32, #tpu.memory_space<vmem>> -> memref<1x80xi32, #tpu.memory_space<vmem>>
      %dma_wait3A_424 = tpu.memref_squeeze %dma_wait3A_423 : memref<1x80xi32, #tpu.memory_space<vmem>> -> memref<80xi32, #tpu.memory_space<vmem>>
      %dma_wait3A_425 = arith.constant 0 : i32
      %dma_wait3A_426 = arith.constant 0 : i32
      %dma_wait3A_427 = tpu.memref_slice %arg2[%dma_wait3A_425, %dma_wait3A_426] : memref<10240x64xf32, #tpu.memory_space<hbm>> -> memref<10240x64xf32, #tpu.memory_space<hbm>>
      tpu.wait_indirect_dma semaphore(%arg10 : memref<!tpu.dma_semaphore, #tpu.memory_space<semaphore_mem>>) src(%dma_wait3A_427 : memref<10240x64xf32, #tpu.memory_space<hbm>>) dst(%dma_wait3A_421 : memref<80x64xf32, #tpu.memory_space<vmem>>)
      %add3A_428 = arith.constant 3 : i32
      %add3A_429 = arith.addi %mul3A_379, %add3A_428 : i32
      %dma_wait3A_430 = arith.constant 3 : i32
      %dma_wait3A_431 = arith.constant 0 : i32
      %dma_wait3A_432 = arith.constant 0 : i32
      %dma_wait3A_433 = tpu.memref_slice %arg8[%dma_wait3A_430, %dma_wait3A_431, %dma_wait3A_432] : memref<10x80x64xf32, #tpu.memory_space<vmem>> -> memref<1x80x64xf32, #tpu.memory_space<vmem>>
      %dma_wait3A_434 = tpu.memref_squeeze %dma_wait3A_433 : memref<1x80x64xf32, #tpu.memory_space<vmem>> -> memref<80x64xf32, #tpu.memory_space<vmem>>
      %dma_wait3A_435 = arith.constant 0 : i32
      %dma_wait3A_436 = tpu.memref_slice %arg6[%add3A_429, %dma_wait3A_435] : memref<125x80xi32, #tpu.memory_space<vmem>> -> memref<1x80xi32, #tpu.memory_space<vmem>>
      %dma_wait3A_437 = tpu.memref_squeeze %dma_wait3A_436 : memref<1x80xi32, #tpu.memory_space<vmem>> -> memref<80xi32, #tpu.memory_space<vmem>>
      %dma_wait3A_438 = arith.constant 0 : i32
      %dma_wait3A_439 = arith.constant 0 : i32
      %dma_wait3A_440 = tpu.memref_slice %arg2[%dma_wait3A_438, %dma_wait3A_439] : memref<10240x64xf32, #tpu.memory_space<hbm>> -> memref<10240x64xf32, #tpu.memory_space<hbm>>
      tpu.wait_indirect_dma semaphore(%arg10 : memref<!tpu.dma_semaphore, #tpu.memory_space<semaphore_mem>>) src(%dma_wait3A_440 : memref<10240x64xf32, #tpu.memory_space<hbm>>) dst(%dma_wait3A_434 : memref<80x64xf32, #tpu.memory_space<vmem>>)
      %add3A_441 = arith.constant 4 : i32
      %add3A_442 = arith.addi %mul3A_379, %add3A_441 : i32
      %dma_wait3A_443 = arith.constant 4 : i32
      %dma_wait3A_444 = arith.constant 0 : i32
      %dma_wait3A_445 = arith.constant 0 : i32
      %dma_wait3A_446 = tpu.memref_slice %arg8[%dma_wait3A_443, %dma_wait3A_444, %dma_wait3A_445] : memref<10x80x64xf32, #tpu.memory_space<vmem>> -> memref<1x80x64xf32, #tpu.memory_space<vmem>>
      %dma_wait3A_447 = tpu.memref_squeeze %dma_wait3A_446 : memref<1x80x64xf32, #tpu.memory_space<vmem>> -> memref<80x64xf32, #tpu.memory_space<vmem>>
      %dma_wait3A_448 = arith.constant 0 : i32
      %dma_wait3A_449 = tpu.memref_slice %arg6[%add3A_442, %dma_wait3A_448] : memref<125x80xi32, #tpu.memory_space<vmem>> -> memref<1x80xi32, #tpu.memory_space<vmem>>
      %dma_wait3A_450 = tpu.memref_squeeze %dma_wait3A_449 : memref<1x80xi32, #tpu.memory_space<vmem>> -> memref<80xi32, #tpu.memory_space<vmem>>
      %dma_wait3A_451 = arith.constant 0 : i32
      %dma_wait3A_452 = arith.constant 0 : i32
      %dma_wait3A_453 = tpu.memref_slice %arg2[%dma_wait3A_451, %dma_wait3A_452] : memref<10240x64xf32, #tpu.memory_space<hbm>> -> memref<10240x64xf32, #tpu.memory_space<hbm>>
      tpu.wait_indirect_dma semaphore(%arg10 : memref<!tpu.dma_semaphore, #tpu.memory_space<semaphore_mem>>) src(%dma_wait3A_453 : memref<10240x64xf32, #tpu.memory_space<hbm>>) dst(%dma_wait3A_447 : memref<80x64xf32, #tpu.memory_space<vmem>>)
      %add3A_454 = arith.constant 0 : i32
      %add3A_455 = arith.addi %mul3A_379, %add3A_454 : i32
      %dma_start3A_456 = arith.constant 0 : i32
      %dma_start3A_457 = arith.constant 0 : i32
      %dma_start3A_458 = arith.constant 0 : i32
      %dma_start3A_459 = tpu.memref_slice %arg8[%dma_start3A_456, %dma_start3A_457, %dma_start3A_458] : memref<10x80x64xf32, #tpu.memory_space<vmem>> -> memref<1x80x64xf32, #tpu.memory_space<vmem>>
      %dma_start3A_460 = tpu.memref_squeeze %dma_start3A_459 : memref<1x80x64xf32, #tpu.memory_space<vmem>> -> memref<80x64xf32, #tpu.memory_space<vmem>>
      %dma_start3A_461 = arith.constant 0 : i32
      %dma_start3A_462 = tpu.memref_slice %arg7[%add3A_455, %dma_start3A_461] : memref<125x80xi32, #tpu.memory_space<vmem>> -> memref<1x80xi32, #tpu.memory_space<vmem>>
      %dma_start3A_463 = tpu.memref_squeeze %dma_start3A_462 : memref<1x80xi32, #tpu.memory_space<vmem>> -> memref<80xi32, #tpu.memory_space<vmem>>
      %dma_start3A_464 = arith.constant 0 : i32
      %dma_start3A_465 = arith.constant 0 : i32
      %dma_start3A_466 = tpu.memref_slice %arg9[%dma_start3A_464, %dma_start3A_465] : memref<10240x64xf32, #tpu.memory_space<vmem_shared>> -> memref<10240x64xf32, #tpu.memory_space<vmem_shared>>
      tpu.enqueue_indirect_dma source(%dma_start3A_460 : memref<80x64xf32, #tpu.memory_space<vmem>>) target(%dma_start3A_466 : memref<10240x64xf32, #tpu.memory_space<vmem_shared>>) offsets(%dma_start3A_463 : memref<80xi32, #tpu.memory_space<vmem>>) semaphore(%arg12 : memref<!tpu.dma_semaphore, #tpu.memory_space<semaphore_mem>>) {add = true}
      %add3A_467 = arith.constant 1 : i32
      %add3A_468 = arith.addi %mul3A_379, %add3A_467 : i32
      %dma_start3A_469 = arith.constant 1 : i32
      %dma_start3A_470 = arith.constant 0 : i32
      %dma_start3A_471 = arith.constant 0 : i32
      %dma_start3A_472 = tpu.memref_slice %arg8[%dma_start3A_469, %dma_start3A_470, %dma_start3A_471] : memref<10x80x64xf32, #tpu.memory_space<vmem>> -> memref<1x80x64xf32, #tpu.memory_space<vmem>>
      %dma_start3A_473 = tpu.memref_squeeze %dma_start3A_472 : memref<1x80x64xf32, #tpu.memory_space<vmem>> -> memref<80x64xf32, #tpu.memory_space<vmem>>
      %dma_start3A_474 = arith.constant 0 : i32
      %dma_start3A_475 = tpu.memref_slice %arg7[%add3A_468, %dma_start3A_474] : memref<125x80xi32, #tpu.memory_space<vmem>> -> memref<1x80xi32, #tpu.memory_space<vmem>>
      %dma_start3A_476 = tpu.memref_squeeze %dma_start3A_475 : memref<1x80xi32, #tpu.memory_space<vmem>> -> memref<80xi32, #tpu.memory_space<vmem>>
      %dma_start3A_477 = arith.constant 0 : i32
      %dma_start3A_478 = arith.constant 0 : i32
      %dma_start3A_479 = tpu.memref_slice %arg9[%dma_start3A_477, %dma_start3A_478] : memref<10240x64xf32, #tpu.memory_space<vmem_shared>> -> memref<10240x64xf32, #tpu.memory_space<vmem_shared>>
      tpu.enqueue_indirect_dma source(%dma_start3A_473 : memref<80x64xf32, #tpu.memory_space<vmem>>) target(%dma_start3A_479 : memref<10240x64xf32, #tpu.memory_space<vmem_shared>>) offsets(%dma_start3A_476 : memref<80xi32, #tpu.memory_space<vmem>>) semaphore(%arg12 : memref<!tpu.dma_semaphore, #tpu.memory_space<semaphore_mem>>) {add = true}
      %add3A_480 = arith.constant 2 : i32
      %add3A_481 = arith.addi %mul3A_379, %add3A_480 : i32
      %dma_start3A_482 = arith.constant 2 : i32
      %dma_start3A_483 = arith.constant 0 : i32
      %dma_start3A_484 = arith.constant 0 : i32
      %dma_start3A_485 = tpu.memref_slice %arg8[%dma_start3A_482, %dma_start3A_483, %dma_start3A_484] : memref<10x80x64xf32, #tpu.memory_space<vmem>> -> memref<1x80x64xf32, #tpu.memory_space<vmem>>
      %dma_start3A_486 = tpu.memref_squeeze %dma_start3A_485 : memref<1x80x64xf32, #tpu.memory_space<vmem>> -> memref<80x64xf32, #tpu.memory_space<vmem>>
      %dma_start3A_487 = arith.constant 0 : i32
      %dma_start3A_488 = tpu.memref_slice %arg7[%add3A_481, %dma_start3A_487] : memref<125x80xi32, #tpu.memory_space<vmem>> -> memref<1x80xi32, #tpu.memory_space<vmem>>
      %dma_start3A_489 = tpu.memref_squeeze %dma_start3A_488 : memref<1x80xi32, #tpu.memory_space<vmem>> -> memref<80xi32, #tpu.memory_space<vmem>>
      %dma_start3A_490 = arith.constant 0 : i32
      %dma_start3A_491 = arith.constant 0 : i32
      %dma_start3A_492 = tpu.memref_slice %arg9[%dma_start3A_490, %dma_start3A_491] : memref<10240x64xf32, #tpu.memory_space<vmem_shared>> -> memref<10240x64xf32, #tpu.memory_space<vmem_shared>>
      tpu.enqueue_indirect_dma source(%dma_start3A_486 : memref<80x64xf32, #tpu.memory_space<vmem>>) target(%dma_start3A_492 : memref<10240x64xf32, #tpu.memory_space<vmem_shared>>) offsets(%dma_start3A_489 : memref<80xi32, #tpu.memory_space<vmem>>) semaphore(%arg12 : memref<!tpu.dma_semaphore, #tpu.memory_space<semaphore_mem>>) {add = true}
      %add3A_493 = arith.constant 3 : i32
      %add3A_494 = arith.addi %mul3A_379, %add3A_493 : i32
      %dma_start3A_495 = arith.constant 3 : i32
      %dma_start3A_496 = arith.constant 0 : i32
      %dma_start3A_497 = arith.constant 0 : i32
      %dma_start3A_498 = tpu.memref_slice %arg8[%dma_start3A_495, %dma_start3A_496, %dma_start3A_497] : memref<10x80x64xf32, #tpu.memory_space<vmem>> -> memref<1x80x64xf32, #tpu.memory_space<vmem>>
      %dma_start3A_499 = tpu.memref_squeeze %dma_start3A_498 : memref<1x80x64xf32, #tpu.memory_space<vmem>> -> memref<80x64xf32, #tpu.memory_space<vmem>>
      %dma_start3A_500 = arith.constant 0 : i32
      %dma_start3A_501 = tpu.memref_slice %arg7[%add3A_494, %dma_start3A_500] : memref<125x80xi32, #tpu.memory_space<vmem>> -> memref<1x80xi32, #tpu.memory_space<vmem>>
      %dma_start3A_502 = tpu.memref_squeeze %dma_start3A_501 : memref<1x80xi32, #tpu.memory_space<vmem>> -> memref<80xi32, #tpu.memory_space<vmem>>
      %dma_start3A_503 = arith.constant 0 : i32
      %dma_start3A_504 = arith.constant 0 : i32
      %dma_start3A_505 = tpu.memref_slice %arg9[%dma_start3A_503, %dma_start3A_504] : memref<10240x64xf32, #tpu.memory_space<vmem_shared>> -> memref<10240x64xf32, #tpu.memory_space<vmem_shared>>
      tpu.enqueue_indirect_dma source(%dma_start3A_499 : memref<80x64xf32, #tpu.memory_space<vmem>>) target(%dma_start3A_505 : memref<10240x64xf32, #tpu.memory_space<vmem_shared>>) offsets(%dma_start3A_502 : memref<80xi32, #tpu.memory_space<vmem>>) semaphore(%arg12 : memref<!tpu.dma_semaphore, #tpu.memory_space<semaphore_mem>>) {add = true}
      %add3A_506 = arith.constant 4 : i32
      %add3A_507 = arith.addi %mul3A_379, %add3A_506 : i32
      %dma_start3A_508 = arith.constant 4 : i32
      %dma_start3A_509 = arith.constant 0 : i32
      %dma_start3A_510 = arith.constant 0 : i32
      %dma_start3A_511 = tpu.memref_slice %arg8[%dma_start3A_508, %dma_start3A_509, %dma_start3A_510] : memref<10x80x64xf32, #tpu.memory_space<vmem>> -> memref<1x80x64xf32, #tpu.memory_space<vmem>>
      %dma_start3A_512 = tpu.memref_squeeze %dma_start3A_511 : memref<1x80x64xf32, #tpu.memory_space<vmem>> -> memref<80x64xf32, #tpu.memory_space<vmem>>
      %dma_start3A_513 = arith.constant 0 : i32
      %dma_start3A_514 = tpu.memref_slice %arg7[%add3A_507, %dma_start3A_513] : memref<125x80xi32, #tpu.memory_space<vmem>> -> memref<1x80xi32, #tpu.memory_space<vmem>>
      %dma_start3A_515 = tpu.memref_squeeze %dma_start3A_514 : memref<1x80xi32, #tpu.memory_space<vmem>> -> memref<80xi32, #tpu.memory_space<vmem>>
      %dma_start3A_516 = arith.constant 0 : i32
      %dma_start3A_517 = arith.constant 0 : i32
      %dma_start3A_518 = tpu.memref_slice %arg9[%dma_start3A_516, %dma_start3A_517] : memref<10240x64xf32, #tpu.memory_space<vmem_shared>> -> memref<10240x64xf32, #tpu.memory_space<vmem_shared>>
      tpu.enqueue_indirect_dma source(%dma_start3A_512 : memref<80x64xf32, #tpu.memory_space<vmem>>) target(%dma_start3A_518 : memref<10240x64xf32, #tpu.memory_space<vmem_shared>>) offsets(%dma_start3A_515 : memref<80xi32, #tpu.memory_space<vmem>>) semaphore(%arg12 : memref<!tpu.dma_semaphore, #tpu.memory_space<semaphore_mem>>) {add = true}
      %add3A_519 = arith.constant 0 : i32
      %add3A_520 = arith.addi %mul3A_379, %add3A_519 : i32
      %dma_wait3A_521 = arith.constant 0 : i32
      %dma_wait3A_522 = arith.constant 0 : i32
      %dma_wait3A_523 = arith.constant 0 : i32
      %dma_wait3A_524 = tpu.memref_slice %arg8[%dma_wait3A_521, %dma_wait3A_522, %dma_wait3A_523] : memref<10x80x64xf32, #tpu.memory_space<vmem>> -> memref<1x80x64xf32, #tpu.memory_space<vmem>>
      %dma_wait3A_525 = tpu.memref_squeeze %dma_wait3A_524 : memref<1x80x64xf32, #tpu.memory_space<vmem>> -> memref<80x64xf32, #tpu.memory_space<vmem>>
      %dma_wait3A_526 = arith.constant 0 : i32
      %dma_wait3A_527 = tpu.memref_slice %arg7[%add3A_520, %dma_wait3A_526] : memref<125x80xi32, #tpu.memory_space<vmem>> -> memref<1x80xi32, #tpu.memory_space<vmem>>
      %dma_wait3A_528 = tpu.memref_squeeze %dma_wait3A_527 : memref<1x80xi32, #tpu.memory_space<vmem>> -> memref<80xi32, #tpu.memory_space<vmem>>
      %dma_wait3A_529 = arith.constant 0 : i32
      %dma_wait3A_530 = arith.constant 0 : i32
      %dma_wait3A_531 = tpu.memref_slice %arg9[%dma_wait3A_529, %dma_wait3A_530] : memref<10240x64xf32, #tpu.memory_space<vmem_shared>> -> memref<10240x64xf32, #tpu.memory_space<vmem_shared>>
      tpu.wait_indirect_dma semaphore(%arg12 : memref<!tpu.dma_semaphore, #tpu.memory_space<semaphore_mem>>) src(%dma_wait3A_525 : memref<80x64xf32, #tpu.memory_space<vmem>>) dst(%dma_wait3A_531 : memref<10240x64xf32, #tpu.memory_space<vmem_shared>>)
      %add3A_532 = arith.constant 1 : i32
      %add3A_533 = arith.addi %mul3A_379, %add3A_532 : i32
      %dma_wait3A_534 = arith.constant 1 : i32
      %dma_wait3A_535 = arith.constant 0 : i32
      %dma_wait3A_536 = arith.constant 0 : i32
      %dma_wait3A_537 = tpu.memref_slice %arg8[%dma_wait3A_534, %dma_wait3A_535, %dma_wait3A_536] : memref<10x80x64xf32, #tpu.memory_space<vmem>> -> memref<1x80x64xf32, #tpu.memory_space<vmem>>
      %dma_wait3A_538 = tpu.memref_squeeze %dma_wait3A_537 : memref<1x80x64xf32, #tpu.memory_space<vmem>> -> memref<80x64xf32, #tpu.memory_space<vmem>>
      %dma_wait3A_539 = arith.constant 0 : i32
      %dma_wait3A_540 = tpu.memref_slice %arg7[%add3A_533, %dma_wait3A_539] : memref<125x80xi32, #tpu.memory_space<vmem>> -> memref<1x80xi32, #tpu.memory_space<vmem>>
      %dma_wait3A_541 = tpu.memref_squeeze %dma_wait3A_540 : memref<1x80xi32, #tpu.memory_space<vmem>> -> memref<80xi32, #tpu.memory_space<vmem>>
      %dma_wait3A_542 = arith.constant 0 : i32
      %dma_wait3A_543 = arith.constant 0 : i32
      %dma_wait3A_544 = tpu.memref_slice %arg9[%dma_wait3A_542, %dma_wait3A_543] : memref<10240x64xf32, #tpu.memory_space<vmem_shared>> -> memref<10240x64xf32, #tpu.memory_space<vmem_shared>>
      tpu.wait_indirect_dma semaphore(%arg12 : memref<!tpu.dma_semaphore, #tpu.memory_space<semaphore_mem>>) src(%dma_wait3A_538 : memref<80x64xf32, #tpu.memory_space<vmem>>) dst(%dma_wait3A_544 : memref<10240x64xf32, #tpu.memory_space<vmem_shared>>)
      %add3A_545 = arith.constant 2 : i32
      %add3A_546 = arith.addi %mul3A_379, %add3A_545 : i32
      %dma_wait3A_547 = arith.constant 2 : i32
      %dma_wait3A_548 = arith.constant 0 : i32
      %dma_wait3A_549 = arith.constant 0 : i32
      %dma_wait3A_550 = tpu.memref_slice %arg8[%dma_wait3A_547, %dma_wait3A_548, %dma_wait3A_549] : memref<10x80x64xf32, #tpu.memory_space<vmem>> -> memref<1x80x64xf32, #tpu.memory_space<vmem>>
      %dma_wait3A_551 = tpu.memref_squeeze %dma_wait3A_550 : memref<1x80x64xf32, #tpu.memory_space<vmem>> -> memref<80x64xf32, #tpu.memory_space<vmem>>
      %dma_wait3A_552 = arith.constant 0 : i32
      %dma_wait3A_553 = tpu.memref_slice %arg7[%add3A_546, %dma_wait3A_552] : memref<125x80xi32, #tpu.memory_space<vmem>> -> memref<1x80xi32, #tpu.memory_space<vmem>>
      %dma_wait3A_554 = tpu.memref_squeeze %dma_wait3A_553 : memref<1x80xi32, #tpu.memory_space<vmem>> -> memref<80xi32, #tpu.memory_space<vmem>>
      %dma_wait3A_555 = arith.constant 0 : i32
      %dma_wait3A_556 = arith.constant 0 : i32
      %dma_wait3A_557 = tpu.memref_slice %arg9[%dma_wait3A_555, %dma_wait3A_556] : memref<10240x64xf32, #tpu.memory_space<vmem_shared>> -> memref<10240x64xf32, #tpu.memory_space<vmem_shared>>
      tpu.wait_indirect_dma semaphore(%arg12 : memref<!tpu.dma_semaphore, #tpu.memory_space<semaphore_mem>>) src(%dma_wait3A_551 : memref<80x64xf32, #tpu.memory_space<vmem>>) dst(%dma_wait3A_557 : memref<10240x64xf32, #tpu.memory_space<vmem_shared>>)
      %add3A_558 = arith.constant 3 : i32
      %add3A_559 = arith.addi %mul3A_379, %add3A_558 : i32
      %dma_wait3A_560 = arith.constant 3 : i32
      %dma_wait3A_561 = arith.constant 0 : i32
      %dma_wait3A_562 = arith.constant 0 : i32
      %dma_wait3A_563 = tpu.memref_slice %arg8[%dma_wait3A_560, %dma_wait3A_561, %dma_wait3A_562] : memref<10x80x64xf32, #tpu.memory_space<vmem>> -> memref<1x80x64xf32, #tpu.memory_space<vmem>>
      %dma_wait3A_564 = tpu.memref_squeeze %dma_wait3A_563 : memref<1x80x64xf32, #tpu.memory_space<vmem>> -> memref<80x64xf32, #tpu.memory_space<vmem>>
      %dma_wait3A_565 = arith.constant 0 : i32
      %dma_wait3A_566 = tpu.memref_slice %arg7[%add3A_559, %dma_wait3A_565] : memref<125x80xi32, #tpu.memory_space<vmem>> -> memref<1x80xi32, #tpu.memory_space<vmem>>
      %dma_wait3A_567 = tpu.memref_squeeze %dma_wait3A_566 : memref<1x80xi32, #tpu.memory_space<vmem>> -> memref<80xi32, #tpu.memory_space<vmem>>
      %dma_wait3A_568 = arith.constant 0 : i32
      %dma_wait3A_569 = arith.constant 0 : i32
      %dma_wait3A_570 = tpu.memref_slice %arg9[%dma_wait3A_568, %dma_wait3A_569] : memref<10240x64xf32, #tpu.memory_space<vmem_shared>> -> memref<10240x64xf32, #tpu.memory_space<vmem_shared>>
      tpu.wait_indirect_dma semaphore(%arg12 : memref<!tpu.dma_semaphore, #tpu.memory_space<semaphore_mem>>) src(%dma_wait3A_564 : memref<80x64xf32, #tpu.memory_space<vmem>>) dst(%dma_wait3A_570 : memref<10240x64xf32, #tpu.memory_space<vmem_shared>>)
      %add3A_571 = arith.constant 4 : i32
      %add3A_572 = arith.addi %mul3A_379, %add3A_571 : i32
      %dma_wait3A_573 = arith.constant 4 : i32
      %dma_wait3A_574 = arith.constant 0 : i32
      %dma_wait3A_575 = arith.constant 0 : i32
      %dma_wait3A_576 = tpu.memref_slice %arg8[%dma_wait3A_573, %dma_wait3A_574, %dma_wait3A_575] : memref<10x80x64xf32, #tpu.memory_space<vmem>> -> memref<1x80x64xf32, #tpu.memory_space<vmem>>
      %dma_wait3A_577 = tpu.memref_squeeze %dma_wait3A_576 : memref<1x80x64xf32, #tpu.memory_space<vmem>> -> memref<80x64xf32, #tpu.memory_space<vmem>>
      %dma_wait3A_578 = arith.constant 0 : i32
      %dma_wait3A_579 = tpu.memref_slice %arg7[%add3A_572, %dma_wait3A_578] : memref<125x80xi32, #tpu.memory_space<vmem>> -> memref<1x80xi32, #tpu.memory_space<vmem>>
      %dma_wait3A_580 = tpu.memref_squeeze %dma_wait3A_579 : memref<1x80xi32, #tpu.memory_space<vmem>> -> memref<80xi32, #tpu.memory_space<vmem>>
      %dma_wait3A_581 = arith.constant 0 : i32
      %dma_wait3A_582 = arith.constant 0 : i32
      %dma_wait3A_583 = tpu.memref_slice %arg9[%dma_wait3A_581, %dma_wait3A_582] : memref<10240x64xf32, #tpu.memory_space<vmem_shared>> -> memref<10240x64xf32, #tpu.memory_space<vmem_shared>>
      tpu.wait_indirect_dma semaphore(%arg12 : memref<!tpu.dma_semaphore, #tpu.memory_space<semaphore_mem>>) src(%dma_wait3A_577 : memref<80x64xf32, #tpu.memory_space<vmem>>) dst(%dma_wait3A_583 : memref<10240x64xf32, #tpu.memory_space<vmem_shared>>)
      %add3A_584 = arith.constant 0 : i32
      %add3A_585 = arith.addi %add3A_388, %add3A_584 : i32
      %dma_start3A_586 = arith.constant 0 : i32
      %dma_start3A_587 = arith.constant 0 : i32
      %dma_start3A_588 = arith.constant 0 : i32
      %dma_start3A_589 = tpu.memref_slice %arg8[%dma_start3A_586, %dma_start3A_587, %dma_start3A_588] : memref<10x80x64xf32, #tpu.memory_space<vmem>> -> memref<1x80x64xf32, #tpu.memory_space<vmem>>
      %dma_start3A_590 = tpu.memref_squeeze %dma_start3A_589 : memref<1x80x64xf32, #tpu.memory_space<vmem>> -> memref<80x64xf32, #tpu.memory_space<vmem>>
      %dma_start3A_591 = arith.constant 0 : i32
      %dma_start3A_592 = tpu.memref_slice %arg6[%add3A_585, %dma_start3A_591] : memref<125x80xi32, #tpu.memory_space<vmem>> -> memref<1x80xi32, #tpu.memory_space<vmem>>
      %dma_start3A_593 = tpu.memref_squeeze %dma_start3A_592 : memref<1x80xi32, #tpu.memory_space<vmem>> -> memref<80xi32, #tpu.memory_space<vmem>>
      %dma_start3A_594 = arith.constant 0 : i32
      %dma_start3A_595 = arith.constant 0 : i32
      %dma_start3A_596 = tpu.memref_slice %arg2[%dma_start3A_594, %dma_start3A_595] : memref<10240x64xf32, #tpu.memory_space<hbm>> -> memref<10240x64xf32, #tpu.memory_space<hbm>>
      tpu.enqueue_indirect_dma source(%dma_start3A_596 : memref<10240x64xf32, #tpu.memory_space<hbm>>) target(%dma_start3A_590 : memref<80x64xf32, #tpu.memory_space<vmem>>) offsets(%dma_start3A_593 : memref<80xi32, #tpu.memory_space<vmem>>) semaphore(%arg10 : memref<!tpu.dma_semaphore, #tpu.memory_space<semaphore_mem>>)
      %add3A_597 = arith.constant 1 : i32
      %add3A_598 = arith.addi %add3A_388, %add3A_597 : i32
      %dma_start3A_599 = arith.constant 1 : i32
      %dma_start3A_600 = arith.constant 0 : i32
      %dma_start3A_601 = arith.constant 0 : i32
      %dma_start3A_602 = tpu.memref_slice %arg8[%dma_start3A_599, %dma_start3A_600, %dma_start3A_601] : memref<10x80x64xf32, #tpu.memory_space<vmem>> -> memref<1x80x64xf32, #tpu.memory_space<vmem>>
      %dma_start3A_603 = tpu.memref_squeeze %dma_start3A_602 : memref<1x80x64xf32, #tpu.memory_space<vmem>> -> memref<80x64xf32, #tpu.memory_space<vmem>>
      %dma_start3A_604 = arith.constant 0 : i32
      %dma_start3A_605 = tpu.memref_slice %arg6[%add3A_598, %dma_start3A_604] : memref<125x80xi32, #tpu.memory_space<vmem>> -> memref<1x80xi32, #tpu.memory_space<vmem>>
      %dma_start3A_606 = tpu.memref_squeeze %dma_start3A_605 : memref<1x80xi32, #tpu.memory_space<vmem>> -> memref<80xi32, #tpu.memory_space<vmem>>
      %dma_start3A_607 = arith.constant 0 : i32
      %dma_start3A_608 = arith.constant 0 : i32
      %dma_start3A_609 = tpu.memref_slice %arg2[%dma_start3A_607, %dma_start3A_608] : memref<10240x64xf32, #tpu.memory_space<hbm>> -> memref<10240x64xf32, #tpu.memory_space<hbm>>
      tpu.enqueue_indirect_dma source(%dma_start3A_609 : memref<10240x64xf32, #tpu.memory_space<hbm>>) target(%dma_start3A_603 : memref<80x64xf32, #tpu.memory_space<vmem>>) offsets(%dma_start3A_606 : memref<80xi32, #tpu.memory_space<vmem>>) semaphore(%arg10 : memref<!tpu.dma_semaphore, #tpu.memory_space<semaphore_mem>>)
      %add3A_610 = arith.constant 2 : i32
      %add3A_611 = arith.addi %add3A_388, %add3A_610 : i32
      %dma_start3A_612 = arith.constant 2 : i32
      %dma_start3A_613 = arith.constant 0 : i32
      %dma_start3A_614 = arith.constant 0 : i32
      %dma_start3A_615 = tpu.memref_slice %arg8[%dma_start3A_612, %dma_start3A_613, %dma_start3A_614] : memref<10x80x64xf32, #tpu.memory_space<vmem>> -> memref<1x80x64xf32, #tpu.memory_space<vmem>>
      %dma_start3A_616 = tpu.memref_squeeze %dma_start3A_615 : memref<1x80x64xf32, #tpu.memory_space<vmem>> -> memref<80x64xf32, #tpu.memory_space<vmem>>
      %dma_start3A_617 = arith.constant 0 : i32
      %dma_start3A_618 = tpu.memref_slice %arg6[%add3A_611, %dma_start3A_617] : memref<125x80xi32, #tpu.memory_space<vmem>> -> memref<1x80xi32, #tpu.memory_space<vmem>>
      %dma_start3A_619 = tpu.memref_squeeze %dma_start3A_618 : memref<1x80xi32, #tpu.memory_space<vmem>> -> memref<80xi32, #tpu.memory_space<vmem>>
      %dma_start3A_620 = arith.constant 0 : i32
      %dma_start3A_621 = arith.constant 0 : i32
      %dma_start3A_622 = tpu.memref_slice %arg2[%dma_start3A_620, %dma_start3A_621] : memref<10240x64xf32, #tpu.memory_space<hbm>> -> memref<10240x64xf32, #tpu.memory_space<hbm>>
      tpu.enqueue_indirect_dma source(%dma_start3A_622 : memref<10240x64xf32, #tpu.memory_space<hbm>>) target(%dma_start3A_616 : memref<80x64xf32, #tpu.memory_space<vmem>>) offsets(%dma_start3A_619 : memref<80xi32, #tpu.memory_space<vmem>>) semaphore(%arg10 : memref<!tpu.dma_semaphore, #tpu.memory_space<semaphore_mem>>)
      %add3A_623 = arith.constant 3 : i32
      %add3A_624 = arith.addi %add3A_388, %add3A_623 : i32
      %dma_start3A_625 = arith.constant 3 : i32
      %dma_start3A_626 = arith.constant 0 : i32
      %dma_start3A_627 = arith.constant 0 : i32
      %dma_start3A_628 = tpu.memref_slice %arg8[%dma_start3A_625, %dma_start3A_626, %dma_start3A_627] : memref<10x80x64xf32, #tpu.memory_space<vmem>> -> memref<1x80x64xf32, #tpu.memory_space<vmem>>
      %dma_start3A_629 = tpu.memref_squeeze %dma_start3A_628 : memref<1x80x64xf32, #tpu.memory_space<vmem>> -> memref<80x64xf32, #tpu.memory_space<vmem>>
      %dma_start3A_630 = arith.constant 0 : i32
      %dma_start3A_631 = tpu.memref_slice %arg6[%add3A_624, %dma_start3A_630] : memref<125x80xi32, #tpu.memory_space<vmem>> -> memref<1x80xi32, #tpu.memory_space<vmem>>
      %dma_start3A_632 = tpu.memref_squeeze %dma_start3A_631 : memref<1x80xi32, #tpu.memory_space<vmem>> -> memref<80xi32, #tpu.memory_space<vmem>>
      %dma_start3A_633 = arith.constant 0 : i32
      %dma_start3A_634 = arith.constant 0 : i32
      %dma_start3A_635 = tpu.memref_slice %arg2[%dma_start3A_633, %dma_start3A_634] : memref<10240x64xf32, #tpu.memory_space<hbm>> -> memref<10240x64xf32, #tpu.memory_space<hbm>>
      tpu.enqueue_indirect_dma source(%dma_start3A_635 : memref<10240x64xf32, #tpu.memory_space<hbm>>) target(%dma_start3A_629 : memref<80x64xf32, #tpu.memory_space<vmem>>) offsets(%dma_start3A_632 : memref<80xi32, #tpu.memory_space<vmem>>) semaphore(%arg10 : memref<!tpu.dma_semaphore, #tpu.memory_space<semaphore_mem>>)
      %add3A_636 = arith.constant 4 : i32
      %add3A_637 = arith.addi %add3A_388, %add3A_636 : i32
      %dma_start3A_638 = arith.constant 4 : i32
      %dma_start3A_639 = arith.constant 0 : i32
      %dma_start3A_640 = arith.constant 0 : i32
      %dma_start3A_641 = tpu.memref_slice %arg8[%dma_start3A_638, %dma_start3A_639, %dma_start3A_640] : memref<10x80x64xf32, #tpu.memory_space<vmem>> -> memref<1x80x64xf32, #tpu.memory_space<vmem>>
      %dma_start3A_642 = tpu.memref_squeeze %dma_start3A_641 : memref<1x80x64xf32, #tpu.memory_space<vmem>> -> memref<80x64xf32, #tpu.memory_space<vmem>>
      %dma_start3A_643 = arith.constant 0 : i32
      %dma_start3A_644 = tpu.memref_slice %arg6[%add3A_637, %dma_start3A_643] : memref<125x80xi32, #tpu.memory_space<vmem>> -> memref<1x80xi32, #tpu.memory_space<vmem>>
      %dma_start3A_645 = tpu.memref_squeeze %dma_start3A_644 : memref<1x80xi32, #tpu.memory_space<vmem>> -> memref<80xi32, #tpu.memory_space<vmem>>
      %dma_start3A_646 = arith.constant 0 : i32
      %dma_start3A_647 = arith.constant 0 : i32
      %dma_start3A_648 = tpu.memref_slice %arg2[%dma_start3A_646, %dma_start3A_647] : memref<10240x64xf32, #tpu.memory_space<hbm>> -> memref<10240x64xf32, #tpu.memory_space<hbm>>
      tpu.enqueue_indirect_dma source(%dma_start3A_648 : memref<10240x64xf32, #tpu.memory_space<hbm>>) target(%dma_start3A_642 : memref<80x64xf32, #tpu.memory_space<vmem>>) offsets(%dma_start3A_645 : memref<80xi32, #tpu.memory_space<vmem>>) semaphore(%arg10 : memref<!tpu.dma_semaphore, #tpu.memory_space<semaphore_mem>>)
      %add3A_649 = arith.constant 0 : i32
      %add3A_650 = arith.addi %add3A_381, %add3A_649 : i32
      %dma_wait3A_651 = arith.constant 5 : i32
      %dma_wait3A_652 = arith.constant 0 : i32
      %dma_wait3A_653 = arith.constant 0 : i32
      %dma_wait3A_654 = tpu.memref_slice %arg8[%dma_wait3A_651, %dma_wait3A_652, %dma_wait3A_653] : memref<10x80x64xf32, #tpu.memory_space<vmem>> -> memref<1x80x64xf32, #tpu.memory_space<vmem>>
      %dma_wait3A_655 = tpu.memref_squeeze %dma_wait3A_654 : memref<1x80x64xf32, #tpu.memory_space<vmem>> -> memref<80x64xf32, #tpu.memory_space<vmem>>
      %dma_wait3A_656 = arith.constant 0 : i32
      %dma_wait3A_657 = tpu.memref_slice %arg6[%add3A_650, %dma_wait3A_656] : memref<125x80xi32, #tpu.memory_space<vmem>> -> memref<1x80xi32, #tpu.memory_space<vmem>>
      %dma_wait3A_658 = tpu.memref_squeeze %dma_wait3A_657 : memref<1x80xi32, #tpu.memory_space<vmem>> -> memref<80xi32, #tpu.memory_space<vmem>>
      %dma_wait3A_659 = arith.constant 0 : i32
      %dma_wait3A_660 = arith.constant 0 : i32
      %dma_wait3A_661 = tpu.memref_slice %arg2[%dma_wait3A_659, %dma_wait3A_660] : memref<10240x64xf32, #tpu.memory_space<hbm>> -> memref<10240x64xf32, #tpu.memory_space<hbm>>
      tpu.wait_indirect_dma semaphore(%arg11 : memref<!tpu.dma_semaphore, #tpu.memory_space<semaphore_mem>>) src(%dma_wait3A_661 : memref<10240x64xf32, #tpu.memory_space<hbm>>) dst(%dma_wait3A_655 : memref<80x64xf32, #tpu.memory_space<vmem>>)
      %add3A_662 = arith.constant 1 : i32
      %add3A_663 = arith.addi %add3A_381, %add3A_662 : i32
      %dma_wait3A_664 = arith.constant 6 : i32
      %dma_wait3A_665 = arith.constant 0 : i32
      %dma_wait3A_666 = arith.constant 0 : i32
      %dma_wait3A_667 = tpu.memref_slice %arg8[%dma_wait3A_664, %dma_wait3A_665, %dma_wait3A_666] : memref<10x80x64xf32, #tpu.memory_space<vmem>> -> memref<1x80x64xf32, #tpu.memory_space<vmem>>
      %dma_wait3A_668 = tpu.memref_squeeze %dma_wait3A_667 : memref<1x80x64xf32, #tpu.memory_space<vmem>> -> memref<80x64xf32, #tpu.memory_space<vmem>>
      %dma_wait3A_669 = arith.constant 0 : i32
      %dma_wait3A_670 = tpu.memref_slice %arg6[%add3A_663, %dma_wait3A_669] : memref<125x80xi32, #tpu.memory_space<vmem>> -> memref<1x80xi32, #tpu.memory_space<vmem>>
      %dma_wait3A_671 = tpu.memref_squeeze %dma_wait3A_670 : memref<1x80xi32, #tpu.memory_space<vmem>> -> memref<80xi32, #tpu.memory_space<vmem>>
      %dma_wait3A_672 = arith.constant 0 : i32
      %dma_wait3A_673 = arith.constant 0 : i32
      %dma_wait3A_674 = tpu.memref_slice %arg2[%dma_wait3A_672, %dma_wait3A_673] : memref<10240x64xf32, #tpu.memory_space<hbm>> -> memref<10240x64xf32, #tpu.memory_space<hbm>>
      tpu.wait_indirect_dma semaphore(%arg11 : memref<!tpu.dma_semaphore, #tpu.memory_space<semaphore_mem>>) src(%dma_wait3A_674 : memref<10240x64xf32, #tpu.memory_space<hbm>>) dst(%dma_wait3A_668 : memref<80x64xf32, #tpu.memory_space<vmem>>)
      %add3A_675 = arith.constant 2 : i32
      %add3A_676 = arith.addi %add3A_381, %add3A_675 : i32
      %dma_wait3A_677 = arith.constant 7 : i32
      %dma_wait3A_678 = arith.constant 0 : i32
      %dma_wait3A_679 = arith.constant 0 : i32
      %dma_wait3A_680 = tpu.memref_slice %arg8[%dma_wait3A_677, %dma_wait3A_678, %dma_wait3A_679] : memref<10x80x64xf32, #tpu.memory_space<vmem>> -> memref<1x80x64xf32, #tpu.memory_space<vmem>>
      %dma_wait3A_681 = tpu.memref_squeeze %dma_wait3A_680 : memref<1x80x64xf32, #tpu.memory_space<vmem>> -> memref<80x64xf32, #tpu.memory_space<vmem>>
      %dma_wait3A_682 = arith.constant 0 : i32
      %dma_wait3A_683 = tpu.memref_slice %arg6[%add3A_676, %dma_wait3A_682] : memref<125x80xi32, #tpu.memory_space<vmem>> -> memref<1x80xi32, #tpu.memory_space<vmem>>
      %dma_wait3A_684 = tpu.memref_squeeze %dma_wait3A_683 : memref<1x80xi32, #tpu.memory_space<vmem>> -> memref<80xi32, #tpu.memory_space<vmem>>
      %dma_wait3A_685 = arith.constant 0 : i32
      %dma_wait3A_686 = arith.constant 0 : i32
      %dma_wait3A_687 = tpu.memref_slice %arg2[%dma_wait3A_685, %dma_wait3A_686] : memref<10240x64xf32, #tpu.memory_space<hbm>> -> memref<10240x64xf32, #tpu.memory_space<hbm>>
      tpu.wait_indirect_dma semaphore(%arg11 : memref<!tpu.dma_semaphore, #tpu.memory_space<semaphore_mem>>) src(%dma_wait3A_687 : memref<10240x64xf32, #tpu.memory_space<hbm>>) dst(%dma_wait3A_681 : memref<80x64xf32, #tpu.memory_space<vmem>>)
      %add3A_688 = arith.constant 3 : i32
      %add3A_689 = arith.addi %add3A_381, %add3A_688 : i32
      %dma_wait3A_690 = arith.constant 8 : i32
      %dma_wait3A_691 = arith.constant 0 : i32
      %dma_wait3A_692 = arith.constant 0 : i32
      %dma_wait3A_693 = tpu.memref_slice %arg8[%dma_wait3A_690, %dma_wait3A_691, %dma_wait3A_692] : memref<10x80x64xf32, #tpu.memory_space<vmem>> -> memref<1x80x64xf32, #tpu.memory_space<vmem>>
      %dma_wait3A_694 = tpu.memref_squeeze %dma_wait3A_693 : memref<1x80x64xf32, #tpu.memory_space<vmem>> -> memref<80x64xf32, #tpu.memory_space<vmem>>
      %dma_wait3A_695 = arith.constant 0 : i32
      %dma_wait3A_696 = tpu.memref_slice %arg6[%add3A_689, %dma_wait3A_695] : memref<125x80xi32, #tpu.memory_space<vmem>> -> memref<1x80xi32, #tpu.memory_space<vmem>>
      %dma_wait3A_697 = tpu.memref_squeeze %dma_wait3A_696 : memref<1x80xi32, #tpu.memory_space<vmem>> -> memref<80xi32, #tpu.memory_space<vmem>>
      %dma_wait3A_698 = arith.constant 0 : i32
      %dma_wait3A_699 = arith.constant 0 : i32
      %dma_wait3A_700 = tpu.memref_slice %arg2[%dma_wait3A_698, %dma_wait3A_699] : memref<10240x64xf32, #tpu.memory_space<hbm>> -> memref<10240x64xf32, #tpu.memory_space<hbm>>
      tpu.wait_indirect_dma semaphore(%arg11 : memref<!tpu.dma_semaphore, #tpu.memory_space<semaphore_mem>>) src(%dma_wait3A_700 : memref<10240x64xf32, #tpu.memory_space<hbm>>) dst(%dma_wait3A_694 : memref<80x64xf32, #tpu.memory_space<vmem>>)
      %add3A_701 = arith.constant 4 : i32
      %add3A_702 = arith.addi %add3A_381, %add3A_701 : i32
      %dma_wait3A_703 = arith.constant 9 : i32
      %dma_wait3A_704 = arith.constant 0 : i32
      %dma_wait3A_705 = arith.constant 0 : i32
      %dma_wait3A_706 = tpu.memref_slice %arg8[%dma_wait3A_703, %dma_wait3A_704, %dma_wait3A_705] : memref<10x80x64xf32, #tpu.memory_space<vmem>> -> memref<1x80x64xf32, #tpu.memory_space<vmem>>
      %dma_wait3A_707 = tpu.memref_squeeze %dma_wait3A_706 : memref<1x80x64xf32, #tpu.memory_space<vmem>> -> memref<80x64xf32, #tpu.memory_space<vmem>>
      %dma_wait3A_708 = arith.constant 0 : i32
      %dma_wait3A_709 = tpu.memref_slice %arg6[%add3A_702, %dma_wait3A_708] : memref<125x80xi32, #tpu.memory_space<vmem>> -> memref<1x80xi32, #tpu.memory_space<vmem>>
      %dma_wait3A_710 = tpu.memref_squeeze %dma_wait3A_709 : memref<1x80xi32, #tpu.memory_space<vmem>> -> memref<80xi32, #tpu.memory_space<vmem>>
      %dma_wait3A_711 = arith.constant 0 : i32
      %dma_wait3A_712 = arith.constant 0 : i32
      %dma_wait3A_713 = tpu.memref_slice %arg2[%dma_wait3A_711, %dma_wait3A_712] : memref<10240x64xf32, #tpu.memory_space<hbm>> -> memref<10240x64xf32, #tpu.memory_space<hbm>>
      tpu.wait_indirect_dma semaphore(%arg11 : memref<!tpu.dma_semaphore, #tpu.memory_space<semaphore_mem>>) src(%dma_wait3A_713 : memref<10240x64xf32, #tpu.memory_space<hbm>>) dst(%dma_wait3A_707 : memref<80x64xf32, #tpu.memory_space<vmem>>)
      %add3A_714 = arith.constant 0 : i32
      %add3A_715 = arith.addi %add3A_381, %add3A_714 : i32
      %dma_start3A_716 = arith.constant 5 : i32
      %dma_start3A_717 = arith.constant 0 : i32
      %dma_start3A_718 = arith.constant 0 : i32
      %dma_start3A_719 = tpu.memref_slice %arg8[%dma_start3A_716, %dma_start3A_717, %dma_start3A_718] : memref<10x80x64xf32, #tpu.memory_space<vmem>> -> memref<1x80x64xf32, #tpu.memory_space<vmem>>
      %dma_start3A_720 = tpu.memref_squeeze %dma_start3A_719 : memref<1x80x64xf32, #tpu.memory_space<vmem>> -> memref<80x64xf32, #tpu.memory_space<vmem>>
      %dma_start3A_721 = arith.constant 0 : i32
      %dma_start3A_722 = tpu.memref_slice %arg7[%add3A_715, %dma_start3A_721] : memref<125x80xi32, #tpu.memory_space<vmem>> -> memref<1x80xi32, #tpu.memory_space<vmem>>
      %dma_start3A_723 = tpu.memref_squeeze %dma_start3A_722 : memref<1x80xi32, #tpu.memory_space<vmem>> -> memref<80xi32, #tpu.memory_space<vmem>>
      %dma_start3A_724 = arith.constant 0 : i32
      %dma_start3A_725 = arith.constant 0 : i32
      %dma_start3A_726 = tpu.memref_slice %arg9[%dma_start3A_724, %dma_start3A_725] : memref<10240x64xf32, #tpu.memory_space<vmem_shared>> -> memref<10240x64xf32, #tpu.memory_space<vmem_shared>>
      tpu.enqueue_indirect_dma source(%dma_start3A_720 : memref<80x64xf32, #tpu.memory_space<vmem>>) target(%dma_start3A_726 : memref<10240x64xf32, #tpu.memory_space<vmem_shared>>) offsets(%dma_start3A_723 : memref<80xi32, #tpu.memory_space<vmem>>) semaphore(%arg13 : memref<!tpu.dma_semaphore, #tpu.memory_space<semaphore_mem>>) {add = true}
      %add3A_727 = arith.constant 1 : i32
      %add3A_728 = arith.addi %add3A_381, %add3A_727 : i32
      %dma_start3A_729 = arith.constant 6 : i32
      %dma_start3A_730 = arith.constant 0 : i32
      %dma_start3A_731 = arith.constant 0 : i32
      %dma_start3A_732 = tpu.memref_slice %arg8[%dma_start3A_729, %dma_start3A_730, %dma_start3A_731] : memref<10x80x64xf32, #tpu.memory_space<vmem>> -> memref<1x80x64xf32, #tpu.memory_space<vmem>>
      %dma_start3A_733 = tpu.memref_squeeze %dma_start3A_732 : memref<1x80x64xf32, #tpu.memory_space<vmem>> -> memref<80x64xf32, #tpu.memory_space<vmem>>
      %dma_start3A_734 = arith.constant 0 : i32
      %dma_start3A_735 = tpu.memref_slice %arg7[%add3A_728, %dma_start3A_734] : memref<125x80xi32, #tpu.memory_space<vmem>> -> memref<1x80xi32, #tpu.memory_space<vmem>>
      %dma_start3A_736 = tpu.memref_squeeze %dma_start3A_735 : memref<1x80xi32, #tpu.memory_space<vmem>> -> memref<80xi32, #tpu.memory_space<vmem>>
      %dma_start3A_737 = arith.constant 0 : i32
      %dma_start3A_738 = arith.constant 0 : i32
      %dma_start3A_739 = tpu.memref_slice %arg9[%dma_start3A_737, %dma_start3A_738] : memref<10240x64xf32, #tpu.memory_space<vmem_shared>> -> memref<10240x64xf32, #tpu.memory_space<vmem_shared>>
      tpu.enqueue_indirect_dma source(%dma_start3A_733 : memref<80x64xf32, #tpu.memory_space<vmem>>) target(%dma_start3A_739 : memref<10240x64xf32, #tpu.memory_space<vmem_shared>>) offsets(%dma_start3A_736 : memref<80xi32, #tpu.memory_space<vmem>>) semaphore(%arg13 : memref<!tpu.dma_semaphore, #tpu.memory_space<semaphore_mem>>) {add = true}
      %add3A_740 = arith.constant 2 : i32
      %add3A_741 = arith.addi %add3A_381, %add3A_740 : i32
      %dma_start3A_742 = arith.constant 7 : i32
      %dma_start3A_743 = arith.constant 0 : i32
      %dma_start3A_744 = arith.constant 0 : i32
      %dma_start3A_745 = tpu.memref_slice %arg8[%dma_start3A_742, %dma_start3A_743, %dma_start3A_744] : memref<10x80x64xf32, #tpu.memory_space<vmem>> -> memref<1x80x64xf32, #tpu.memory_space<vmem>>
      %dma_start3A_746 = tpu.memref_squeeze %dma_start3A_745 : memref<1x80x64xf32, #tpu.memory_space<vmem>> -> memref<80x64xf32, #tpu.memory_space<vmem>>
      %dma_start3A_747 = arith.constant 0 : i32
      %dma_start3A_748 = tpu.memref_slice %arg7[%add3A_741, %dma_start3A_747] : memref<125x80xi32, #tpu.memory_space<vmem>> -> memref<1x80xi32, #tpu.memory_space<vmem>>
      %dma_start3A_749 = tpu.memref_squeeze %dma_start3A_748 : memref<1x80xi32, #tpu.memory_space<vmem>> -> memref<80xi32, #tpu.memory_space<vmem>>
      %dma_start3A_750 = arith.constant 0 : i32
      %dma_start3A_751 = arith.constant 0 : i32
      %dma_start3A_752 = tpu.memref_slice %arg9[%dma_start3A_750, %dma_start3A_751] : memref<10240x64xf32, #tpu.memory_space<vmem_shared>> -> memref<10240x64xf32, #tpu.memory_space<vmem_shared>>
      tpu.enqueue_indirect_dma source(%dma_start3A_746 : memref<80x64xf32, #tpu.memory_space<vmem>>) target(%dma_start3A_752 : memref<10240x64xf32, #tpu.memory_space<vmem_shared>>) offsets(%dma_start3A_749 : memref<80xi32, #tpu.memory_space<vmem>>) semaphore(%arg13 : memref<!tpu.dma_semaphore, #tpu.memory_space<semaphore_mem>>) {add = true}
      %add3A_753 = arith.constant 3 : i32
      %add3A_754 = arith.addi %add3A_381, %add3A_753 : i32
      %dma_start3A_755 = arith.constant 8 : i32
      %dma_start3A_756 = arith.constant 0 : i32
      %dma_start3A_757 = arith.constant 0 : i32
      %dma_start3A_758 = tpu.memref_slice %arg8[%dma_start3A_755, %dma_start3A_756, %dma_start3A_757] : memref<10x80x64xf32, #tpu.memory_space<vmem>> -> memref<1x80x64xf32, #tpu.memory_space<vmem>>
      %dma_start3A_759 = tpu.memref_squeeze %dma_start3A_758 : memref<1x80x64xf32, #tpu.memory_space<vmem>> -> memref<80x64xf32, #tpu.memory_space<vmem>>
      %dma_start3A_760 = arith.constant 0 : i32
      %dma_start3A_761 = tpu.memref_slice %arg7[%add3A_754, %dma_start3A_760] : memref<125x80xi32, #tpu.memory_space<vmem>> -> memref<1x80xi32, #tpu.memory_space<vmem>>
      %dma_start3A_762 = tpu.memref_squeeze %dma_start3A_761 : memref<1x80xi32, #tpu.memory_space<vmem>> -> memref<80xi32, #tpu.memory_space<vmem>>
      %dma_start3A_763 = arith.constant 0 : i32
      %dma_start3A_764 = arith.constant 0 : i32
      %dma_start3A_765 = tpu.memref_slice %arg9[%dma_start3A_763, %dma_start3A_764] : memref<10240x64xf32, #tpu.memory_space<vmem_shared>> -> memref<10240x64xf32, #tpu.memory_space<vmem_shared>>
      tpu.enqueue_indirect_dma source(%dma_start3A_759 : memref<80x64xf32, #tpu.memory_space<vmem>>) target(%dma_start3A_765 : memref<10240x64xf32, #tpu.memory_space<vmem_shared>>) offsets(%dma_start3A_762 : memref<80xi32, #tpu.memory_space<vmem>>) semaphore(%arg13 : memref<!tpu.dma_semaphore, #tpu.memory_space<semaphore_mem>>) {add = true}
      %add3A_766 = arith.constant 4 : i32
      %add3A_767 = arith.addi %add3A_381, %add3A_766 : i32
      %dma_start3A_768 = arith.constant 9 : i32
      %dma_start3A_769 = arith.constant 0 : i32
      %dma_start3A_770 = arith.constant 0 : i32
      %dma_start3A_771 = tpu.memref_slice %arg8[%dma_start3A_768, %dma_start3A_769, %dma_start3A_770] : memref<10x80x64xf32, #tpu.memory_space<vmem>> -> memref<1x80x64xf32, #tpu.memory_space<vmem>>
      %dma_start3A_772 = tpu.memref_squeeze %dma_start3A_771 : memref<1x80x64xf32, #tpu.memory_space<vmem>> -> memref<80x64xf32, #tpu.memory_space<vmem>>
      %dma_start3A_773 = arith.constant 0 : i32
      %dma_start3A_774 = tpu.memref_slice %arg7[%add3A_767, %dma_start3A_773] : memref<125x80xi32, #tpu.memory_space<vmem>> -> memref<1x80xi32, #tpu.memory_space<vmem>>
      %dma_start3A_775 = tpu.memref_squeeze %dma_start3A_774 : memref<1x80xi32, #tpu.memory_space<vmem>> -> memref<80xi32, #tpu.memory_space<vmem>>
      %dma_start3A_776 = arith.constant 0 : i32
      %dma_start3A_777 = arith.constant 0 : i32
      %dma_start3A_778 = tpu.memref_slice %arg9[%dma_start3A_776, %dma_start3A_777] : memref<10240x64xf32, #tpu.memory_space<vmem_shared>> -> memref<10240x64xf32, #tpu.memory_space<vmem_shared>>
      tpu.enqueue_indirect_dma source(%dma_start3A_772 : memref<80x64xf32, #tpu.memory_space<vmem>>) target(%dma_start3A_778 : memref<10240x64xf32, #tpu.memory_space<vmem_shared>>) offsets(%dma_start3A_775 : memref<80xi32, #tpu.memory_space<vmem>>) semaphore(%arg13 : memref<!tpu.dma_semaphore, #tpu.memory_space<semaphore_mem>>) {add = true}
      %add3A_779 = arith.constant 0 : i32
      %add3A_780 = arith.addi %add3A_381, %add3A_779 : i32
      %dma_wait3A_781 = arith.constant 5 : i32
      %dma_wait3A_782 = arith.constant 0 : i32
      %dma_wait3A_783 = arith.constant 0 : i32
      %dma_wait3A_784 = tpu.memref_slice %arg8[%dma_wait3A_781, %dma_wait3A_782, %dma_wait3A_783] : memref<10x80x64xf32, #tpu.memory_space<vmem>> -> memref<1x80x64xf32, #tpu.memory_space<vmem>>
      %dma_wait3A_785 = tpu.memref_squeeze %dma_wait3A_784 : memref<1x80x64xf32, #tpu.memory_space<vmem>> -> memref<80x64xf32, #tpu.memory_space<vmem>>
      %dma_wait3A_786 = arith.constant 0 : i32
      %dma_wait3A_787 = tpu.memref_slice %arg7[%add3A_780, %dma_wait3A_786] : memref<125x80xi32, #tpu.memory_space<vmem>> -> memref<1x80xi32, #tpu.memory_space<vmem>>
      %dma_wait3A_788 = tpu.memref_squeeze %dma_wait3A_787 : memref<1x80xi32, #tpu.memory_space<vmem>> -> memref<80xi32, #tpu.memory_space<vmem>>
      %dma_wait3A_789 = arith.constant 0 : i32
      %dma_wait3A_790 = arith.constant 0 : i32
      %dma_wait3A_791 = tpu.memref_slice %arg9[%dma_wait3A_789, %dma_wait3A_790] : memref<10240x64xf32, #tpu.memory_space<vmem_shared>> -> memref<10240x64xf32, #tpu.memory_space<vmem_shared>>
      tpu.wait_indirect_dma semaphore(%arg13 : memref<!tpu.dma_semaphore, #tpu.memory_space<semaphore_mem>>) src(%dma_wait3A_785 : memref<80x64xf32, #tpu.memory_space<vmem>>) dst(%dma_wait3A_791 : memref<10240x64xf32, #tpu.memory_space<vmem_shared>>)
      %add3A_792 = arith.constant 1 : i32
      %add3A_793 = arith.addi %add3A_381, %add3A_792 : i32
      %dma_wait3A_794 = arith.constant 6 : i32
      %dma_wait3A_795 = arith.constant 0 : i32
      %dma_wait3A_796 = arith.constant 0 : i32
      %dma_wait3A_797 = tpu.memref_slice %arg8[%dma_wait3A_794, %dma_wait3A_795, %dma_wait3A_796] : memref<10x80x64xf32, #tpu.memory_space<vmem>> -> memref<1x80x64xf32, #tpu.memory_space<vmem>>
      %dma_wait3A_798 = tpu.memref_squeeze %dma_wait3A_797 : memref<1x80x64xf32, #tpu.memory_space<vmem>> -> memref<80x64xf32, #tpu.memory_space<vmem>>
      %dma_wait3A_799 = arith.constant 0 : i32
      %dma_wait3A_800 = tpu.memref_slice %arg7[%add3A_793, %dma_wait3A_799] : memref<125x80xi32, #tpu.memory_space<vmem>> -> memref<1x80xi32, #tpu.memory_space<vmem>>
      %dma_wait3A_801 = tpu.memref_squeeze %dma_wait3A_800 : memref<1x80xi32, #tpu.memory_space<vmem>> -> memref<80xi32, #tpu.memory_space<vmem>>
      %dma_wait3A_802 = arith.constant 0 : i32
      %dma_wait3A_803 = arith.constant 0 : i32
      %dma_wait3A_804 = tpu.memref_slice %arg9[%dma_wait3A_802, %dma_wait3A_803] : memref<10240x64xf32, #tpu.memory_space<vmem_shared>> -> memref<10240x64xf32, #tpu.memory_space<vmem_shared>>
      tpu.wait_indirect_dma semaphore(%arg13 : memref<!tpu.dma_semaphore, #tpu.memory_space<semaphore_mem>>) src(%dma_wait3A_798 : memref<80x64xf32, #tpu.memory_space<vmem>>) dst(%dma_wait3A_804 : memref<10240x64xf32, #tpu.memory_space<vmem_shared>>)
      %add3A_805 = arith.constant 2 : i32
      %add3A_806 = arith.addi %add3A_381, %add3A_805 : i32
      %dma_wait3A_807 = arith.constant 7 : i32
      %dma_wait3A_808 = arith.constant 0 : i32
      %dma_wait3A_809 = arith.constant 0 : i32
      %dma_wait3A_810 = tpu.memref_slice %arg8[%dma_wait3A_807, %dma_wait3A_808, %dma_wait3A_809] : memref<10x80x64xf32, #tpu.memory_space<vmem>> -> memref<1x80x64xf32, #tpu.memory_space<vmem>>
      %dma_wait3A_811 = tpu.memref_squeeze %dma_wait3A_810 : memref<1x80x64xf32, #tpu.memory_space<vmem>> -> memref<80x64xf32, #tpu.memory_space<vmem>>
      %dma_wait3A_812 = arith.constant 0 : i32
      %dma_wait3A_813 = tpu.memref_slice %arg7[%add3A_806, %dma_wait3A_812] : memref<125x80xi32, #tpu.memory_space<vmem>> -> memref<1x80xi32, #tpu.memory_space<vmem>>
      %dma_wait3A_814 = tpu.memref_squeeze %dma_wait3A_813 : memref<1x80xi32, #tpu.memory_space<vmem>> -> memref<80xi32, #tpu.memory_space<vmem>>
      %dma_wait3A_815 = arith.constant 0 : i32
      %dma_wait3A_816 = arith.constant 0 : i32
      %dma_wait3A_817 = tpu.memref_slice %arg9[%dma_wait3A_815, %dma_wait3A_816] : memref<10240x64xf32, #tpu.memory_space<vmem_shared>> -> memref<10240x64xf32, #tpu.memory_space<vmem_shared>>
      tpu.wait_indirect_dma semaphore(%arg13 : memref<!tpu.dma_semaphore, #tpu.memory_space<semaphore_mem>>) src(%dma_wait3A_811 : memref<80x64xf32, #tpu.memory_space<vmem>>) dst(%dma_wait3A_817 : memref<10240x64xf32, #tpu.memory_space<vmem_shared>>)
      %add3A_818 = arith.constant 3 : i32
      %add3A_819 = arith.addi %add3A_381, %add3A_818 : i32
      %dma_wait3A_820 = arith.constant 8 : i32
      %dma_wait3A_821 = arith.constant 0 : i32
      %dma_wait3A_822 = arith.constant 0 : i32
      %dma_wait3A_823 = tpu.memref_slice %arg8[%dma_wait3A_820, %dma_wait3A_821, %dma_wait3A_822] : memref<10x80x64xf32, #tpu.memory_space<vmem>> -> memref<1x80x64xf32, #tpu.memory_space<vmem>>
      %dma_wait3A_824 = tpu.memref_squeeze %dma_wait3A_823 : memref<1x80x64xf32, #tpu.memory_space<vmem>> -> memref<80x64xf32, #tpu.memory_space<vmem>>
      %dma_wait3A_825 = arith.constant 0 : i32
      %dma_wait3A_826 = tpu.memref_slice %arg7[%add3A_819, %dma_wait3A_825] : memref<125x80xi32, #tpu.memory_space<vmem>> -> memref<1x80xi32, #tpu.memory_space<vmem>>
      %dma_wait3A_827 = tpu.memref_squeeze %dma_wait3A_826 : memref<1x80xi32, #tpu.memory_space<vmem>> -> memref<80xi32, #tpu.memory_space<vmem>>
      %dma_wait3A_828 = arith.constant 0 : i32
      %dma_wait3A_829 = arith.constant 0 : i32
      %dma_wait3A_830 = tpu.memref_slice %arg9[%dma_wait3A_828, %dma_wait3A_829] : memref<10240x64xf32, #tpu.memory_space<vmem_shared>> -> memref<10240x64xf32, #tpu.memory_space<vmem_shared>>
      tpu.wait_indirect_dma semaphore(%arg13 : memref<!tpu.dma_semaphore, #tpu.memory_space<semaphore_mem>>) src(%dma_wait3A_824 : memref<80x64xf32, #tpu.memory_space<vmem>>) dst(%dma_wait3A_830 : memref<10240x64xf32, #tpu.memory_space<vmem_shared>>)
      %add3A_831 = arith.constant 4 : i32
      %add3A_832 = arith.addi %add3A_381, %add3A_831 : i32
      %dma_wait3A_833 = arith.constant 9 : i32
      %dma_wait3A_834 = arith.constant 0 : i32
      %dma_wait3A_835 = arith.constant 0 : i32
      %dma_wait3A_836 = tpu.memref_slice %arg8[%dma_wait3A_833, %dma_wait3A_834, %dma_wait3A_835] : memref<10x80x64xf32, #tpu.memory_space<vmem>> -> memref<1x80x64xf32, #tpu.memory_space<vmem>>
      %dma_wait3A_837 = tpu.memref_squeeze %dma_wait3A_836 : memref<1x80x64xf32, #tpu.memory_space<vmem>> -> memref<80x64xf32, #tpu.memory_space<vmem>>
      %dma_wait3A_838 = arith.constant 0 : i32
      %dma_wait3A_839 = tpu.memref_slice %arg7[%add3A_832, %dma_wait3A_838] : memref<125x80xi32, #tpu.memory_space<vmem>> -> memref<1x80xi32, #tpu.memory_space<vmem>>
      %dma_wait3A_840 = tpu.memref_squeeze %dma_wait3A_839 : memref<1x80xi32, #tpu.memory_space<vmem>> -> memref<80xi32, #tpu.memory_space<vmem>>
      %dma_wait3A_841 = arith.constant 0 : i32
      %dma_wait3A_842 = arith.constant 0 : i32
      %dma_wait3A_843 = tpu.memref_slice %arg9[%dma_wait3A_841, %dma_wait3A_842] : memref<10240x64xf32, #tpu.memory_space<vmem_shared>> -> memref<10240x64xf32, #tpu.memory_space<vmem_shared>>
      tpu.wait_indirect_dma semaphore(%arg13 : memref<!tpu.dma_semaphore, #tpu.memory_space<semaphore_mem>>) src(%dma_wait3A_837 : memref<80x64xf32, #tpu.memory_space<vmem>>) dst(%dma_wait3A_843 : memref<10240x64xf32, #tpu.memory_space<vmem_shared>>)
      %add3A_844 = arith.constant 0 : i32
      %add3A_845 = arith.addi %select_n3A, %add3A_844 : i32
      %dma_start3A_846 = arith.constant 5 : i32
      %dma_start3A_847 = arith.constant 0 : i32
      %dma_start3A_848 = arith.constant 0 : i32
      %dma_start3A_849 = tpu.memref_slice %arg8[%dma_start3A_846, %dma_start3A_847, %dma_start3A_848] : memref<10x80x64xf32, #tpu.memory_space<vmem>> -> memref<1x80x64xf32, #tpu.memory_space<vmem>>
      %dma_start3A_850 = tpu.memref_squeeze %dma_start3A_849 : memref<1x80x64xf32, #tpu.memory_space<vmem>> -> memref<80x64xf32, #tpu.memory_space<vmem>>
      %dma_start3A_851 = arith.constant 0 : i32
      %dma_start3A_852 = tpu.memref_slice %arg6[%add3A_845, %dma_start3A_851] : memref<125x80xi32, #tpu.memory_space<vmem>> -> memref<1x80xi32, #tpu.memory_space<vmem>>
      %dma_start3A_853 = tpu.memref_squeeze %dma_start3A_852 : memref<1x80xi32, #tpu.memory_space<vmem>> -> memref<80xi32, #tpu.memory_space<vmem>>
      %dma_start3A_854 = arith.constant 0 : i32
      %dma_start3A_855 = arith.constant 0 : i32
      %dma_start3A_856 = tpu.memref_slice %arg2[%dma_start3A_854, %dma_start3A_855] : memref<10240x64xf32, #tpu.memory_space<hbm>> -> memref<10240x64xf32, #tpu.memory_space<hbm>>
      tpu.enqueue_indirect_dma source(%dma_start3A_856 : memref<10240x64xf32, #tpu.memory_space<hbm>>) target(%dma_start3A_850 : memref<80x64xf32, #tpu.memory_space<vmem>>) offsets(%dma_start3A_853 : memref<80xi32, #tpu.memory_space<vmem>>) semaphore(%arg11 : memref<!tpu.dma_semaphore, #tpu.memory_space<semaphore_mem>>)
      %add3A_857 = arith.constant 1 : i32
      %add3A_858 = arith.addi %select_n3A, %add3A_857 : i32
      %dma_start3A_859 = arith.constant 6 : i32
      %dma_start3A_860 = arith.constant 0 : i32
      %dma_start3A_861 = arith.constant 0 : i32
      %dma_start3A_862 = tpu.memref_slice %arg8[%dma_start3A_859, %dma_start3A_860, %dma_start3A_861] : memref<10x80x64xf32, #tpu.memory_space<vmem>> -> memref<1x80x64xf32, #tpu.memory_space<vmem>>
      %dma_start3A_863 = tpu.memref_squeeze %dma_start3A_862 : memref<1x80x64xf32, #tpu.memory_space<vmem>> -> memref<80x64xf32, #tpu.memory_space<vmem>>
      %dma_start3A_864 = arith.constant 0 : i32
      %dma_start3A_865 = tpu.memref_slice %arg6[%add3A_858, %dma_start3A_864] : memref<125x80xi32, #tpu.memory_space<vmem>> -> memref<1x80xi32, #tpu.memory_space<vmem>>
      %dma_start3A_866 = tpu.memref_squeeze %dma_start3A_865 : memref<1x80xi32, #tpu.memory_space<vmem>> -> memref<80xi32, #tpu.memory_space<vmem>>
      %dma_start3A_867 = arith.constant 0 : i32
      %dma_start3A_868 = arith.constant 0 : i32
      %dma_start3A_869 = tpu.memref_slice %arg2[%dma_start3A_867, %dma_start3A_868] : memref<10240x64xf32, #tpu.memory_space<hbm>> -> memref<10240x64xf32, #tpu.memory_space<hbm>>
      tpu.enqueue_indirect_dma source(%dma_start3A_869 : memref<10240x64xf32, #tpu.memory_space<hbm>>) target(%dma_start3A_863 : memref<80x64xf32, #tpu.memory_space<vmem>>) offsets(%dma_start3A_866 : memref<80xi32, #tpu.memory_space<vmem>>) semaphore(%arg11 : memref<!tpu.dma_semaphore, #tpu.memory_space<semaphore_mem>>)
      %add3A_870 = arith.constant 2 : i32
      %add3A_871 = arith.addi %select_n3A, %add3A_870 : i32
      %dma_start3A_872 = arith.constant 7 : i32
      %dma_start3A_873 = arith.constant 0 : i32
      %dma_start3A_874 = arith.constant 0 : i32
      %dma_start3A_875 = tpu.memref_slice %arg8[%dma_start3A_872, %dma_start3A_873, %dma_start3A_874] : memref<10x80x64xf32, #tpu.memory_space<vmem>> -> memref<1x80x64xf32, #tpu.memory_space<vmem>>
      %dma_start3A_876 = tpu.memref_squeeze %dma_start3A_875 : memref<1x80x64xf32, #tpu.memory_space<vmem>> -> memref<80x64xf32, #tpu.memory_space<vmem>>
      %dma_start3A_877 = arith.constant 0 : i32
      %dma_start3A_878 = tpu.memref_slice %arg6[%add3A_871, %dma_start3A_877] : memref<125x80xi32, #tpu.memory_space<vmem>> -> memref<1x80xi32, #tpu.memory_space<vmem>>
      %dma_start3A_879 = tpu.memref_squeeze %dma_start3A_878 : memref<1x80xi32, #tpu.memory_space<vmem>> -> memref<80xi32, #tpu.memory_space<vmem>>
      %dma_start3A_880 = arith.constant 0 : i32
      %dma_start3A_881 = arith.constant 0 : i32
      %dma_start3A_882 = tpu.memref_slice %arg2[%dma_start3A_880, %dma_start3A_881] : memref<10240x64xf32, #tpu.memory_space<hbm>> -> memref<10240x64xf32, #tpu.memory_space<hbm>>
      tpu.enqueue_indirect_dma source(%dma_start3A_882 : memref<10240x64xf32, #tpu.memory_space<hbm>>) target(%dma_start3A_876 : memref<80x64xf32, #tpu.memory_space<vmem>>) offsets(%dma_start3A_879 : memref<80xi32, #tpu.memory_space<vmem>>) semaphore(%arg11 : memref<!tpu.dma_semaphore, #tpu.memory_space<semaphore_mem>>)
      %add3A_883 = arith.constant 3 : i32
      %add3A_884 = arith.addi %select_n3A, %add3A_883 : i32
      %dma_start3A_885 = arith.constant 8 : i32
      %dma_start3A_886 = arith.constant 0 : i32
      %dma_start3A_887 = arith.constant 0 : i32
      %dma_start3A_888 = tpu.memref_slice %arg8[%dma_start3A_885, %dma_start3A_886, %dma_start3A_887] : memref<10x80x64xf32, #tpu.memory_space<vmem>> -> memref<1x80x64xf32, #tpu.memory_space<vmem>>
      %dma_start3A_889 = tpu.memref_squeeze %dma_start3A_888 : memref<1x80x64xf32, #tpu.memory_space<vmem>> -> memref<80x64xf32, #tpu.memory_space<vmem>>
      %dma_start3A_890 = arith.constant 0 : i32
      %dma_start3A_891 = tpu.memref_slice %arg6[%add3A_884, %dma_start3A_890] : memref<125x80xi32, #tpu.memory_space<vmem>> -> memref<1x80xi32, #tpu.memory_space<vmem>>
      %dma_start3A_892 = tpu.memref_squeeze %dma_start3A_891 : memref<1x80xi32, #tpu.memory_space<vmem>> -> memref<80xi32, #tpu.memory_space<vmem>>
      %dma_start3A_893 = arith.constant 0 : i32
      %dma_start3A_894 = arith.constant 0 : i32
      %dma_start3A_895 = tpu.memref_slice %arg2[%dma_start3A_893, %dma_start3A_894] : memref<10240x64xf32, #tpu.memory_space<hbm>> -> memref<10240x64xf32, #tpu.memory_space<hbm>>
      tpu.enqueue_indirect_dma source(%dma_start3A_895 : memref<10240x64xf32, #tpu.memory_space<hbm>>) target(%dma_start3A_889 : memref<80x64xf32, #tpu.memory_space<vmem>>) offsets(%dma_start3A_892 : memref<80xi32, #tpu.memory_space<vmem>>) semaphore(%arg11 : memref<!tpu.dma_semaphore, #tpu.memory_space<semaphore_mem>>)
      %add3A_896 = arith.constant 4 : i32
      %add3A_897 = arith.addi %select_n3A, %add3A_896 : i32
      %dma_start3A_898 = arith.constant 9 : i32
      %dma_start3A_899 = arith.constant 0 : i32
      %dma_start3A_900 = arith.constant 0 : i32
      %dma_start3A_901 = tpu.memref_slice %arg8[%dma_start3A_898, %dma_start3A_899, %dma_start3A_900] : memref<10x80x64xf32, #tpu.memory_space<vmem>> -> memref<1x80x64xf32, #tpu.memory_space<vmem>>
      %dma_start3A_902 = tpu.memref_squeeze %dma_start3A_901 : memref<1x80x64xf32, #tpu.memory_space<vmem>> -> memref<80x64xf32, #tpu.memory_space<vmem>>
      %dma_start3A_903 = arith.constant 0 : i32
      %dma_start3A_904 = tpu.memref_slice %arg6[%add3A_897, %dma_start3A_903] : memref<125x80xi32, #tpu.memory_space<vmem>> -> memref<1x80xi32, #tpu.memory_space<vmem>>
      %dma_start3A_905 = tpu.memref_squeeze %dma_start3A_904 : memref<1x80xi32, #tpu.memory_space<vmem>> -> memref<80xi32, #tpu.memory_space<vmem>>
      %dma_start3A_906 = arith.constant 0 : i32
      %dma_start3A_907 = arith.constant 0 : i32
      %dma_start3A_908 = tpu.memref_slice %arg2[%dma_start3A_906, %dma_start3A_907] : memref<10240x64xf32, #tpu.memory_space<hbm>> -> memref<10240x64xf32, #tpu.memory_space<hbm>>
      tpu.enqueue_indirect_dma source(%dma_start3A_908 : memref<10240x64xf32, #tpu.memory_space<hbm>>) target(%dma_start3A_902 : memref<80x64xf32, #tpu.memory_space<vmem>>) offsets(%dma_start3A_905 : memref<80xi32, #tpu.memory_space<vmem>>) semaphore(%arg11 : memref<!tpu.dma_semaphore, #tpu.memory_space<semaphore_mem>>)
      %scan3A_909 = arith.constant 0 : i32
      scf.yield %scan3A_909 : i32
    }
    %scan3A_129 = arith.constant 12 : i32
    %dma_wait3A = arith.constant 120 : i32
    %dma_wait3A_130 = arith.constant 0 : i32
    %dma_wait3A_131 = arith.constant 0 : i32
    %dma_wait3A_132 = arith.constant 0 : i32
    %dma_wait3A_133 = tpu.memref_slice %arg8[%dma_wait3A_130, %dma_wait3A_131, %dma_wait3A_132] : memref<10x80x64xf32, #tpu.memory_space<vmem>> -> memref<1x80x64xf32, #tpu.memory_space<vmem>>
    %dma_wait3A_134 = tpu.memref_squeeze %dma_wait3A_133 : memref<1x80x64xf32, #tpu.memory_space<vmem>> -> memref<80x64xf32, #tpu.memory_space<vmem>>
    %dma_wait3A_135 = arith.constant 0 : i32
    %dma_wait3A_136 = tpu.memref_slice %arg6[%dma_wait3A, %dma_wait3A_135] : memref<125x80xi32, #tpu.memory_space<vmem>> -> memref<1x80xi32, #tpu.memory_space<vmem>>
    %dma_wait3A_137 = tpu.memref_squeeze %dma_wait3A_136 : memref<1x80xi32, #tpu.memory_space<vmem>> -> memref<80xi32, #tpu.memory_space<vmem>>
    %dma_wait3A_138 = arith.constant 0 : i32
    %dma_wait3A_139 = arith.constant 0 : i32
    %dma_wait3A_140 = tpu.memref_slice %arg2[%dma_wait3A_138, %dma_wait3A_139] : memref<10240x64xf32, #tpu.memory_space<hbm>> -> memref<10240x64xf32, #tpu.memory_space<hbm>>
    tpu.wait_indirect_dma semaphore(%arg10 : memref<!tpu.dma_semaphore, #tpu.memory_space<semaphore_mem>>) src(%dma_wait3A_140 : memref<10240x64xf32, #tpu.memory_space<hbm>>) dst(%dma_wait3A_134 : memref<80x64xf32, #tpu.memory_space<vmem>>)
    %dma_wait3A_141 = arith.constant 121 : i32
    %dma_wait3A_142 = arith.constant 1 : i32
    %dma_wait3A_143 = arith.constant 0 : i32
    %dma_wait3A_144 = arith.constant 0 : i32
    %dma_wait3A_145 = tpu.memref_slice %arg8[%dma_wait3A_142, %dma_wait3A_143, %dma_wait3A_144] : memref<10x80x64xf32, #tpu.memory_space<vmem>> -> memref<1x80x64xf32, #tpu.memory_space<vmem>>
    %dma_wait3A_146 = tpu.memref_squeeze %dma_wait3A_145 : memref<1x80x64xf32, #tpu.memory_space<vmem>> -> memref<80x64xf32, #tpu.memory_space<vmem>>
    %dma_wait3A_147 = arith.constant 0 : i32
    %dma_wait3A_148 = tpu.memref_slice %arg6[%dma_wait3A_141, %dma_wait3A_147] : memref<125x80xi32, #tpu.memory_space<vmem>> -> memref<1x80xi32, #tpu.memory_space<vmem>>
    %dma_wait3A_149 = tpu.memref_squeeze %dma_wait3A_148 : memref<1x80xi32, #tpu.memory_space<vmem>> -> memref<80xi32, #tpu.memory_space<vmem>>
    %dma_wait3A_150 = arith.constant 0 : i32
    %dma_wait3A_151 = arith.constant 0 : i32
    %dma_wait3A_152 = tpu.memref_slice %arg2[%dma_wait3A_150, %dma_wait3A_151] : memref<10240x64xf32, #tpu.memory_space<hbm>> -> memref<10240x64xf32, #tpu.memory_space<hbm>>
    tpu.wait_indirect_dma semaphore(%arg10 : memref<!tpu.dma_semaphore, #tpu.memory_space<semaphore_mem>>) src(%dma_wait3A_152 : memref<10240x64xf32, #tpu.memory_space<hbm>>) dst(%dma_wait3A_146 : memref<80x64xf32, #tpu.memory_space<vmem>>)
    %dma_wait3A_153 = arith.constant 122 : i32
    %dma_wait3A_154 = arith.constant 2 : i32
    %dma_wait3A_155 = arith.constant 0 : i32
    %dma_wait3A_156 = arith.constant 0 : i32
    %dma_wait3A_157 = tpu.memref_slice %arg8[%dma_wait3A_154, %dma_wait3A_155, %dma_wait3A_156] : memref<10x80x64xf32, #tpu.memory_space<vmem>> -> memref<1x80x64xf32, #tpu.memory_space<vmem>>
    %dma_wait3A_158 = tpu.memref_squeeze %dma_wait3A_157 : memref<1x80x64xf32, #tpu.memory_space<vmem>> -> memref<80x64xf32, #tpu.memory_space<vmem>>
    %dma_wait3A_159 = arith.constant 0 : i32
    %dma_wait3A_160 = tpu.memref_slice %arg6[%dma_wait3A_153, %dma_wait3A_159] : memref<125x80xi32, #tpu.memory_space<vmem>> -> memref<1x80xi32, #tpu.memory_space<vmem>>
    %dma_wait3A_161 = tpu.memref_squeeze %dma_wait3A_160 : memref<1x80xi32, #tpu.memory_space<vmem>> -> memref<80xi32, #tpu.memory_space<vmem>>
    %dma_wait3A_162 = arith.constant 0 : i32
    %dma_wait3A_163 = arith.constant 0 : i32
    %dma_wait3A_164 = tpu.memref_slice %arg2[%dma_wait3A_162, %dma_wait3A_163] : memref<10240x64xf32, #tpu.memory_space<hbm>> -> memref<10240x64xf32, #tpu.memory_space<hbm>>
    tpu.wait_indirect_dma semaphore(%arg10 : memref<!tpu.dma_semaphore, #tpu.memory_space<semaphore_mem>>) src(%dma_wait3A_164 : memref<10240x64xf32, #tpu.memory_space<hbm>>) dst(%dma_wait3A_158 : memref<80x64xf32, #tpu.memory_space<vmem>>)
    %dma_wait3A_165 = arith.constant 123 : i32
    %dma_wait3A_166 = arith.constant 3 : i32
    %dma_wait3A_167 = arith.constant 0 : i32
    %dma_wait3A_168 = arith.constant 0 : i32
    %dma_wait3A_169 = tpu.memref_slice %arg8[%dma_wait3A_166, %dma_wait3A_167, %dma_wait3A_168] : memref<10x80x64xf32, #tpu.memory_space<vmem>> -> memref<1x80x64xf32, #tpu.memory_space<vmem>>
    %dma_wait3A_170 = tpu.memref_squeeze %dma_wait3A_169 : memref<1x80x64xf32, #tpu.memory_space<vmem>> -> memref<80x64xf32, #tpu.memory_space<vmem>>
    %dma_wait3A_171 = arith.constant 0 : i32
    %dma_wait3A_172 = tpu.memref_slice %arg6[%dma_wait3A_165, %dma_wait3A_171] : memref<125x80xi32, #tpu.memory_space<vmem>> -> memref<1x80xi32, #tpu.memory_space<vmem>>
    %dma_wait3A_173 = tpu.memref_squeeze %dma_wait3A_172 : memref<1x80xi32, #tpu.memory_space<vmem>> -> memref<80xi32, #tpu.memory_space<vmem>>
    %dma_wait3A_174 = arith.constant 0 : i32
    %dma_wait3A_175 = arith.constant 0 : i32
    %dma_wait3A_176 = tpu.memref_slice %arg2[%dma_wait3A_174, %dma_wait3A_175] : memref<10240x64xf32, #tpu.memory_space<hbm>> -> memref<10240x64xf32, #tpu.memory_space<hbm>>
    tpu.wait_indirect_dma semaphore(%arg10 : memref<!tpu.dma_semaphore, #tpu.memory_space<semaphore_mem>>) src(%dma_wait3A_176 : memref<10240x64xf32, #tpu.memory_space<hbm>>) dst(%dma_wait3A_170 : memref<80x64xf32, #tpu.memory_space<vmem>>)
    %dma_wait3A_177 = arith.constant 124 : i32
    %dma_wait3A_178 = arith.constant 4 : i32
    %dma_wait3A_179 = arith.constant 0 : i32
    %dma_wait3A_180 = arith.constant 0 : i32
    %dma_wait3A_181 = tpu.memref_slice %arg8[%dma_wait3A_178, %dma_wait3A_179, %dma_wait3A_180] : memref<10x80x64xf32, #tpu.memory_space<vmem>> -> memref<1x80x64xf32, #tpu.memory_space<vmem>>
    %dma_wait3A_182 = tpu.memref_squeeze %dma_wait3A_181 : memref<1x80x64xf32, #tpu.memory_space<vmem>> -> memref<80x64xf32, #tpu.memory_space<vmem>>
    %dma_wait3A_183 = arith.constant 0 : i32
    %dma_wait3A_184 = tpu.memref_slice %arg6[%dma_wait3A_177, %dma_wait3A_183] : memref<125x80xi32, #tpu.memory_space<vmem>> -> memref<1x80xi32, #tpu.memory_space<vmem>>
    %dma_wait3A_185 = tpu.memref_squeeze %dma_wait3A_184 : memref<1x80xi32, #tpu.memory_space<vmem>> -> memref<80xi32, #tpu.memory_space<vmem>>
    %dma_wait3A_186 = arith.constant 0 : i32
    %dma_wait3A_187 = arith.constant 0 : i32
    %dma_wait3A_188 = tpu.memref_slice %arg2[%dma_wait3A_186, %dma_wait3A_187] : memref<10240x64xf32, #tpu.memory_space<hbm>> -> memref<10240x64xf32, #tpu.memory_space<hbm>>
    tpu.wait_indirect_dma semaphore(%arg10 : memref<!tpu.dma_semaphore, #tpu.memory_space<semaphore_mem>>) src(%dma_wait3A_188 : memref<10240x64xf32, #tpu.memory_space<hbm>>) dst(%dma_wait3A_182 : memref<80x64xf32, #tpu.memory_space<vmem>>)
    %dma_start3A_189 = arith.constant 0 : i32
    %dma_start3A_190 = arith.constant 120 : i32
    %dma_start3A_191 = arith.constant 0 : i32
    %dma_start3A_192 = arith.constant 0 : i32
    %dma_start3A_193 = tpu.memref_slice %arg8[%dma_start3A_189, %dma_start3A_191, %dma_start3A_192] : memref<10x80x64xf32, #tpu.memory_space<vmem>> -> memref<1x80x64xf32, #tpu.memory_space<vmem>>
    %dma_start3A_194 = tpu.memref_squeeze %dma_start3A_193 : memref<1x80x64xf32, #tpu.memory_space<vmem>> -> memref<80x64xf32, #tpu.memory_space<vmem>>
    %dma_start3A_195 = arith.constant 0 : i32
    %dma_start3A_196 = tpu.memref_slice %arg7[%dma_start3A_190, %dma_start3A_195] : memref<125x80xi32, #tpu.memory_space<vmem>> -> memref<1x80xi32, #tpu.memory_space<vmem>>
    %dma_start3A_197 = tpu.memref_squeeze %dma_start3A_196 : memref<1x80xi32, #tpu.memory_space<vmem>> -> memref<80xi32, #tpu.memory_space<vmem>>
    %dma_start3A_198 = arith.constant 0 : i32
    %dma_start3A_199 = arith.constant 0 : i32
    %dma_start3A_200 = tpu.memref_slice %arg9[%dma_start3A_198, %dma_start3A_199] : memref<10240x64xf32, #tpu.memory_space<vmem_shared>> -> memref<10240x64xf32, #tpu.memory_space<vmem_shared>>
    tpu.enqueue_indirect_dma source(%dma_start3A_194 : memref<80x64xf32, #tpu.memory_space<vmem>>) target(%dma_start3A_200 : memref<10240x64xf32, #tpu.memory_space<vmem_shared>>) offsets(%dma_start3A_197 : memref<80xi32, #tpu.memory_space<vmem>>) semaphore(%arg12 : memref<!tpu.dma_semaphore, #tpu.memory_space<semaphore_mem>>) {add = true}
    %dma_start3A_201 = arith.constant 1 : i32
    %dma_start3A_202 = arith.constant 121 : i32
    %dma_start3A_203 = arith.constant 0 : i32
    %dma_start3A_204 = arith.constant 0 : i32
    %dma_start3A_205 = tpu.memref_slice %arg8[%dma_start3A_201, %dma_start3A_203, %dma_start3A_204] : memref<10x80x64xf32, #tpu.memory_space<vmem>> -> memref<1x80x64xf32, #tpu.memory_space<vmem>>
    %dma_start3A_206 = tpu.memref_squeeze %dma_start3A_205 : memref<1x80x64xf32, #tpu.memory_space<vmem>> -> memref<80x64xf32, #tpu.memory_space<vmem>>
    %dma_start3A_207 = arith.constant 0 : i32
    %dma_start3A_208 = tpu.memref_slice %arg7[%dma_start3A_202, %dma_start3A_207] : memref<125x80xi32, #tpu.memory_space<vmem>> -> memref<1x80xi32, #tpu.memory_space<vmem>>
    %dma_start3A_209 = tpu.memref_squeeze %dma_start3A_208 : memref<1x80xi32, #tpu.memory_space<vmem>> -> memref<80xi32, #tpu.memory_space<vmem>>
    %dma_start3A_210 = arith.constant 0 : i32
    %dma_start3A_211 = arith.constant 0 : i32
    %dma_start3A_212 = tpu.memref_slice %arg9[%dma_start3A_210, %dma_start3A_211] : memref<10240x64xf32, #tpu.memory_space<vmem_shared>> -> memref<10240x64xf32, #tpu.memory_space<vmem_shared>>
    tpu.enqueue_indirect_dma source(%dma_start3A_206 : memref<80x64xf32, #tpu.memory_space<vmem>>) target(%dma_start3A_212 : memref<10240x64xf32, #tpu.memory_space<vmem_shared>>) offsets(%dma_start3A_209 : memref<80xi32, #tpu.memory_space<vmem>>) semaphore(%arg12 : memref<!tpu.dma_semaphore, #tpu.memory_space<semaphore_mem>>) {add = true}
    %dma_start3A_213 = arith.constant 2 : i32
    %dma_start3A_214 = arith.constant 122 : i32
    %dma_start3A_215 = arith.constant 0 : i32
    %dma_start3A_216 = arith.constant 0 : i32
    %dma_start3A_217 = tpu.memref_slice %arg8[%dma_start3A_213, %dma_start3A_215, %dma_start3A_216] : memref<10x80x64xf32, #tpu.memory_space<vmem>> -> memref<1x80x64xf32, #tpu.memory_space<vmem>>
    %dma_start3A_218 = tpu.memref_squeeze %dma_start3A_217 : memref<1x80x64xf32, #tpu.memory_space<vmem>> -> memref<80x64xf32, #tpu.memory_space<vmem>>
    %dma_start3A_219 = arith.constant 0 : i32
    %dma_start3A_220 = tpu.memref_slice %arg7[%dma_start3A_214, %dma_start3A_219] : memref<125x80xi32, #tpu.memory_space<vmem>> -> memref<1x80xi32, #tpu.memory_space<vmem>>
    %dma_start3A_221 = tpu.memref_squeeze %dma_start3A_220 : memref<1x80xi32, #tpu.memory_space<vmem>> -> memref<80xi32, #tpu.memory_space<vmem>>
    %dma_start3A_222 = arith.constant 0 : i32
    %dma_start3A_223 = arith.constant 0 : i32
    %dma_start3A_224 = tpu.memref_slice %arg9[%dma_start3A_222, %dma_start3A_223] : memref<10240x64xf32, #tpu.memory_space<vmem_shared>> -> memref<10240x64xf32, #tpu.memory_space<vmem_shared>>
    tpu.enqueue_indirect_dma source(%dma_start3A_218 : memref<80x64xf32, #tpu.memory_space<vmem>>) target(%dma_start3A_224 : memref<10240x64xf32, #tpu.memory_space<vmem_shared>>) offsets(%dma_start3A_221 : memref<80xi32, #tpu.memory_space<vmem>>) semaphore(%arg12 : memref<!tpu.dma_semaphore, #tpu.memory_space<semaphore_mem>>) {add = true}
    %dma_start3A_225 = arith.constant 3 : i32
    %dma_start3A_226 = arith.constant 123 : i32
    %dma_start3A_227 = arith.constant 0 : i32
    %dma_start3A_228 = arith.constant 0 : i32
    %dma_start3A_229 = tpu.memref_slice %arg8[%dma_start3A_225, %dma_start3A_227, %dma_start3A_228] : memref<10x80x64xf32, #tpu.memory_space<vmem>> -> memref<1x80x64xf32, #tpu.memory_space<vmem>>
    %dma_start3A_230 = tpu.memref_squeeze %dma_start3A_229 : memref<1x80x64xf32, #tpu.memory_space<vmem>> -> memref<80x64xf32, #tpu.memory_space<vmem>>
    %dma_start3A_231 = arith.constant 0 : i32
    %dma_start3A_232 = tpu.memref_slice %arg7[%dma_start3A_226, %dma_start3A_231] : memref<125x80xi32, #tpu.memory_space<vmem>> -> memref<1x80xi32, #tpu.memory_space<vmem>>
    %dma_start3A_233 = tpu.memref_squeeze %dma_start3A_232 : memref<1x80xi32, #tpu.memory_space<vmem>> -> memref<80xi32, #tpu.memory_space<vmem>>
    %dma_start3A_234 = arith.constant 0 : i32
    %dma_start3A_235 = arith.constant 0 : i32
    %dma_start3A_236 = tpu.memref_slice %arg9[%dma_start3A_234, %dma_start3A_235] : memref<10240x64xf32, #tpu.memory_space<vmem_shared>> -> memref<10240x64xf32, #tpu.memory_space<vmem_shared>>
    tpu.enqueue_indirect_dma source(%dma_start3A_230 : memref<80x64xf32, #tpu.memory_space<vmem>>) target(%dma_start3A_236 : memref<10240x64xf32, #tpu.memory_space<vmem_shared>>) offsets(%dma_start3A_233 : memref<80xi32, #tpu.memory_space<vmem>>) semaphore(%arg12 : memref<!tpu.dma_semaphore, #tpu.memory_space<semaphore_mem>>) {add = true}
    %dma_start3A_237 = arith.constant 4 : i32
    %dma_start3A_238 = arith.constant 124 : i32
    %dma_start3A_239 = arith.constant 0 : i32
    %dma_start3A_240 = arith.constant 0 : i32
    %dma_start3A_241 = tpu.memref_slice %arg8[%dma_start3A_237, %dma_start3A_239, %dma_start3A_240] : memref<10x80x64xf32, #tpu.memory_space<vmem>> -> memref<1x80x64xf32, #tpu.memory_space<vmem>>
    %dma_start3A_242 = tpu.memref_squeeze %dma_start3A_241 : memref<1x80x64xf32, #tpu.memory_space<vmem>> -> memref<80x64xf32, #tpu.memory_space<vmem>>
    %dma_start3A_243 = arith.constant 0 : i32
    %dma_start3A_244 = tpu.memref_slice %arg7[%dma_start3A_238, %dma_start3A_243] : memref<125x80xi32, #tpu.memory_space<vmem>> -> memref<1x80xi32, #tpu.memory_space<vmem>>
    %dma_start3A_245 = tpu.memref_squeeze %dma_start3A_244 : memref<1x80xi32, #tpu.memory_space<vmem>> -> memref<80xi32, #tpu.memory_space<vmem>>
    %dma_start3A_246 = arith.constant 0 : i32
    %dma_start3A_247 = arith.constant 0 : i32
    %dma_start3A_248 = tpu.memref_slice %arg9[%dma_start3A_246, %dma_start3A_247] : memref<10240x64xf32, #tpu.memory_space<vmem_shared>> -> memref<10240x64xf32, #tpu.memory_space<vmem_shared>>
    tpu.enqueue_indirect_dma source(%dma_start3A_242 : memref<80x64xf32, #tpu.memory_space<vmem>>) target(%dma_start3A_248 : memref<10240x64xf32, #tpu.memory_space<vmem_shared>>) offsets(%dma_start3A_245 : memref<80xi32, #tpu.memory_space<vmem>>) semaphore(%arg12 : memref<!tpu.dma_semaphore, #tpu.memory_space<semaphore_mem>>) {add = true}
    %dma_wait3A_249 = arith.constant 0 : i32
    %dma_wait3A_250 = arith.constant 120 : i32
    %dma_wait3A_251 = arith.constant 0 : i32
    %dma_wait3A_252 = arith.constant 0 : i32
    %dma_wait3A_253 = tpu.memref_slice %arg8[%dma_wait3A_249, %dma_wait3A_251, %dma_wait3A_252] : memref<10x80x64xf32, #tpu.memory_space<vmem>> -> memref<1x80x64xf32, #tpu.memory_space<vmem>>
    %dma_wait3A_254 = tpu.memref_squeeze %dma_wait3A_253 : memref<1x80x64xf32, #tpu.memory_space<vmem>> -> memref<80x64xf32, #tpu.memory_space<vmem>>
    %dma_wait3A_255 = arith.constant 0 : i32
    %dma_wait3A_256 = tpu.memref_slice %arg7[%dma_wait3A_250, %dma_wait3A_255] : memref<125x80xi32, #tpu.memory_space<vmem>> -> memref<1x80xi32, #tpu.memory_space<vmem>>
    %dma_wait3A_257 = tpu.memref_squeeze %dma_wait3A_256 : memref<1x80xi32, #tpu.memory_space<vmem>> -> memref<80xi32, #tpu.memory_space<vmem>>
    %dma_wait3A_258 = arith.constant 0 : i32
    %dma_wait3A_259 = arith.constant 0 : i32
    %dma_wait3A_260 = tpu.memref_slice %arg9[%dma_wait3A_258, %dma_wait3A_259] : memref<10240x64xf32, #tpu.memory_space<vmem_shared>> -> memref<10240x64xf32, #tpu.memory_space<vmem_shared>>
    tpu.wait_indirect_dma semaphore(%arg12 : memref<!tpu.dma_semaphore, #tpu.memory_space<semaphore_mem>>) src(%dma_wait3A_254 : memref<80x64xf32, #tpu.memory_space<vmem>>) dst(%dma_wait3A_260 : memref<10240x64xf32, #tpu.memory_space<vmem_shared>>)
    %dma_wait3A_261 = arith.constant 1 : i32
    %dma_wait3A_262 = arith.constant 121 : i32
    %dma_wait3A_263 = arith.constant 0 : i32
    %dma_wait3A_264 = arith.constant 0 : i32
    %dma_wait3A_265 = tpu.memref_slice %arg8[%dma_wait3A_261, %dma_wait3A_263, %dma_wait3A_264] : memref<10x80x64xf32, #tpu.memory_space<vmem>> -> memref<1x80x64xf32, #tpu.memory_space<vmem>>
    %dma_wait3A_266 = tpu.memref_squeeze %dma_wait3A_265 : memref<1x80x64xf32, #tpu.memory_space<vmem>> -> memref<80x64xf32, #tpu.memory_space<vmem>>
    %dma_wait3A_267 = arith.constant 0 : i32
    %dma_wait3A_268 = tpu.memref_slice %arg7[%dma_wait3A_262, %dma_wait3A_267] : memref<125x80xi32, #tpu.memory_space<vmem>> -> memref<1x80xi32, #tpu.memory_space<vmem>>
    %dma_wait3A_269 = tpu.memref_squeeze %dma_wait3A_268 : memref<1x80xi32, #tpu.memory_space<vmem>> -> memref<80xi32, #tpu.memory_space<vmem>>
    %dma_wait3A_270 = arith.constant 0 : i32
    %dma_wait3A_271 = arith.constant 0 : i32
    %dma_wait3A_272 = tpu.memref_slice %arg9[%dma_wait3A_270, %dma_wait3A_271] : memref<10240x64xf32, #tpu.memory_space<vmem_shared>> -> memref<10240x64xf32, #tpu.memory_space<vmem_shared>>
    tpu.wait_indirect_dma semaphore(%arg12 : memref<!tpu.dma_semaphore, #tpu.memory_space<semaphore_mem>>) src(%dma_wait3A_266 : memref<80x64xf32, #tpu.memory_space<vmem>>) dst(%dma_wait3A_272 : memref<10240x64xf32, #tpu.memory_space<vmem_shared>>)
    %dma_wait3A_273 = arith.constant 2 : i32
    %dma_wait3A_274 = arith.constant 122 : i32
    %dma_wait3A_275 = arith.constant 0 : i32
    %dma_wait3A_276 = arith.constant 0 : i32
    %dma_wait3A_277 = tpu.memref_slice %arg8[%dma_wait3A_273, %dma_wait3A_275, %dma_wait3A_276] : memref<10x80x64xf32, #tpu.memory_space<vmem>> -> memref<1x80x64xf32, #tpu.memory_space<vmem>>
    %dma_wait3A_278 = tpu.memref_squeeze %dma_wait3A_277 : memref<1x80x64xf32, #tpu.memory_space<vmem>> -> memref<80x64xf32, #tpu.memory_space<vmem>>
    %dma_wait3A_279 = arith.constant 0 : i32
    %dma_wait3A_280 = tpu.memref_slice %arg7[%dma_wait3A_274, %dma_wait3A_279] : memref<125x80xi32, #tpu.memory_space<vmem>> -> memref<1x80xi32, #tpu.memory_space<vmem>>
    %dma_wait3A_281 = tpu.memref_squeeze %dma_wait3A_280 : memref<1x80xi32, #tpu.memory_space<vmem>> -> memref<80xi32, #tpu.memory_space<vmem>>
    %dma_wait3A_282 = arith.constant 0 : i32
    %dma_wait3A_283 = arith.constant 0 : i32
    %dma_wait3A_284 = tpu.memref_slice %arg9[%dma_wait3A_282, %dma_wait3A_283] : memref<10240x64xf32, #tpu.memory_space<vmem_shared>> -> memref<10240x64xf32, #tpu.memory_space<vmem_shared>>
    tpu.wait_indirect_dma semaphore(%arg12 : memref<!tpu.dma_semaphore, #tpu.memory_space<semaphore_mem>>) src(%dma_wait3A_278 : memref<80x64xf32, #tpu.memory_space<vmem>>) dst(%dma_wait3A_284 : memref<10240x64xf32, #tpu.memory_space<vmem_shared>>)
    %dma_wait3A_285 = arith.constant 3 : i32
    %dma_wait3A_286 = arith.constant 123 : i32
    %dma_wait3A_287 = arith.constant 0 : i32
    %dma_wait3A_288 = arith.constant 0 : i32
    %dma_wait3A_289 = tpu.memref_slice %arg8[%dma_wait3A_285, %dma_wait3A_287, %dma_wait3A_288] : memref<10x80x64xf32, #tpu.memory_space<vmem>> -> memref<1x80x64xf32, #tpu.memory_space<vmem>>
    %dma_wait3A_290 = tpu.memref_squeeze %dma_wait3A_289 : memref<1x80x64xf32, #tpu.memory_space<vmem>> -> memref<80x64xf32, #tpu.memory_space<vmem>>
    %dma_wait3A_291 = arith.constant 0 : i32
    %dma_wait3A_292 = tpu.memref_slice %arg7[%dma_wait3A_286, %dma_wait3A_291] : memref<125x80xi32, #tpu.memory_space<vmem>> -> memref<1x80xi32, #tpu.memory_space<vmem>>
    %dma_wait3A_293 = tpu.memref_squeeze %dma_wait3A_292 : memref<1x80xi32, #tpu.memory_space<vmem>> -> memref<80xi32, #tpu.memory_space<vmem>>
    %dma_wait3A_294 = arith.constant 0 : i32
    %dma_wait3A_295 = arith.constant 0 : i32
    %dma_wait3A_296 = tpu.memref_slice %arg9[%dma_wait3A_294, %dma_wait3A_295] : memref<10240x64xf32, #tpu.memory_space<vmem_shared>> -> memref<10240x64xf32, #tpu.memory_space<vmem_shared>>
    tpu.wait_indirect_dma semaphore(%arg12 : memref<!tpu.dma_semaphore, #tpu.memory_space<semaphore_mem>>) src(%dma_wait3A_290 : memref<80x64xf32, #tpu.memory_space<vmem>>) dst(%dma_wait3A_296 : memref<10240x64xf32, #tpu.memory_space<vmem_shared>>)
    %dma_wait3A_297 = arith.constant 4 : i32
    %dma_wait3A_298 = arith.constant 124 : i32
    %dma_wait3A_299 = arith.constant 0 : i32
    %dma_wait3A_300 = arith.constant 0 : i32
    %dma_wait3A_301 = tpu.memref_slice %arg8[%dma_wait3A_297, %dma_wait3A_299, %dma_wait3A_300] : memref<10x80x64xf32, #tpu.memory_space<vmem>> -> memref<1x80x64xf32, #tpu.memory_space<vmem>>
    %dma_wait3A_302 = tpu.memref_squeeze %dma_wait3A_301 : memref<1x80x64xf32, #tpu.memory_space<vmem>> -> memref<80x64xf32, #tpu.memory_space<vmem>>
    %dma_wait3A_303 = arith.constant 0 : i32
    %dma_wait3A_304 = tpu.memref_slice %arg7[%dma_wait3A_298, %dma_wait3A_303] : memref<125x80xi32, #tpu.memory_space<vmem>> -> memref<1x80xi32, #tpu.memory_space<vmem>>
    %dma_wait3A_305 = tpu.memref_squeeze %dma_wait3A_304 : memref<1x80xi32, #tpu.memory_space<vmem>> -> memref<80xi32, #tpu.memory_space<vmem>>
    %dma_wait3A_306 = arith.constant 0 : i32
    %dma_wait3A_307 = arith.constant 0 : i32
    %dma_wait3A_308 = tpu.memref_slice %arg9[%dma_wait3A_306, %dma_wait3A_307] : memref<10240x64xf32, #tpu.memory_space<vmem_shared>> -> memref<10240x64xf32, #tpu.memory_space<vmem_shared>>
    tpu.wait_indirect_dma semaphore(%arg12 : memref<!tpu.dma_semaphore, #tpu.memory_space<semaphore_mem>>) src(%dma_wait3A_302 : memref<80x64xf32, #tpu.memory_space<vmem>>) dst(%dma_wait3A_308 : memref<10240x64xf32, #tpu.memory_space<vmem_shared>>)
    %dma_wait3A_309 = arith.constant 0 : i32
    %dma_wait3A_310 = arith.constant 5 : i32
    %dma_wait3A_311 = arith.constant 0 : i32
    %dma_wait3A_312 = arith.constant 0 : i32
    %dma_wait3A_313 = tpu.memref_slice %arg8[%dma_wait3A_310, %dma_wait3A_311, %dma_wait3A_312] : memref<10x80x64xf32, #tpu.memory_space<vmem>> -> memref<1x80x64xf32, #tpu.memory_space<vmem>>
    %dma_wait3A_314 = tpu.memref_squeeze %dma_wait3A_313 : memref<1x80x64xf32, #tpu.memory_space<vmem>> -> memref<80x64xf32, #tpu.memory_space<vmem>>
    %dma_wait3A_315 = arith.constant 0 : i32
    %dma_wait3A_316 = tpu.memref_slice %arg6[%dma_wait3A_309, %dma_wait3A_315] : memref<125x80xi32, #tpu.memory_space<vmem>> -> memref<1x80xi32, #tpu.memory_space<vmem>>
    %dma_wait3A_317 = tpu.memref_squeeze %dma_wait3A_316 : memref<1x80xi32, #tpu.memory_space<vmem>> -> memref<80xi32, #tpu.memory_space<vmem>>
    %dma_wait3A_318 = arith.constant 0 : i32
    %dma_wait3A_319 = arith.constant 0 : i32
    %dma_wait3A_320 = tpu.memref_slice %arg2[%dma_wait3A_318, %dma_wait3A_319] : memref<10240x64xf32, #tpu.memory_space<hbm>> -> memref<10240x64xf32, #tpu.memory_space<hbm>>
    tpu.wait_indirect_dma semaphore(%arg11 : memref<!tpu.dma_semaphore, #tpu.memory_space<semaphore_mem>>) src(%dma_wait3A_320 : memref<10240x64xf32, #tpu.memory_space<hbm>>) dst(%dma_wait3A_314 : memref<80x64xf32, #tpu.memory_space<vmem>>)
    %dma_wait3A_321 = arith.constant 1 : i32
    %dma_wait3A_322 = arith.constant 6 : i32
    %dma_wait3A_323 = arith.constant 0 : i32
    %dma_wait3A_324 = arith.constant 0 : i32
    %dma_wait3A_325 = tpu.memref_slice %arg8[%dma_wait3A_322, %dma_wait3A_323, %dma_wait3A_324] : memref<10x80x64xf32, #tpu.memory_space<vmem>> -> memref<1x80x64xf32, #tpu.memory_space<vmem>>
    %dma_wait3A_326 = tpu.memref_squeeze %dma_wait3A_325 : memref<1x80x64xf32, #tpu.memory_space<vmem>> -> memref<80x64xf32, #tpu.memory_space<vmem>>
    %dma_wait3A_327 = arith.constant 0 : i32
    %dma_wait3A_328 = tpu.memref_slice %arg6[%dma_wait3A_321, %dma_wait3A_327] : memref<125x80xi32, #tpu.memory_space<vmem>> -> memref<1x80xi32, #tpu.memory_space<vmem>>
    %dma_wait3A_329 = tpu.memref_squeeze %dma_wait3A_328 : memref<1x80xi32, #tpu.memory_space<vmem>> -> memref<80xi32, #tpu.memory_space<vmem>>
    %dma_wait3A_330 = arith.constant 0 : i32
    %dma_wait3A_331 = arith.constant 0 : i32
    %dma_wait3A_332 = tpu.memref_slice %arg2[%dma_wait3A_330, %dma_wait3A_331] : memref<10240x64xf32, #tpu.memory_space<hbm>> -> memref<10240x64xf32, #tpu.memory_space<hbm>>
    tpu.wait_indirect_dma semaphore(%arg11 : memref<!tpu.dma_semaphore, #tpu.memory_space<semaphore_mem>>) src(%dma_wait3A_332 : memref<10240x64xf32, #tpu.memory_space<hbm>>) dst(%dma_wait3A_326 : memref<80x64xf32, #tpu.memory_space<vmem>>)
    %dma_wait3A_333 = arith.constant 2 : i32
    %dma_wait3A_334 = arith.constant 7 : i32
    %dma_wait3A_335 = arith.constant 0 : i32
    %dma_wait3A_336 = arith.constant 0 : i32
    %dma_wait3A_337 = tpu.memref_slice %arg8[%dma_wait3A_334, %dma_wait3A_335, %dma_wait3A_336] : memref<10x80x64xf32, #tpu.memory_space<vmem>> -> memref<1x80x64xf32, #tpu.memory_space<vmem>>
    %dma_wait3A_338 = tpu.memref_squeeze %dma_wait3A_337 : memref<1x80x64xf32, #tpu.memory_space<vmem>> -> memref<80x64xf32, #tpu.memory_space<vmem>>
    %dma_wait3A_339 = arith.constant 0 : i32
    %dma_wait3A_340 = tpu.memref_slice %arg6[%dma_wait3A_333, %dma_wait3A_339] : memref<125x80xi32, #tpu.memory_space<vmem>> -> memref<1x80xi32, #tpu.memory_space<vmem>>
    %dma_wait3A_341 = tpu.memref_squeeze %dma_wait3A_340 : memref<1x80xi32, #tpu.memory_space<vmem>> -> memref<80xi32, #tpu.memory_space<vmem>>
    %dma_wait3A_342 = arith.constant 0 : i32
    %dma_wait3A_343 = arith.constant 0 : i32
    %dma_wait3A_344 = tpu.memref_slice %arg2[%dma_wait3A_342, %dma_wait3A_343] : memref<10240x64xf32, #tpu.memory_space<hbm>> -> memref<10240x64xf32, #tpu.memory_space<hbm>>
    tpu.wait_indirect_dma semaphore(%arg11 : memref<!tpu.dma_semaphore, #tpu.memory_space<semaphore_mem>>) src(%dma_wait3A_344 : memref<10240x64xf32, #tpu.memory_space<hbm>>) dst(%dma_wait3A_338 : memref<80x64xf32, #tpu.memory_space<vmem>>)
    %dma_wait3A_345 = arith.constant 3 : i32
    %dma_wait3A_346 = arith.constant 8 : i32
    %dma_wait3A_347 = arith.constant 0 : i32
    %dma_wait3A_348 = arith.constant 0 : i32
    %dma_wait3A_349 = tpu.memref_slice %arg8[%dma_wait3A_346, %dma_wait3A_347, %dma_wait3A_348] : memref<10x80x64xf32, #tpu.memory_space<vmem>> -> memref<1x80x64xf32, #tpu.memory_space<vmem>>
    %dma_wait3A_350 = tpu.memref_squeeze %dma_wait3A_349 : memref<1x80x64xf32, #tpu.memory_space<vmem>> -> memref<80x64xf32, #tpu.memory_space<vmem>>
    %dma_wait3A_351 = arith.constant 0 : i32
    %dma_wait3A_352 = tpu.memref_slice %arg6[%dma_wait3A_345, %dma_wait3A_351] : memref<125x80xi32, #tpu.memory_space<vmem>> -> memref<1x80xi32, #tpu.memory_space<vmem>>
    %dma_wait3A_353 = tpu.memref_squeeze %dma_wait3A_352 : memref<1x80xi32, #tpu.memory_space<vmem>> -> memref<80xi32, #tpu.memory_space<vmem>>
    %dma_wait3A_354 = arith.constant 0 : i32
    %dma_wait3A_355 = arith.constant 0 : i32
    %dma_wait3A_356 = tpu.memref_slice %arg2[%dma_wait3A_354, %dma_wait3A_355] : memref<10240x64xf32, #tpu.memory_space<hbm>> -> memref<10240x64xf32, #tpu.memory_space<hbm>>
    tpu.wait_indirect_dma semaphore(%arg11 : memref<!tpu.dma_semaphore, #tpu.memory_space<semaphore_mem>>) src(%dma_wait3A_356 : memref<10240x64xf32, #tpu.memory_space<hbm>>) dst(%dma_wait3A_350 : memref<80x64xf32, #tpu.memory_space<vmem>>)
    %dma_wait3A_357 = arith.constant 4 : i32
    %dma_wait3A_358 = arith.constant 9 : i32
    %dma_wait3A_359 = arith.constant 0 : i32
    %dma_wait3A_360 = arith.constant 0 : i32
    %dma_wait3A_361 = tpu.memref_slice %arg8[%dma_wait3A_358, %dma_wait3A_359, %dma_wait3A_360] : memref<10x80x64xf32, #tpu.memory_space<vmem>> -> memref<1x80x64xf32, #tpu.memory_space<vmem>>
    %dma_wait3A_362 = tpu.memref_squeeze %dma_wait3A_361 : memref<1x80x64xf32, #tpu.memory_space<vmem>> -> memref<80x64xf32, #tpu.memory_space<vmem>>
    %dma_wait3A_363 = arith.constant 0 : i32
    %dma_wait3A_364 = tpu.memref_slice %arg6[%dma_wait3A_357, %dma_wait3A_363] : memref<125x80xi32, #tpu.memory_space<vmem>> -> memref<1x80xi32, #tpu.memory_space<vmem>>
    %dma_wait3A_365 = tpu.memref_squeeze %dma_wait3A_364 : memref<1x80xi32, #tpu.memory_space<vmem>> -> memref<80xi32, #tpu.memory_space<vmem>>
    %dma_wait3A_366 = arith.constant 0 : i32
    %dma_wait3A_367 = arith.constant 0 : i32
    %dma_wait3A_368 = tpu.memref_slice %arg2[%dma_wait3A_366, %dma_wait3A_367] : memref<10240x64xf32, #tpu.memory_space<hbm>> -> memref<10240x64xf32, #tpu.memory_space<hbm>>
    tpu.wait_indirect_dma semaphore(%arg11 : memref<!tpu.dma_semaphore, #tpu.memory_space<semaphore_mem>>) src(%dma_wait3A_368 : memref<10240x64xf32, #tpu.memory_space<hbm>>) dst(%dma_wait3A_362 : memref<80x64xf32, #tpu.memory_space<vmem>>)
    %barrier3A_369 = arith.constant 0 : index
    tpu.barrier barrier_id(%barrier3A_369)
    %mul3A_370 = arith.constant 640 : i32
    %mul3A_371 = arith.muli %arg1, %mul3A_370 : i32
    %mul3A_372 = arith.constant 640 : i32
    %mul3A_373 = arith.muli %arg1, %mul3A_372 : i32
    "tpu.region"() ({
      %run_scoped3A = tpu.sem_alloc : memref<!tpu.dma_semaphore, #tpu.memory_space<semaphore_mem>>
      %dma_start3A_374 = arith.constant 0 : i32
      %dma_start3A_375 = tpu.memref_slice %arg5[%arg0, %mul3A_373, %dma_start3A_374] : memref<2x10240x64xf32, #tpu.memory_space<hbm>> -> memref<1x640x64xf32, #tpu.memory_space<hbm>>
      %dma_start3A_376 = tpu.memref_squeeze %dma_start3A_375 : memref<1x640x64xf32, #tpu.memory_space<hbm>> -> memref<640x64xf32, #tpu.memory_space<hbm>>
      %dma_start3A_377 = arith.constant 0 : i32
      %dma_start3A_378 = tpu.memref_slice %arg9[%mul3A_371, %dma_start3A_377] : memref<10240x64xf32, #tpu.memory_space<vmem_shared>> -> memref<640x64xf32, #tpu.memory_space<vmem_shared>>
      tpu.enqueue_dma source(%dma_start3A_378 : memref<640x64xf32, #tpu.memory_space<vmem_shared>>) target(%dma_start3A_376 : memref<640x64xf32, #tpu.memory_space<hbm>>) target_semaphore(%run_scoped3A : memref<!tpu.dma_semaphore, #tpu.memory_space<semaphore_mem>>)
      %dma_wait3A_379 = arith.constant 0 : i32
      %dma_wait3A_380 = tpu.memref_slice %arg5[%arg0, %mul3A_373, %dma_wait3A_379] : memref<2x10240x64xf32, #tpu.memory_space<hbm>> -> memref<1x640x64xf32, #tpu.memory_space<hbm>>
      %dma_wait3A_381 = tpu.memref_squeeze %dma_wait3A_380 : memref<1x640x64xf32, #tpu.memory_space<hbm>> -> memref<640x64xf32, #tpu.memory_space<hbm>>
      %dma_wait3A_382 = arith.constant 0 : i32
      %dma_wait3A_383 = tpu.memref_slice %arg9[%mul3A_371, %dma_wait3A_382] : memref<10240x64xf32, #tpu.memory_space<vmem_shared>> -> memref<640x64xf32, #tpu.memory_space<vmem_shared>>
      tpu.wait_dma2 semaphore(%run_scoped3A : memref<!tpu.dma_semaphore, #tpu.memory_space<semaphore_mem>>) src(%dma_wait3A_383 : memref<640x64xf32, #tpu.memory_space<vmem_shared>>) dst(%dma_wait3A_381 : memref<640x64xf32, #tpu.memory_space<hbm>>)
      tpu.yield
    }) : () -> ()
    return
  }
}

module attributes {stable_mosaic.version = 14 : i64} {
  func.func @_mm_scale_body(%arg0: memref<10000x128xf32, #tpu.memory_space<vmem>>, %arg1: memref<128x64xf32, #tpu.memory_space<vmem>>, %arg2: memref<2x10240x16xf32, #tpu.memory_space<vmem>>, %arg3: memref<10240x64xf32, #tpu.memory_space<vmem>>) attributes {dimension_semantics = [], scalar_prefetch = 0 : i64, scratch_operands = 0 : i64, tpu.core_type = #tpu.core_type<tc>} {
    %get3A = arith.constant 0 : index
    %get3A_0 = arith.constant 0 : index
    %get3A_1 = arith.constant 0 : index
    %get3A_2 = vector.load %arg2[%get3A, %get3A_0, %get3A_1] : memref<2x10240x16xf32, #tpu.memory_space<vmem>>, vector<2x10240x16xf32>
    %slice3A = vector.extract_strided_slice %get3A_2 {offsets = [0, 0, 0], sizes = [1, 10240, 16], strides = [1, 1, 1]} : vector<2x10240x16xf32> to vector<1x10240x16xf32>
    %squeeze3A = vector.shape_cast %slice3A : vector<1x10240x16xf32> to vector<10240x16xf32>
    %slice3A_3 = vector.extract_strided_slice %get3A_2 {offsets = [1, 0, 0], sizes = [1, 10240, 16], strides = [1, 1, 1]} : vector<2x10240x16xf32> to vector<1x10240x16xf32>
    %squeeze3A_4 = vector.shape_cast %slice3A_3 : vector<1x10240x16xf32> to vector<10240x16xf32>
    %add3A = arith.addf %squeeze3A, %squeeze3A_4 : vector<10240x16xf32>
    %slice3A_5 = vector.extract_strided_slice %add3A {offsets = [0, 0], sizes = [10240, 1], strides = [1, 1]} : vector<10240x16xf32> to vector<10240x1xf32>
    %add3A_6 = arith.constant 1.000000e+00 : f32
    %add3A_7 = vector.broadcast %add3A_6 : f32 to vector<10240x1xf32>
    %add3A_8 = arith.addf %slice3A_5, %add3A_7 : vector<10240x1xf32>
    %rsqrt3A = math.rsqrt %add3A_8 : vector<10240x1xf32>
    %get3A_9 = arith.constant 0 : index
    %get3A_10 = arith.constant 0 : index
    %get3A_11 = vector.load %arg0[%get3A_9, %get3A_10] : memref<10000x128xf32, #tpu.memory_space<vmem>>, vector<10000x128xf32>
    %get3A_12 = arith.constant 0 : index
    %get3A_13 = arith.constant 0 : index
    %get3A_14 = vector.load %arg1[%get3A_12, %get3A_13] : memref<128x64xf32, #tpu.memory_space<vmem>>, vector<128x64xf32>
    %dot_general3A = arith.constant dense<0.000000e+00> : vector<10000x64xf32>
    %dot_general3A_15 = tpu.matmul %get3A_11, %get3A_14, %dot_general3A {dimension_numbers = #tpu.dot_dimension_numbers<[1], [0], [0], [1], [0, 0, 1, 1], [], []>, transpose_lhs_hint = false} : vector<10000x128xf32>, vector<128x64xf32>, vector<10000x64xf32> -> vector<10000x64xf32>
    %slice3A_16 = vector.extract_strided_slice %rsqrt3A {offsets = [0, 0], sizes = [10000, 1], strides = [1, 1]} : vector<10240x1xf32> to vector<10000x1xf32>
    %mul3A = vector.broadcast %slice3A_16 : vector<10000x1xf32> to vector<10000x64xf32>
    %mul3A_17 = arith.mulf %dot_general3A_15, %mul3A : vector<10000x64xf32>
    %swap3A = arith.constant 0 : index
    %swap3A_18 = arith.constant 0 : index
    %swap3A_19 = vector.load %arg3[%swap3A, %swap3A_18] : memref<10240x64xf32, #tpu.memory_space<vmem>>, vector<10000x64xf32>
    tpu.vector_store %arg3[%swap3A, %swap3A_18], %mul3A_17 {strides = array<i32>} : memref<10240x64xf32, #tpu.memory_space<vmem>>, vector<10000x64xf32>,
    %broadcast_in_dim3A = arith.constant 0.000000e+00 : f32
    %broadcast_in_dim3A_20 = vector.broadcast %broadcast_in_dim3A : f32 to vector<240x64xf32>
    %swap3A_21 = arith.constant 10000 : index
    %swap3A_22 = arith.constant 0 : index
    %swap3A_23 = vector.load %arg3[%swap3A_21, %swap3A_22] : memref<10240x64xf32, #tpu.memory_space<vmem>>, vector<240x64xf32>
    tpu.vector_store %arg3[%swap3A_21, %swap3A_22], %broadcast_in_dim3A_20 {strides = array<i32>} : memref<10240x64xf32, #tpu.memory_space<vmem>>, vector<240x64xf32>,
    return
  }
}

module attributes {stable_mosaic.version = 14 : i64} {
  func.func @_combine_mm_body(%arg0: memref<2x10240x64xf32, #tpu.memory_space<vmem>>, %arg1: memref<10240x64xf32, #tpu.memory_space<vmem>>, %arg2: memref<2x10240x16xf32, #tpu.memory_space<vmem>>, %arg3: memref<1x64xf32, #tpu.memory_space<vmem>>, %arg4: memref<64x128xf32, #tpu.memory_space<vmem>>, %arg5: memref<10240x128xf32, #tpu.memory_space<vmem>>) attributes {dimension_semantics = [], scalar_prefetch = 0 : i64, scratch_operands = 0 : i64, tpu.core_type = #tpu.core_type<tc>} {
    %get3A = arith.constant 0 : index
    %get3A_0 = arith.constant 0 : index
    %get3A_1 = arith.constant 0 : index
    %get3A_2 = vector.load %arg2[%get3A, %get3A_0, %get3A_1] : memref<2x10240x16xf32, #tpu.memory_space<vmem>>, vector<2x10240x16xf32>
    %slice3A = vector.extract_strided_slice %get3A_2 {offsets = [0, 0, 0], sizes = [1, 10240, 16], strides = [1, 1, 1]} : vector<2x10240x16xf32> to vector<1x10240x16xf32>
    %squeeze3A = vector.shape_cast %slice3A : vector<1x10240x16xf32> to vector<10240x16xf32>
    %slice3A_3 = vector.extract_strided_slice %get3A_2 {offsets = [1, 0, 0], sizes = [1, 10240, 16], strides = [1, 1, 1]} : vector<2x10240x16xf32> to vector<1x10240x16xf32>
    %squeeze3A_4 = vector.shape_cast %slice3A_3 : vector<1x10240x16xf32> to vector<10240x16xf32>
    %add3A = arith.addf %squeeze3A, %squeeze3A_4 : vector<10240x16xf32>
    %slice3A_5 = vector.extract_strided_slice %add3A {offsets = [0, 0], sizes = [10240, 1], strides = [1, 1]} : vector<10240x16xf32> to vector<10240x1xf32>
    %add3A_6 = arith.constant 1.000000e+00 : f32
    %add3A_7 = vector.broadcast %add3A_6 : f32 to vector<10240x1xf32>
    %add3A_8 = arith.addf %slice3A_5, %add3A_7 : vector<10240x1xf32>
    %rsqrt3A = math.rsqrt %add3A_8 : vector<10240x1xf32>
    %get3A_9 = arith.constant 0 : index
    %get3A_10 = arith.constant 0 : index
    %get3A_11 = arith.constant 0 : index
    %get3A_12 = vector.load %arg0[%get3A_9, %get3A_10, %get3A_11] : memref<2x10240x64xf32, #tpu.memory_space<vmem>>, vector<2x10240x64xf32>
    %get3A_13 = arith.constant 0 : index
    %get3A_14 = arith.constant 0 : index
    %get3A_15 = vector.load %arg1[%get3A_13, %get3A_14] : memref<10240x64xf32, #tpu.memory_space<vmem>>, vector<10240x64xf32>
    %slice3A_16 = vector.extract_strided_slice %get3A_12 {offsets = [0, 0, 0], sizes = [1, 10240, 64], strides = [1, 1, 1]} : vector<2x10240x64xf32> to vector<1x10240x64xf32>
    %squeeze3A_17 = vector.shape_cast %slice3A_16 : vector<1x10240x64xf32> to vector<10240x64xf32>
    %slice3A_18 = vector.extract_strided_slice %get3A_12 {offsets = [1, 0, 0], sizes = [1, 10240, 64], strides = [1, 1, 1]} : vector<2x10240x64xf32> to vector<1x10240x64xf32>
    %squeeze3A_19 = vector.shape_cast %slice3A_18 : vector<1x10240x64xf32> to vector<10240x64xf32>
    %add3A_20 = arith.addf %squeeze3A_17, %squeeze3A_19 : vector<10240x64xf32>
    %sub3A = arith.subf %add3A_20, %get3A_15 : vector<10240x64xf32>
    %mul3A = vector.broadcast %rsqrt3A : vector<10240x1xf32> to vector<10240x64xf32>
    %mul3A_21 = arith.mulf %sub3A, %mul3A : vector<10240x64xf32>
    %get3A_22 = arith.constant 0 : index
    %get3A_23 = arith.constant 0 : index
    %get3A_24 = vector.load %arg3[%get3A_22, %get3A_23] : memref<1x64xf32, #tpu.memory_space<vmem>>, vector<1x64xf32>
    %add3A_25 = vector.broadcast %get3A_24 : vector<1x64xf32> to vector<10240x64xf32>
    %add3A_26 = arith.addf %mul3A_21, %add3A_25 : vector<10240x64xf32>
    %max3A = arith.constant 0.000000e+00 : f32
    %max3A_27 = vector.broadcast %max3A : f32 to vector<10240x64xf32>
    %max3A_28 = arith.maximumf %add3A_26, %max3A_27 : vector<10240x64xf32>
    %get3A_29 = arith.constant 0 : index
    %get3A_30 = arith.constant 0 : index
    %get3A_31 = vector.load %arg4[%get3A_29, %get3A_30] : memref<64x128xf32, #tpu.memory_space<vmem>>, vector<64x128xf32>
    %dot_general3A = arith.constant dense<0.000000e+00> : vector<10240x128xf32>
    %dot_general3A_32 = tpu.matmul %max3A_28, %get3A_31, %dot_general3A {dimension_numbers = #tpu.dot_dimension_numbers<[1], [0], [0], [1], [0, 0, 1, 1], [], []>, transpose_lhs_hint = false} : vector<10240x64xf32>, vector<64x128xf32>, vector<10240x128xf32> -> vector<10240x128xf32>
    %mul3A_33 = vector.broadcast %rsqrt3A : vector<10240x1xf32> to vector<10240x128xf32>
    %mul3A_34 = arith.mulf %dot_general3A_32, %mul3A_33 : vector<10240x128xf32>
    %swap3A = arith.constant 0 : index
    %swap3A_35 = arith.constant 0 : index
    %swap3A_36 = vector.load %arg5[%swap3A, %swap3A_35] : memref<10240x128xf32, #tpu.memory_space<vmem>>, vector<10240x128xf32>
    tpu.vector_store %arg5[%swap3A, %swap3A_35], %mul3A_34 {strides = array<i32>} : memref<10240x128xf32, #tpu.memory_space<vmem>>, vector<10240x128xf32>,
    %broadcast_in_dim3A = arith.constant 0.000000e+00 : f32
    %broadcast_in_dim3A_37 = vector.broadcast %broadcast_in_dim3A : f32 to vector<240x128xf32>
    %swap3A_38 = arith.constant 10000 : index
    %swap3A_39 = arith.constant 0 : index
    %swap3A_40 = vector.load %arg5[%swap3A_38, %swap3A_39] : memref<10240x128xf32, #tpu.memory_space<vmem>>, vector<240x128xf32>
    tpu.vector_store %arg5[%swap3A_38, %swap3A_39], %broadcast_in_dim3A_37 {strides = array<i32>} : memref<10240x128xf32, #tpu.memory_space<vmem>>, vector<240x128xf32>,
    return
  }
}

module attributes {stable_mosaic.version = 14 : i64} {
  func.func @_head_body(%arg0: memref<2x10240x128xf32, #tpu.memory_space<vmem>>, %arg1: memref<10240x128xf32, #tpu.memory_space<vmem>>, %arg2: memref<2x10240x16xf32, #tpu.memory_space<vmem>>, %arg3: memref<1x128xf32, #tpu.memory_space<vmem>>, %arg4: memref<1x10240xi32, #tpu.memory_space<vmem>>, %arg5: memref<128x64xf32, #tpu.memory_space<vmem>>, %arg6: memref<1x64xf32, #tpu.memory_space<vmem>>, %arg7: memref<64x64xf32, #tpu.memory_space<vmem>>, %arg8: memref<1x64xf32, #tpu.memory_space<vmem>>, %arg9: memref<64x64xf32, #tpu.memory_space<vmem>>, %arg10: memref<1x64xf32, #tpu.memory_space<vmem>>, %arg11: memref<64x1xf32, #tpu.memory_space<vmem>>, %arg12: memref<1x1xf32, #tpu.memory_space<vmem>>, %arg13: memref<64x1xf32, #tpu.memory_space<vmem>>) attributes {dimension_semantics = [], scalar_prefetch = 0 : i64, scratch_operands = 0 : i64, tpu.core_type = #tpu.core_type<tc>} {
    %get3A = arith.constant 0 : index
    %get3A_0 = arith.constant 0 : index
    %get3A_1 = arith.constant 0 : index
    %get3A_2 = vector.load %arg2[%get3A, %get3A_0, %get3A_1] : memref<2x10240x16xf32, #tpu.memory_space<vmem>>, vector<2x10240x16xf32>
    %slice3A = vector.extract_strided_slice %get3A_2 {offsets = [0, 0, 0], sizes = [1, 10240, 16], strides = [1, 1, 1]} : vector<2x10240x16xf32> to vector<1x10240x16xf32>
    %squeeze3A = vector.shape_cast %slice3A : vector<1x10240x16xf32> to vector<10240x16xf32>
    %slice3A_3 = vector.extract_strided_slice %get3A_2 {offsets = [1, 0, 0], sizes = [1, 10240, 16], strides = [1, 1, 1]} : vector<2x10240x16xf32> to vector<1x10240x16xf32>
    %squeeze3A_4 = vector.shape_cast %slice3A_3 : vector<1x10240x16xf32> to vector<10240x16xf32>
    %add3A = arith.addf %squeeze3A, %squeeze3A_4 : vector<10240x16xf32>
    %slice3A_5 = vector.extract_strided_slice %add3A {offsets = [0, 0], sizes = [10240, 1], strides = [1, 1]} : vector<10240x16xf32> to vector<10240x1xf32>
    %add3A_6 = arith.constant 1.000000e+00 : f32
    %add3A_7 = vector.broadcast %add3A_6 : f32 to vector<10240x1xf32>
    %add3A_8 = arith.addf %slice3A_5, %add3A_7 : vector<10240x1xf32>
    %rsqrt3A = math.rsqrt %add3A_8 : vector<10240x1xf32>
    %get3A_9 = arith.constant 0 : index
    %get3A_10 = arith.constant 0 : index
    %get3A_11 = arith.constant 0 : index
    %get3A_12 = vector.load %arg0[%get3A_9, %get3A_10, %get3A_11] : memref<2x10240x128xf32, #tpu.memory_space<vmem>>, vector<2x10240x128xf32>
    %slice3A_13 = vector.extract_strided_slice %get3A_12 {offsets = [0, 0, 0], sizes = [1, 10240, 128], strides = [1, 1, 1]} : vector<2x10240x128xf32> to vector<1x10240x128xf32>
    %squeeze3A_14 = vector.shape_cast %slice3A_13 : vector<1x10240x128xf32> to vector<10240x128xf32>
    %slice3A_15 = vector.extract_strided_slice %get3A_12 {offsets = [1, 0, 0], sizes = [1, 10240, 128], strides = [1, 1, 1]} : vector<2x10240x128xf32> to vector<1x10240x128xf32>
    %squeeze3A_16 = vector.shape_cast %slice3A_15 : vector<1x10240x128xf32> to vector<10240x128xf32>
    %add3A_17 = arith.addf %squeeze3A_14, %squeeze3A_16 : vector<10240x128xf32>
    %get3A_18 = arith.constant 0 : index
    %get3A_19 = arith.constant 0 : index
    %get3A_20 = vector.load %arg1[%get3A_18, %get3A_19] : memref<10240x128xf32, #tpu.memory_space<vmem>>, vector<10240x128xf32>
    %sub3A = arith.subf %add3A_17, %get3A_20 : vector<10240x128xf32>
    %mul3A = vector.broadcast %rsqrt3A : vector<10240x1xf32> to vector<10240x128xf32>
    %mul3A_21 = arith.mulf %sub3A, %mul3A : vector<10240x128xf32>
    %get3A_22 = arith.constant 0 : index
    %get3A_23 = arith.constant 0 : index
    %get3A_24 = vector.load %arg3[%get3A_22, %get3A_23] : memref<1x128xf32, #tpu.memory_space<vmem>>, vector<1x128xf32>
    %add3A_25 = vector.broadcast %get3A_24 : vector<1x128xf32> to vector<10240x128xf32>
    %add3A_26 = arith.addf %mul3A_21, %add3A_25 : vector<10240x128xf32>
    %max3A = arith.constant 0.000000e+00 : f32
    %max3A_27 = vector.broadcast %max3A : f32 to vector<10240x128xf32>
    %max3A_28 = arith.maximumf %add3A_26, %max3A_27 : vector<10240x128xf32>
    %iota3A = tpu.iota {dimensions = array<i32: 0>} : vector<64x10240xi32>
    %get3A_29 = arith.constant 0 : index
    %get3A_30 = arith.constant 0 : index
    %get3A_31 = vector.load %arg4[%get3A_29, %get3A_30] : memref<1x10240xi32, #tpu.memory_space<vmem>>, vector<1x10240xi32>
    %eq3A = vector.broadcast %get3A_31 : vector<1x10240xi32> to vector<64x10240xi32>
    %eq3A_32 = arith.cmpi eq, %eq3A, %iota3A : vector<64x10240xi32>
    %convert_element_type3A = arith.extui %eq3A_32 : vector<64x10240xi1> to vector<64x10240xi32>
    %convert_element_type3A_33 = arith.sitofp %convert_element_type3A : vector<64x10240xi32> to vector<64x10240xf32>
    %dot_general3A = arith.constant dense<0.000000e+00> : vector<64x128xf32>
    %dot_general3A_34 = tpu.matmul %convert_element_type3A_33, %max3A_28, %dot_general3A {dimension_numbers = #tpu.dot_dimension_numbers<[1], [0], [0], [1], [0, 0, 1, 1], [], []>, precision = #tpu.contract_precision<fp32>, transpose_lhs_hint = false} : vector<64x10240xf32>, vector<10240x128xf32>, vector<64x128xf32> -> vector<64x128xf32>
    %reduce_sum3A = arith.constant dense<0.000000e+00> : vector<64xf32>
    %reduce_sum3A_35 = vector.multi_reduction <add>, %convert_element_type3A_33, %reduce_sum3A [1] : vector<64x10240xf32> to vector<64xf32>
    %broadcast_in_dim3A = vector.shape_cast %reduce_sum3A_35 : vector<64xf32> to vector<64x1xf32>
    %max3A_36 = arith.constant 1.000000e+00 : f32
    %max3A_37 = vector.broadcast %max3A_36 : f32 to vector<64x1xf32>
    %max3A_38 = arith.maximumf %broadcast_in_dim3A, %max3A_37 : vector<64x1xf32>
    %div3A = vector.broadcast %max3A_38 : vector<64x1xf32> to vector<64x128xf32>
    %div3A_39 = arith.divf %dot_general3A_34, %div3A : vector<64x128xf32>
    %get3A_40 = arith.constant 0 : index
    %get3A_41 = arith.constant 0 : index
    %get3A_42 = vector.load %arg5[%get3A_40, %get3A_41] : memref<128x64xf32, #tpu.memory_space<vmem>>, vector<128x64xf32>
    %dot_general3A_43 = arith.constant dense<0.000000e+00> : vector<64x64xf32>
    %dot_general3A_44 = tpu.matmul %div3A_39, %get3A_42, %dot_general3A_43 {dimension_numbers = #tpu.dot_dimension_numbers<[1], [0], [0], [1], [0, 0, 1, 1], [], []>, transpose_lhs_hint = false} : vector<64x128xf32>, vector<128x64xf32>, vector<64x64xf32> -> vector<64x64xf32>
    %get3A_45 = arith.constant 0 : index
    %get3A_46 = arith.constant 0 : index
    %get3A_47 = vector.load %arg6[%get3A_45, %get3A_46] : memref<1x64xf32, #tpu.memory_space<vmem>>, vector<1x64xf32>
    %add3A_48 = vector.broadcast %get3A_47 : vector<1x64xf32> to vector<64x64xf32>
    %add3A_49 = arith.addf %dot_general3A_44, %add3A_48 : vector<64x64xf32>
    %gt3A = arith.constant 0.000000e+00 : f32
    %gt3A_50 = vector.broadcast %gt3A : f32 to vector<64x64xf32>
    %gt3A_51 = arith.cmpf ogt, %add3A_49, %gt3A_50 : vector<64x64xf32>
    %mul3A_52 = arith.constant 2.000000e-01 : f32
    %mul3A_53 = vector.broadcast %mul3A_52 : f32 to vector<64x64xf32>
    %mul3A_54 = arith.mulf %mul3A_53, %add3A_49 : vector<64x64xf32>
    %select_n3A = arith.select %gt3A_51, %add3A_49, %mul3A_54 : vector<64x64xi1>, vector<64x64xf32>
    %get3A_55 = arith.constant 0 : index
    %get3A_56 = arith.constant 0 : index
    %get3A_57 = vector.load %arg7[%get3A_55, %get3A_56] : memref<64x64xf32, #tpu.memory_space<vmem>>, vector<64x64xf32>
    %dot_general3A_58 = arith.constant dense<0.000000e+00> : vector<64x64xf32>
    %dot_general3A_59 = tpu.matmul %select_n3A, %get3A_57, %dot_general3A_58 {dimension_numbers = #tpu.dot_dimension_numbers<[1], [0], [0], [1], [0, 0, 1, 1], [], []>, transpose_lhs_hint = false} : vector<64x64xf32>, vector<64x64xf32>, vector<64x64xf32> -> vector<64x64xf32>
    %get3A_60 = arith.constant 0 : index
    %get3A_61 = arith.constant 0 : index
    %get3A_62 = vector.load %arg8[%get3A_60, %get3A_61] : memref<1x64xf32, #tpu.memory_space<vmem>>, vector<1x64xf32>
    %add3A_63 = vector.broadcast %get3A_62 : vector<1x64xf32> to vector<64x64xf32>
    %add3A_64 = arith.addf %dot_general3A_59, %add3A_63 : vector<64x64xf32>
    %gt3A_65 = arith.constant 0.000000e+00 : f32
    %gt3A_66 = vector.broadcast %gt3A_65 : f32 to vector<64x64xf32>
    %gt3A_67 = arith.cmpf ogt, %add3A_64, %gt3A_66 : vector<64x64xf32>
    %mul3A_68 = arith.constant 1.000000e-01 : f32
    %mul3A_69 = vector.broadcast %mul3A_68 : f32 to vector<64x64xf32>
    %mul3A_70 = arith.mulf %mul3A_69, %add3A_64 : vector<64x64xf32>
    %select_n3A_71 = arith.select %gt3A_67, %add3A_64, %mul3A_70 : vector<64x64xi1>, vector<64x64xf32>
    %get3A_72 = arith.constant 0 : index
    %get3A_73 = arith.constant 0 : index
    %get3A_74 = vector.load %arg9[%get3A_72, %get3A_73] : memref<64x64xf32, #tpu.memory_space<vmem>>, vector<64x64xf32>
    %dot_general3A_75 = arith.constant dense<0.000000e+00> : vector<64x64xf32>
    %dot_general3A_76 = tpu.matmul %select_n3A_71, %get3A_74, %dot_general3A_75 {dimension_numbers = #tpu.dot_dimension_numbers<[1], [0], [0], [1], [0, 0, 1, 1], [], []>, transpose_lhs_hint = false} : vector<64x64xf32>, vector<64x64xf32>, vector<64x64xf32> -> vector<64x64xf32>
    %get3A_77 = arith.constant 0 : index
    %get3A_78 = arith.constant 0 : index
    %get3A_79 = vector.load %arg10[%get3A_77, %get3A_78] : memref<1x64xf32, #tpu.memory_space<vmem>>, vector<1x64xf32>
    %add3A_80 = vector.broadcast %get3A_79 : vector<1x64xf32> to vector<64x64xf32>
    %add3A_81 = arith.addf %dot_general3A_76, %add3A_80 : vector<64x64xf32>
    %gt3A_82 = arith.constant 0.000000e+00 : f32
    %gt3A_83 = vector.broadcast %gt3A_82 : f32 to vector<64x64xf32>
    %gt3A_84 = arith.cmpf ogt, %add3A_81, %gt3A_83 : vector<64x64xf32>
    %mul3A_85 = arith.constant 1.000000e-01 : f32
    %mul3A_86 = vector.broadcast %mul3A_85 : f32 to vector<64x64xf32>
    %mul3A_87 = arith.mulf %mul3A_86, %add3A_81 : vector<64x64xf32>
    %select_n3A_88 = arith.select %gt3A_84, %add3A_81, %mul3A_87 : vector<64x64xi1>, vector<64x64xf32>
    %get3A_89 = arith.constant 0 : index
    %get3A_90 = arith.constant 0 : index
    %get3A_91 = vector.load %arg11[%get3A_89, %get3A_90] : memref<64x1xf32, #tpu.memory_space<vmem>>, vector<64x1xf32>
    %dot_general3A_92 = arith.constant dense<0.000000e+00> : vector<64x1xf32>
    %dot_general3A_93 = tpu.matmul %select_n3A_88, %get3A_91, %dot_general3A_92 {dimension_numbers = #tpu.dot_dimension_numbers<[1], [0], [0], [1], [0, 0, 1, 1], [], []>, transpose_lhs_hint = false} : vector<64x64xf32>, vector<64x1xf32>, vector<64x1xf32> -> vector<64x1xf32>
    %get3A_94 = arith.constant 0 : index
    %get3A_95 = arith.constant 0 : index
    %get3A_96 = vector.load %arg12[%get3A_94, %get3A_95] : memref<1x1xf32, #tpu.memory_space<vmem>>, vector<1x1xf32>
    %add3A_97 = vector.broadcast %get3A_96 : vector<1x1xf32> to vector<64x1xf32>
    %add3A_98 = arith.addf %dot_general3A_93, %add3A_97 : vector<64x1xf32>
    %max3A_99 = arith.constant 0.000000e+00 : f32
    %max3A_100 = vector.broadcast %max3A_99 : f32 to vector<64x1xf32>
    %max3A_101 = arith.maximumf %add3A_98, %max3A_100 : vector<64x1xf32>
    %swap3A = arith.constant 0 : index
    %swap3A_102 = arith.constant 0 : index
    %swap3A_103 = vector.load %arg13[%swap3A, %swap3A_102] : memref<64x1xf32, #tpu.memory_space<vmem>>, vector<64x1xf32>
    tpu.vector_store %arg13[%swap3A, %swap3A_102], %max3A_101 {strides = array<i32>} : memref<64x1xf32, #tpu.memory_space<vmem>>, vector<64x1xf32>,
    return
  }
}

</mosaic_0001>

<sc_bundles>
// kernel: kernel.11.cloned.1.call-start
scs
__scs_entry_jumppad:
0x0: {  	(pc) =	sbr.rel $0x88, $3  }
0x1: {  	(tag) =	ssettag $0x0;
	lr =	simm.s32 $0x1  }
0x2: {  	[smem:$0x3F92] =	sst lr;
	_ =	strace $0xD0000000  }
0x3: {  	_ = 	snop  }
0x4: {  	_ = 	snop  }
0x5: {  	_ = 	snop  }
0x6: {  	_ = 	snop  }
0x7: {  	_ = 	snop  }
__scs_overlays_trampoline_lowered:
0x8: {  	[smem:$0x3FA1] =	sst s0  }
0x9: {  	[smem:$0x3FA2] =	sst s1  }
0xa: {  	[smem:$0x3FA3] =	sst s2  }
0xb: {  	[smem:$0x3FA4] =	sst s3  }
0xc: {  	[smem:$0x3FA5] =	sst s4  }
0xd: {  	[smem:$0x3FA6] =	sst s5  }
0xe: {  	[smem:$0x3FA7] =	sst s6  }
0xf: {  	[smem:$0x3FA8] =	sst s7  }
0x10: {  	[smem:$0x3FA9] =	sst s8  }
0x11: {  	[smem:$0x3FAA] =	sst s9;
	s0 =	simm.s32 @!p0 $0x0  }
0x12: {  	s1 =	sld [smem:$0x3F90];
	s0 =	simm.s32 @p0 $0x1  }
0x13: {  	[smem:$0x3FAB] =	sst s0;
	s0 =	simm.s32 @!p1 $0x0  }
0x14: {  	s2 =	sld [smem:$0x3F8F];
	s0 =	simm.s32 @p1 $0x1  }
0x15: {  	[smem:$0x3FAC] =	sst s0;
	s0 =	simm.s32 @!p2 $0x0  }
0x16: {  	s3 =	sld [smem:$0x3FDB];
	s0 =	simm.s32 @p2 $0x1  }
0x17: {  	s4 =	simm.s32 $0x1BF5;
	[smem:$0x3FAE] =	sst s0  }
0x18: {  	s0 =	sld [smem:$0x3F91];
	_ =	swait.ge [sflag:s4], $0x0  }
0x19: {  	s7 =	sld [smem:$0x3F92]  }
0x1a: {  	s8 =	sadd.s32 $0xFFFFE003, lr  }
0x1b: {  	s9 =	sadd.s32 $0xFFFFFEF7, lr;
	s5 =	simm.s32 $0xFFFFFFFF;
	p2 =	slt.u32 s8, $0xFFFFF086  }
0x1c: {  	p1 =	slt.u32 s9, $0xF7A;
	s5 =	simm.s32 @!p2 $0x0  }
0x1d: {  	s5 =	simm.s32 @p1 $0x1;
	p0 =	seq.s32 s7, s2  }
0x1e: {  	s7 =	smul.u32 @!p0 $0xF7A, s2;
	p2 =	seq.s32 @!p0 s5, $0x0  }
0x1f: {  	s9 =	smul.u32 $0xF7A, s1;
	s8 =	simm.s32 @!p0 $0x1BF5;
	p2 =	por !p2, p0  }
0x20: {  	[sflag:s8] =	ssyncset.s32 @!p0 $0xFFFFF086;
	s6 =	sadd.s32 @!p0 s3, s7;
	s7 =	simm.s32 @!p0 $0x108  }
0x21: {  	s3 =	sadd.s32 s3, s9;
	s6 =	sadd.s32 @!p0 $0x88, s6;
	s7 =	simm.s32 @p2 $0x1082  }
0x22: {  	[simem:s7], [sflag:s8] =	dma.local @!p0 [hbm:s6], $0xF7A  }
0x23: {  	s9 =	sor.u32 $0xD0000000, s2;
	s6 =	simm.s32 $0x108;
	_ =	swait.ge @!p0 [sflag:s8], $0x0  }
0x24: {  	s3 =	sadd.s32 $0x88, s3;
	s6 =	simm.s32 @!p1 $0x1082;
	[sflag:s4] =	ssyncset.s32 $0xFFFFF086  }
0x25: {  	[simem:s6], [sflag:s4] =	dma.local [hbm:s3], $0xF7A  }
0x26: {  	[smem:$0x3F92] =	sst s1;
	(tag) =	ssettag s2;
	_ =	strace s9  }
0x27: {  	s1 =	sld [smem:$0x3FA2]  }
0x28: {  	s2 =	sld [smem:$0x3FA3]  }
0x29: {  	s4 =	sld [smem:$0x3FA5]  }
0x2a: {  	p0 =	seq.s32 s5, $0x0;
	s5 =	sld [smem:$0x3FA6]  }
0x2b: {  	s6 =	sld [smem:$0x3FA7]  }
0x2c: {  	s7 =	sld [smem:$0x3FA8]  }
0x2d: {  	s3 =	simm.s32 $0x108;
	s8 =	sld [smem:$0x3FA9]  }
0x2e: {  	s3 =	simm.s32 @!p0 $0x1082;
	s9 =	sld [smem:$0x3FAA]  }
0x2f: {  	lr =	sadd.s32 s0, s3;
	s0 =	sld [smem:$0x3FA1]  }
0x30: {  	s3 =	sld [smem:$0x3FA4]  }
0x31: {  	[smem:$0x3FAD] =	sst s10  }
0x32: {  	s10 =	sld [smem:$0x3FAB];
	_ =	sdelay $0x3  }
0x33: {  	p0 =	seq.s32 s10, $0x1;
	s10 =	sld [smem:$0x3FAD];
	_ =	sdelay $0x3  }
0x34: {  	[smem:$0x3FAD] =	sst s10  }
0x35: {  	s10 =	sld [smem:$0x3FAC];
	_ =	sdelay $0x3  }
0x36: {  	p1 =	seq.s32 s10, $0x1;
	s10 =	sld [smem:$0x3FAD];
	_ =	sdelay $0x3  }
0x37: {  	[smem:$0x3FAD] =	sst s10  }
0x38: {  	s10 =	sld [smem:$0x3FAE]  }
0x39: {  	_ = 	snop;
	(pc) =	sbr.ind lr, $3  }
0x3a: {  	_ = 	snop  }
0x3b: {  	_ = 	snop  }
0x3c: {  	p2 =	seq.s32 s10, $0x1;
	s10 =	sld [smem:$0x3FAD]  }
0x3d: {  	_ =	shalt  }
0x3e: {  	_ =	shalt  }
0x3f: {  	_ =	shalt  }
0x40: {  	_ =	shalt  }
0x41: {  	_ =	shalt  }
0x42: {  	_ =	shalt  }
0x43: {  	_ =	shalt  }
0x44: {  	_ =	shalt  }
0x45: {  	_ =	shalt  }
0x46: {  	_ =	shalt  }
0x47: {  	_ =	shalt  }
0x48: {  	_ =	shalt  }
0x49: {  	_ =	shalt  }
0x4a: {  	_ =	shalt  }
0x4b: {  	_ =	shalt  }
0x4c: {  	_ =	shalt  }
0x4d: {  	_ =	shalt  }
0x4e: {  	_ =	shalt  }
0x4f: {  	_ =	shalt  }
0x50: {  	_ =	shalt  }
0x51: {  	_ =	shalt  }
0x52: {  	_ =	shalt  }
0x53: {  	_ =	shalt  }
0x54: {  	_ =	shalt  }
0x55: {  	_ =	shalt  }
0x56: {  	_ =	shalt  }
0x57: {  	_ =	shalt  }
0x58: {  	_ =	shalt  }
0x59: {  	_ =	shalt  }
0x5a: {  	_ =	shalt  }
0x5b: {  	_ =	shalt  }
0x5c: {  	_ =	shalt  }
0x5d: {  	_ =	shalt  }
0x5e: {  	_ =	shalt  }
0x5f: {  	_ =	shalt  }
0x60: {  	_ =	shalt  }
0x61: {  	_ =	shalt  }
0x62: {  	_ =	shalt  }
0x63: {  	_ =	shalt  }
0x64: {  	_ =	shalt  }
0x65: {  	_ =	shalt  }
0x66: {  	_ =	shalt  }
0x67: {  	_ =	shalt  }
0x68: {  	_ =	shalt  }
0x69: {  	_ =	shalt  }
0x6a: {  	_ =	shalt  }
0x6b: {  	_ =	shalt  }
0x6c: {  	_ =	shalt  }
0x6d: {  	_ =	shalt  }
0x6e: {  	_ =	shalt  }
0x6f: {  	_ =	shalt  }
0x70: {  	_ =	shalt  }
0x71: {  	_ =	shalt  }
0x72: {  	_ =	shalt  }
0x73: {  	_ =	shalt  }
0x74: {  	_ =	shalt  }
0x75: {  	_ =	shalt  }
0x76: {  	_ =	shalt  }
0x77: {  	_ =	shalt  }
0x78: {  	_ =	shalt  }
0x79: {  	_ =	shalt  }
0x7a: {  	_ =	shalt  }
0x7b: {  	_ =	shalt  }
0x7c: {  	_ =	shalt  }
0x7d: {  	_ =	shalt  }
0x7e: {  	_ =	shalt  }
0x7f: {  	_ =	shalt  }
0x80: {  	_ =	shalt  }
0x81: {  	_ =	shalt  }
0x82: {  	_ =	shalt  }
0x83: {  	_ =	shalt  }
0x84: {  	_ =	shalt  }
0x85: {  	_ =	shalt  }
0x86: {  	_ =	shalt  }
0x87: {  	_ =	shalt  }
.Lfunc_end0:
.L_simem_size_0:
called_computation.1_lowered:
.L_overlay_start_0:
0x88: {  	s2 =	sld [smem:$0x3FD9]  }
0x89: {  	s3 =	sld [smem:$0x3FFE];
	_ =	sdelay $0x1  }
0x8a: {  	s1 =	srdreg.scid  }
0x8b: {  	s0 =	sand.u32 $0x1, s1  }
0x8c: {  	s16 =	sshll.u32 s0, $0xA;
	s2 =	sadd.s32 s3, s2  }
0x8d: {  	s2 =	sadd.s32 s2, s16  }
0x8e: {  	[smem:$0x3FB9] =	sst s2  }
0x8f: {  	_ = 	snop  }
0x90: {  	(tm) =	ssettm $0x1  }
0x91: {  	s17 =	sld [smem:$0x3FFB];
	_ =	sdelay $0x3  }
0x92: {  	_ =	strace s17  }
0x93: {  	s2 =	sld [smem:$0x3FFC];
	_ =	sdelay $0x3  }
0x94: {  	_ =	strace s2  }
0x95: {  	s2 =	sld [smem:$0x3FFD];
	_ =	sdelay $0x3  }
0x96: {  	_ =	strace s2  }
0x97: {  	_ =	strace $0x8FFFFFFF  }
0x98: {  	s18 =	sld [smem:$0x3FDB];
	_ =	sdelay $0x1  }
0x99: {  	s19 =	simm.s32 $_scs_section_size  }
0x9a: {  	s4 =	simm.s32 $_size__tile_overlayer_lowered;
	s5 =	simm.s32 $_tile_overlayer_lowered  }
0x9b: {  	s22 =	simm.s32 $0x1BFF;
	s21 =	sshll.u32 s5, $0x1;
	s2 =	sadd.s32 s19, s18  }
0x9c: {  	s6 =	simm.s32 $0x0;
	s20 =	sshll.u32 s4, $0x1;
	s4 =	sadd.s32 s21, s2  }
0x9d: {  	[timem:s6], [sflag:s22] =	dma.local [hbm:s4], s20  }
0x9e: {  	_ =	swait.ge [sflag:s22], s20  }
0x9f: {  	s3 =	ssub.s32 $0x0, s20;
	[sflag:s22] =	ssyncset.done $0x0  }
0xa0: {  	[sflag:s22] =	ssyncadd.s32 s3;
	_ =	sdelay $0x1  }
0xa1: {  	s23 =	simm.s32 $0x1B8B  }
0xa2: {  	_ =	swait.ge [sflag:s23], $0x1  }
0xa3: {  	[sflag:s23] =	ssyncset.done $0x0  }
0xa4: {  	s25 =	simm.s32 $0x1B8E;
	s24 =	sld [smem:$0x3FFE];
	[sflag:s23] =	ssyncadd.s32 $0xFFFFFFFF  }
0xa5: {  	s26 =	simm.s32 $execute0_lowered;
	[smem:$0x3FD2] =	sst s25  }
0xa6: {  	s4 =	sshll.u32 s26, $0x1;
	_ =	strace $0x80000049;
	[dreg:$0x1] =	wrdreg $0xFFFFFFFF  }
0xa7: {  	s28 =	simm.s32 $_size_execute0_lowered;
	s2 =	sadd.s32 s2, s4;
	[dreg:$0x0] =	wrdreg $0x0  }
0xa8: {  	s4 =	sshll.u32 s28, $0x1;
	[dreg:$0x2] =	wrdreg s2  }
0xa9: {  	[dreg:$0x3] =	wrdreg s4  }
0xaa: {  	[dreg:$0x4] =	wrdreg $0xC0  }
0xab: {  	_ =	task [dreg:s6], $0x5FFFF  }
0xac: {  	[dreg:$0x1] =	wrdreg $0xFFFFFFFF  }
0xad: {  	[dreg:$0x0] =	wrdreg $0x60  }
0xae: {  	[dreg:$0x2] =	wrdreg s24  }
0xaf: {  	[dreg:$0x3] =	wrdreg $0x116200  }
0xb0: {  	[dreg:$0x4] =	wrdreg $0x9  }
0xb1: {  	_ =	task.clear_ibuf [dreg:s6], $0x5FFFF;
	_ =	strace $0x90000049  }
0xb2: {  	s29 =	simm.s32 $0x9;
	_ =	strace $0x8000004B  }
0xb3: {  	_ =	swait.ge [sflag:s29], $0x1  }
0xb4: {  	[sflag:s29] =	ssyncadd.s32 $0xFFFFFFFF  }
0xb5: {  	_ =	strace $0x9000004B  }
0xb6: {  	_ =	sfence  }
0xb7: {  	s30 =	sld [smem:$0x0];
	_ =	sdelay $0x2  }
0xb8: {  	s31 =	sshll.u32 s1, $0xD;
	s1 =	sshrl.u32 s1, $0x2  }
0xb9: {  	s3 =	sand.u32 $0x4000, s31;
	s1 =	sadd.s32 s1, s30  }
0xba: {  	s0 =	sor.u32 s3, s0;
	s1 =	sshll.u32 s1, $0x11  }
0xbb: {  	s0 =	sor.u32 s1, s0  }
0xbc: {  	s0 =	sadd.s32 $0x8F2B, s0  }
0xbd: {  	[sflag:s0] =	ssyncadd.remote.s32 $0x1  }
0xbe: {  	_ =	sfence.sel $0xFFFF  }
0xbf: {  	[dreg:$0x0] =	wrdreg $0xFFFFFFFF;
	(pc) =	sbr.abs _section_cstart, $3  }
0xc0: {  	[dreg:$0x1] =	wrdreg $0xFFFFFFFF  }
0xc1: {  	_ =	task.clear_ibuf [dreg:s6], $0x2FFFF;
	_ =	strace $0x9FFFFFFF  }
0xc2: {  	(tm) =	ssettm $0x7FFFFFFF  }
0xc3: {  	_ =	shalt  }
tec
execute0_lowered:
.L_overlay_start_1:
0x0: {  	(tag) =	ssettag $0x1  }
0x1: {  	s0 =	rddreg [dreg:$0x0]  }
0x2: {  	s2 =	rddreg [dreg:$0x1];
	s1 =	srdreg.scid  }
0x3: {  	s9 =	stileid.u32;
	s3 =	simm.s32 $0x0;
	s12 =	simm.s32 $0x5  }
0x4: {  	s14 =	simm.s32 $0x50;
	s15 =	simm.s32 $0x4E20;
	s16 =	simm.s32 $0x6220  }
0x5: {  	s18 =	simm.s32 $0x7620;
	s20 =	simm.s32 $0x8A20;
	s22 =	simm.s32 $0x9E20  }
0x6: {  	s24 =	simm.s32 $0xB220;
	s29 =	simm.s32 $0xDA20;
	s31 =	simm.s32 $0xEE20  }
0x7: {  	s13 =	simm.s32 $0x1;
	s17 =	simm.s32 $0x3;
	s19 =	simm.s32 $0x2  }
0x8: {  	s21 =	simm.s32 $0x4;
	s23 =	simm.s32 $0x0;
	s1 =	sand.u32 $0x1, s1  }
0x9: {  	s5 =	smul.u32 $0xA000, s9;
	[smem:$0x7FF] =	sst s3;
	s30 =	sshll.u32 s9, $0x6  }
0xa: {  	s4 =	sshll.u32 s1, $0x4;
	s6 =	smul.u32 $0xA0000, s1;
	s1 =	ssub.s32 $0x2, s1  }
0xb: {  	_ =	strace $0x8000004A;
	s4 =	sor.u32 s9, s4;
	s26 =	sshrl.u32 s1, $0x1  }
0xc: {  	s28 =	sshrl.u32 s5, $0x3;
	s11 =	sadd.s32 s5, s2;
	s7 =	smul.u32 $0x4E2, s4  }
0xd: {  	s6 =	sadd.s32 s5, s6;
	s4 =	sadd.s32 $0x8F200, s0;
	s1 =	ssub.s32 s1, s26  }
0xe: {  	s11 =	sshrl.u32 s11, $0x3;
	s26 =	simm.s32 $0xC620;
	s6 =	sshrl.u32 s6, $0x3  }
0xf: {  	s5 =	sadd.s32 s4, s28;
	s10 =	smax.u32 s1, $0x1;
	s1 =	simm.s32 $0x10220  }
0x10: {  	s8 =	sadd.s32 s7, s0;
	s0 =	sadd.s32 s6, s0;
	s6 =	sor.u32 $0x1C05, s30  }
0x11: {  	s7 =	sadd.s32 $0x3600, s8;
	s8 =	sadd.s32 $0xD400, s8;
	s9 =	sadd.s32 $0xA3200, s0  }
.LBB2_1:
0x12: {  	[spmem:s11], [sflag:s6] =	dma.local [hbm:s5], $0x1400  }
0x13: {  	_ =	swait.ge [sflag:s12], $0x1400  }
0x14: {  	[sflag:s12] =	ssyncset.done $0x0  }
0x15: {  	[sflag:s12] =	ssyncadd.s32 $0xFFFFEC00  }
0x16: {  	[tilespmem:s3], [sflag:$0x5] =	stream.linear.gather [hbm4b:s7+s3], $0x2710, $0x38;
	[tilespmem:$0x1B620] =	vst v63  }
0x17: {  	_ =	swait.ge [sflag:s12], $0x2710  }
0x18: {  	[sflag:s12] =	ssyncset.done $0x0  }
0x19: {  	s0 =	simm.s32 $0x2710;
	[sflag:s12] =	ssyncadd.s32 $0xFFFFD8F0  }
0x1a: {  	[tilespmem:s0], [sflag:$0x5] =	stream.linear.gather [hbm4b:s8+s3], $0x2710, $0x38;
	[tilespmem:$0x1B620] =	vst v63  }
0x1b: {  	_ =	swait.ge [sflag:s12], $0x2710  }
0x1c: {  	[sflag:s12] =	ssyncset.done $0x0  }
0x1d: {  	[sflag:s12] =	ssyncadd.s32 $0xFFFFD8F0  }
0x1e: {  	[bflag:$0x0] =	sbarrier.arrive $0xFFFF  }
0x1f: {  	[tilespmem:s15], [sflag:$0x1] =	stream.indirect.gather [hbm4b:s4+s14], $0x40, s3, s14, $0xb8;
	[tilespmem:$0x1B620] =	vst v63  }
0x20: {  	_ = 	snop  }
0x21: {  	[tilespmem:s16], [sflag:$0x1] =	stream.indirect.gather [hbm4b:s4+s14], $0x40, s14, s14, $0xb8;
	[tilespmem:$0x1B620] =	vst v63  }
0x22: {  	s25 =	simm.s32 $0xA0  }
0x23: {  	[tilespmem:s18], [sflag:$0x1] =	stream.indirect.gather [hbm4b:s4+s14], $0x40, s25, s14, $0xb8;
	[tilespmem:$0x1B620] =	vst v63  }
0x24: {  	s30 =	simm.s32 $0xF0  }
0x25: {  	[tilespmem:s20], [sflag:$0x1] =	stream.indirect.gather [hbm4b:s4+s14], $0x40, s30, s14, $0xb8;
	[tilespmem:$0x1B620] =	vst v63  }
0x26: {  	s25 =	simm.s32 $0x140  }
0x27: {  	[tilespmem:s22], [sflag:$0x1] =	stream.indirect.gather [hbm4b:s4+s14], $0x40, s25, s14, $0xb8;
	[tilespmem:$0x1B620] =	vst v63  }
0x28: {  	s30 =	simm.s32 $0x190  }
0x29: {  	[tilespmem:s24], [sflag:$0x2] =	stream.indirect.gather [hbm4b:s4+s14], $0x40, s30, s14, $0xb8;
	[tilespmem:$0x1B620] =	vst v63  }
0x2a: {  	s25 =	simm.s32 $0x1E0  }
0x2b: {  	[tilespmem:s26], [sflag:$0x2] =	stream.indirect.gather [hbm4b:s4+s14], $0x40, s25, s14, $0xb8;
	[tilespmem:$0x1B620] =	vst v63  }
0x2c: {  	s30 =	simm.s32 $0x230  }
0x2d: {  	[tilespmem:s29], [sflag:$0x2] =	stream.indirect.gather [hbm4b:s4+s14], $0x40, s30, s14, $0xb8;
	[tilespmem:$0x1B620] =	vst v63  }
0x2e: {  	s25 =	simm.s32 $0x280  }
0x2f: {  	[tilespmem:s31], [sflag:$0x2] =	stream.indirect.gather [hbm4b:s4+s14], $0x40, s25, s14, $0xb8;
	[tilespmem:$0x1B620] =	vst v63  }
0x30: {  	s30 =	simm.s32 $0x2D0  }
0x31: {  	[tilespmem:s1], [sflag:$0x2] =	stream.indirect.gather [hbm4b:s4+s14], $0x40, s30, s14, $0xb8;
	[tilespmem:$0x1B620] =	vst v63  }
0x32: {  	_ =	swait.ge [sflag:s13], $0x1400  }
0x33: {  	[sflag:s13] =	ssyncset.done $0x0  }
0x34: {  	[sflag:s13] =	ssyncadd.s32 $0xFFFFEC00  }
0x35: {  	_ =	swait.ge [sflag:s13], $0x1400  }
0x36: {  	[sflag:s13] =	ssyncset.done $0x0  }
0x37: {  	[sflag:s13] =	ssyncadd.s32 $0xFFFFEC00  }
0x38: {  	_ =	swait.ge [sflag:s13], $0x1400  }
0x39: {  	[sflag:s13] =	ssyncset.done $0x0  }
0x3a: {  	[sflag:s13] =	ssyncadd.s32 $0xFFFFEC00  }
0x3b: {  	_ =	swait.ge [sflag:s13], $0x1400  }
0x3c: {  	[sflag:s13] =	ssyncset.done $0x0  }
0x3d: {  	[sflag:s13] =	ssyncadd.s32 $0xFFFFEC00  }
0x3e: {  	_ =	swait.ge [sflag:s13], $0x1400  }
0x3f: {  	[sflag:s13] =	ssyncset.done $0x0  }
0x40: {  	s25 =	simm.s32 $0x2710;
	[sflag:s13] =	ssyncadd.s32 $0xFFFFEC00  }
0x41: {  	[spmem:s2] =	stream.indirect.scatter.add.f32 [tilespmem:s15], [sflag:$0x3], $0x40, s25, s14, $0xb8;
	[tilespmem:$0x1B620] =	vst v63  }
0x42: {  	s0 =	simm.s32 $0x2760  }
0x43: {  	[spmem:s2] =	stream.indirect.scatter.add.f32 [tilespmem:s16], [sflag:$0x3], $0x40, s0, s14, $0xb8;
	[tilespmem:$0x1B620] =	vst v63  }
0x44: {  	s30 =	simm.s32 $0x27B0  }
0x45: {  	[spmem:s2] =	stream.indirect.scatter.add.f32 [tilespmem:s18], [sflag:$0x3], $0x40, s30, s14, $0xb8;
	[tilespmem:$0x1B620] =	vst v63  }
0x46: {  	s0 =	simm.s32 $0x2800  }
0x47: {  	[spmem:s2] =	stream.indirect.scatter.add.f32 [tilespmem:s20], [sflag:$0x3], $0x40, s0, s14, $0xb8;
	[tilespmem:$0x1B620] =	vst v63  }
0x48: {  	s30 =	simm.s32 $0x2850  }
0x49: {  	[spmem:s2] =	stream.indirect.scatter.add.f32 [tilespmem:s22], [sflag:$0x3], $0x40, s30, s14, $0xb8;
	[tilespmem:$0x1B620] =	vst v63  }
0x4a: {  	_ =	swait.ge [sflag:s17], $0x1400  }
0x4b: {  	[sflag:s17] =	ssyncset.done $0x0  }
0x4c: {  	[sflag:s17] =	ssyncadd.s32 $0xFFFFEC00  }
0x4d: {  	_ =	swait.ge [sflag:s17], $0x1400  }
0x4e: {  	[sflag:s17] =	ssyncset.done $0x0  }
0x4f: {  	[sflag:s17] =	ssyncadd.s32 $0xFFFFEC00  }
0x50: {  	_ =	swait.ge [sflag:s17], $0x1400  }
0x51: {  	[sflag:s17] =	ssyncset.done $0x0  }
0x52: {  	[sflag:s17] =	ssyncadd.s32 $0xFFFFEC00  }
0x53: {  	_ =	swait.ge [sflag:s17], $0x1400  }
0x54: {  	[sflag:s17] =	ssyncset.done $0x0  }
0x55: {  	[sflag:s17] =	ssyncadd.s32 $0xFFFFEC00  }
0x56: {  	_ =	swait.ge [sflag:s17], $0x1400  }
0x57: {  	[sflag:s17] =	ssyncset.done $0x0  }
0x58: {  	s0 =	simm.s32 $0x320;
	[sflag:s17] =	ssyncadd.s32 $0xFFFFEC00  }
0x59: {  	[tilespmem:s15], [sflag:$0x1] =	stream.indirect.gather [hbm4b:s4+s14], $0x40, s0, s14, $0xb8;
	[tilespmem:$0x1B620] =	vst v63  }
0x5a: {  	s30 =	simm.s32 $0x370  }
0x5b: {  	[tilespmem:s16], [sflag:$0x1] =	stream.indirect.gather [hbm4b:s4+s14], $0x40, s30, s14, $0xb8;
	[tilespmem:$0x1B620] =	vst v63  }
0x5c: {  	s0 =	simm.s32 $0x3C0  }
0x5d: {  	[tilespmem:s18], [sflag:$0x1] =	stream.indirect.gather [hbm4b:s4+s14], $0x40, s0, s14, $0xb8;
	[tilespmem:$0x1B620] =	vst v63  }
0x5e: {  	s30 =	simm.s32 $0x410  }
0x5f: {  	[tilespmem:s20], [sflag:$0x1] =	stream.indirect.gather [hbm4b:s4+s14], $0x40, s30, s14, $0xb8;
	[tilespmem:$0x1B620] =	vst v63  }
0x60: {  	s0 =	simm.s32 $0x460  }
0x61: {  	[tilespmem:s22], [sflag:$0x1] =	stream.indirect.gather [hbm4b:s4+s14], $0x40, s0, s14, $0xb8;
	[tilespmem:$0x1B620] =	vst v63  }
0x62: {  	_ =	swait.ge [sflag:s19], $0x1400  }
0x63: {  	[sflag:s19] =	ssyncset.done $0x0  }
0x64: {  	[sflag:s19] =	ssyncadd.s32 $0xFFFFEC00  }
0x65: {  	_ =	swait.ge [sflag:s19], $0x1400  }
0x66: {  	[sflag:s19] =	ssyncset.done $0x0  }
0x67: {  	[sflag:s19] =	ssyncadd.s32 $0xFFFFEC00  }
0x68: {  	_ =	swait.ge [sflag:s19], $0x1400  }
0x69: {  	[sflag:s19] =	ssyncset.done $0x0  }
0x6a: {  	[sflag:s19] =	ssyncadd.s32 $0xFFFFEC00  }
0x6b: {  	_ =	swait.ge [sflag:s19], $0x1400  }
0x6c: {  	[sflag:s19] =	ssyncset.done $0x0  }
0x6d: {  	[sflag:s19] =	ssyncadd.s32 $0xFFFFEC00  }
0x6e: {  	_ =	swait.ge [sflag:s19], $0x1400  }
0x6f: {  	[sflag:s19] =	ssyncset.done $0x0  }
0x70: {  	s30 =	simm.s32 $0x28A0;
	[sflag:s19] =	ssyncadd.s32 $0xFFFFEC00  }
0x71: {  	[spmem:s2] =	stream.indirect.scatter.add.f32 [tilespmem:s24], [sflag:$0x4], $0x40, s30, s14, $0xb8;
	[tilespmem:$0x1B620] =	vst v63  }
0x72: {  	s0 =	simm.s32 $0x28F0  }
0x73: {  	[spmem:s2] =	stream.indirect.scatter.add.f32 [tilespmem:s26], [sflag:$0x4], $0x40, s0, s14, $0xb8;
	[tilespmem:$0x1B620] =	vst v63  }
0x74: {  	s30 =	simm.s32 $0x2940  }
0x75: {  	[spmem:s2] =	stream.indirect.scatter.add.f32 [tilespmem:s29], [sflag:$0x4], $0x40, s30, s14, $0xb8;
	[tilespmem:$0x1B620] =	vst v63  }
0x76: {  	s0 =	simm.s32 $0x2990  }
0x77: {  	[spmem:s2] =	stream.indirect.scatter.add.f32 [tilespmem:s31], [sflag:$0x4], $0x40, s0, s14, $0xb8;
	[tilespmem:$0x1B620] =	vst v63  }
0x78: {  	s30 =	simm.s32 $0x29E0  }
0x79: {  	[spmem:s2] =	stream.indirect.scatter.add.f32 [tilespmem:s1], [sflag:$0x4], $0x40, s30, s14, $0xb8;
	[tilespmem:$0x1B620] =	vst v63  }
0x7a: {  	_ =	swait.ge [sflag:s21], $0x1400  }
0x7b: {  	[sflag:s21] =	ssyncset.done $0x0  }
0x7c: {  	[sflag:s21] =	ssyncadd.s32 $0xFFFFEC00  }
0x7d: {  	_ =	swait.ge [sflag:s21], $0x1400  }
0x7e: {  	[sflag:s21] =	ssyncset.done $0x0  }
0x7f: {  	[sflag:s21] =	ssyncadd.s32 $0xFFFFEC00  }
0x80: {  	_ =	swait.ge [sflag:s21], $0x1400  }
0x81: {  	[sflag:s21] =	ssyncset.done $0x0  }
0x82: {  	[sflag:s21] =	ssyncadd.s32 $0xFFFFEC00  }
0x83: {  	_ =	swait.ge [sflag:s21], $0x1400  }
0x84: {  	[sflag:s21] =	ssyncset.done $0x0  }
0x85: {  	[sflag:s21] =	ssyncadd.s32 $0xFFFFEC00  }
0x86: {  	p0 =	por $0x0, $0x0;
	s25 =	simm.s32 $0x12C0;
	_ =	swait.ge [sflag:s21], $0x1400  }
0x87: {  	s25 =	simm.s32 @p0 $0x0;
	[sflag:s21] =	ssyncset.done $0x0  }
0x88: {  	s28 =	sshra.s32 s25, $0x2;
	[sflag:s21] =	ssyncadd.s32 $0xFFFFEC00  }
0x89: {  	[tilespmem:s24], [sflag:$0x2] =	stream.indirect.gather [hbm4b:s4+s14], $0x40, s28, s14, $0xb8;
	[tilespmem:$0x1B620] =	vst v63  }
0x8a: {  	s25 =	sadd.s32 $0x50, s28  }
0x8b: {  	[tilespmem:s26], [sflag:$0x2] =	stream.indirect.gather [hbm4b:s4+s14], $0x40, s25, s14, $0xb8;
	[tilespmem:$0x1B620] =	vst v63  }
0x8c: {  	s0 =	sadd.s32 $0xA0, s28  }
0x8d: {  	[tilespmem:s29], [sflag:$0x2] =	stream.indirect.gather [hbm4b:s4+s14], $0x40, s0, s14, $0xb8;
	[tilespmem:$0x1B620] =	vst v63  }
0x8e: {  	s30 =	sadd.s32 $0xF0, s28;
	s28 =	sadd.s32 $0x140, s28;
	s25 =	simm.s32 $0x1F40  }
0x8f: {  	[tilespmem:s31], [sflag:$0x2] =	stream.indirect.gather [hbm4b:s4+s14], $0x40, s30, s14, $0xb8;
	[tilespmem:$0x1B620] =	vst v63  }
.LBB2_2:
0x90: {  	[tilespmem:s1], [sflag:$0x2] =	stream.indirect.gather [hbm4b:s4+s14], $0x40, s28, s14, $0xb8;
	[tilespmem:$0x1B620] =	vst v63  }
0x91: {  	s28 =	smov.u32 s25  }
0x92: {  	p0 =	sne.s32 s25, $0x9C40;
	s25 =	sadd.s32 $0xC80, s25;
	_ =	swait.ge [sflag:s13], $0x1400  }
0x93: {  	[sflag:s13] =	ssyncset.done $0x0  }
0x94: {  	[sflag:s13] =	ssyncadd.s32 $0xFFFFEC00  }
0x95: {  	_ =	swait.ge [sflag:s13], $0x1400  }
0x96: {  	[sflag:s13] =	ssyncset.done $0x0  }
0x97: {  	[sflag:s13] =	ssyncadd.s32 $0xFFFFEC00  }
0x98: {  	_ =	swait.ge [sflag:s13], $0x1400  }
0x99: {  	[sflag:s13] =	ssyncset.done $0x0  }
0x9a: {  	[sflag:s13] =	ssyncadd.s32 $0xFFFFEC00  }
0x9b: {  	_ =	swait.ge [sflag:s13], $0x1400  }
0x9c: {  	[sflag:s13] =	ssyncset.done $0x0  }
0x9d: {  	[sflag:s13] =	ssyncadd.s32 $0xFFFFEC00  }
0x9e: {  	_ =	swait.ge [sflag:s13], $0x1400  }
0x9f: {  	s30 =	sshra.s32 s28, $0x2;
	[sflag:s13] =	ssyncset.done $0x0  }
0xa0: {  	s0 =	sadd.s32 $0x2260, s30;
	[sflag:s13] =	ssyncadd.s32 $0xFFFFEC00  }
0xa1: {  	[spmem:s2] =	stream.indirect.scatter.add.f32 [tilespmem:s15], [sflag:$0x3], $0x40, s0, s14, $0xb8;
	[tilespmem:$0x1B620] =	vst v63  }
0xa2: {  	s0 =	sadd.s32 $0x22B0, s30  }
0xa3: {  	[spmem:s2] =	stream.indirect.scatter.add.f32 [tilespmem:s16], [sflag:$0x3], $0x40, s0, s14, $0xb8;
	[tilespmem:$0x1B620] =	vst v63  }
0xa4: {  	s0 =	sadd.s32 $0x2300, s30  }
0xa5: {  	[spmem:s2] =	stream.indirect.scatter.add.f32 [tilespmem:s18], [sflag:$0x3], $0x40, s0, s14, $0xb8;
	[tilespmem:$0x1B620] =	vst v63  }
0xa6: {  	s0 =	sadd.s32 $0x2350, s30  }
0xa7: {  	[spmem:s2] =	stream.indirect.scatter.add.f32 [tilespmem:s20], [sflag:$0x3], $0x40, s0, s14, $0xb8;
	[tilespmem:$0x1B620] =	vst v63  }
0xa8: {  	s0 =	sadd.s32 $0x23A0, s30  }
0xa9: {  	[spmem:s2] =	stream.indirect.scatter.add.f32 [tilespmem:s22], [sflag:$0x3], $0x40, s0, s14, $0xb8;
	[tilespmem:$0x1B620] =	vst v63  }
0xaa: {  	_ =	swait.ge [sflag:s17], $0x1400  }
0xab: {  	[sflag:s17] =	ssyncset.done $0x0  }
0xac: {  	[sflag:s17] =	ssyncadd.s32 $0xFFFFEC00  }
0xad: {  	_ =	swait.ge [sflag:s17], $0x1400  }
0xae: {  	[sflag:s17] =	ssyncset.done $0x0  }
0xaf: {  	[sflag:s17] =	ssyncadd.s32 $0xFFFFEC00  }
0xb0: {  	_ =	swait.ge [sflag:s17], $0x1400  }
0xb1: {  	[sflag:s17] =	ssyncset.done $0x0  }
0xb2: {  	[sflag:s17] =	ssyncadd.s32 $0xFFFFEC00  }
0xb3: {  	_ =	swait.ge [sflag:s17], $0x1400  }
0xb4: {  	[sflag:s17] =	ssyncset.done $0x0  }
0xb5: {  	[sflag:s17] =	ssyncadd.s32 $0xFFFFEC00  }
0xb6: {  	_ =	swait.ge [sflag:s17], $0x1400  }
0xb7: {  	[sflag:s17] =	ssyncset.done $0x0  }
0xb8: {  	s0 =	sadd.s32 $0xFFFFFE70, s30;
	[sflag:s17] =	ssyncadd.s32 $0xFFFFEC00  }
0xb9: {  	[tilespmem:s15], [sflag:$0x1] =	stream.indirect.gather [hbm4b:s4+s14], $0x40, s0, s14, $0xb8;
	[tilespmem:$0x1B620] =	vst v63  }
0xba: {  	s0 =	sadd.s32 $0xFFFFFEC0, s30  }
0xbb: {  	[tilespmem:s16], [sflag:$0x1] =	stream.indirect.gather [hbm4b:s4+s14], $0x40, s0, s14, $0xb8;
	[tilespmem:$0x1B620] =	vst v63  }
0xbc: {  	s0 =	sadd.s32 $0xFFFFFF10, s30  }
0xbd: {  	[tilespmem:s18], [sflag:$0x1] =	stream.indirect.gather [hbm4b:s4+s14], $0x40, s0, s14, $0xb8;
	[tilespmem:$0x1B620] =	vst v63  }
0xbe: {  	s0 =	sadd.s32 $0xFFFFFF60, s30  }
0xbf: {  	[tilespmem:s20], [sflag:$0x1] =	stream.indirect.gather [hbm4b:s4+s14], $0x40, s0, s14, $0xb8;
	[tilespmem:$0x1B620] =	vst v63  }
0xc0: {  	s0 =	sadd.s32 $0xFFFFFFB0, s30  }
0xc1: {  	[tilespmem:s22], [sflag:$0x1] =	stream.indirect.gather [hbm4b:s4+s14], $0x40, s0, s14, $0xb8;
	[tilespmem:$0x1B620] =	vst v63  }
0xc2: {  	_ =	swait.ge [sflag:s19], $0x1400  }
0xc3: {  	[sflag:s19] =	ssyncset.done $0x0  }
0xc4: {  	[sflag:s19] =	ssyncadd.s32 $0xFFFFEC00  }
0xc5: {  	_ =	swait.ge [sflag:s19], $0x1400  }
0xc6: {  	[sflag:s19] =	ssyncset.done $0x0  }
0xc7: {  	[sflag:s19] =	ssyncadd.s32 $0xFFFFEC00  }
0xc8: {  	_ =	swait.ge [sflag:s19], $0x1400  }
0xc9: {  	[sflag:s19] =	ssyncset.done $0x0  }
0xca: {  	[sflag:s19] =	ssyncadd.s32 $0xFFFFEC00  }
0xcb: {  	_ =	swait.ge [sflag:s19], $0x1400  }
0xcc: {  	[sflag:s19] =	ssyncset.done $0x0  }
0xcd: {  	[sflag:s19] =	ssyncadd.s32 $0xFFFFEC00  }
0xce: {  	_ =	swait.ge [sflag:s19], $0x1400  }
0xcf: {  	[sflag:s19] =	ssyncset.done $0x0  }
0xd0: {  	s0 =	sadd.s32 $0x23F0, s30;
	[sflag:s19] =	ssyncadd.s32 $0xFFFFEC00  }
0xd1: {  	[spmem:s2] =	stream.indirect.scatter.add.f32 [tilespmem:s24], [sflag:$0x4], $0x40, s0, s14, $0xb8;
	[tilespmem:$0x1B620] =	vst v63  }
0xd2: {  	s0 =	sadd.s32 $0x2440, s30  }
0xd3: {  	[spmem:s2] =	stream.indirect.scatter.add.f32 [tilespmem:s26], [sflag:$0x4], $0x40, s0, s14, $0xb8;
	[tilespmem:$0x1B620] =	vst v63  }
0xd4: {  	s0 =	sadd.s32 $0x2490, s30  }
0xd5: {  	[spmem:s2] =	stream.indirect.scatter.add.f32 [tilespmem:s29], [sflag:$0x4], $0x40, s0, s14, $0xb8;
	[tilespmem:$0x1B620] =	vst v63  }
0xd6: {  	s0 =	sadd.s32 $0x24E0, s30  }
0xd7: {  	[spmem:s2] =	stream.indirect.scatter.add.f32 [tilespmem:s31], [sflag:$0x4], $0x40, s0, s14, $0xb8;
	[tilespmem:$0x1B620] =	vst v63  }
0xd8: {  	s0 =	sadd.s32 $0x2530, s30  }
0xd9: {  	[spmem:s2] =	stream.indirect.scatter.add.f32 [tilespmem:s1], [sflag:$0x4], $0x40, s0, s14, $0xb8;
	[tilespmem:$0x1B620] =	vst v63  }
0xda: {  	_ =	swait.ge [sflag:s21], $0x1400  }
0xdb: {  	[sflag:s21] =	ssyncset.done $0x0  }
0xdc: {  	[sflag:s21] =	ssyncadd.s32 $0xFFFFEC00  }
0xdd: {  	_ =	swait.ge [sflag:s21], $0x1400  }
0xde: {  	[sflag:s21] =	ssyncset.done $0x0  }
0xdf: {  	[sflag:s21] =	ssyncadd.s32 $0xFFFFEC00  }
0xe0: {  	_ =	swait.ge [sflag:s21], $0x1400  }
0xe1: {  	[sflag:s21] =	ssyncset.done $0x0  }
0xe2: {  	[sflag:s21] =	ssyncadd.s32 $0xFFFFEC00  }
0xe3: {  	_ =	swait.ge [sflag:s21], $0x1400  }
0xe4: {  	[sflag:s21] =	ssyncset.done $0x0  }
0xe5: {  	[sflag:s21] =	ssyncadd.s32 $0xFFFFEC00  }
0xe6: {  	p1 =	seq.s32 s28, $0x9C40;
	_ =	swait.ge [sflag:s21], $0x1400  }
0xe7: {  	s28 =	simm.s32 @p1 $0x0;
	[sflag:s21] =	ssyncset.done $0x0  }
0xe8: {  	s0 =	sshra.s32 s28, $0x2;
	[sflag:s21] =	ssyncadd.s32 $0xFFFFEC00  }
0xe9: {  	[tilespmem:s24], [sflag:$0x2] =	stream.indirect.gather [hbm4b:s4+s14], $0x40, s0, s14, $0xb8;
	[tilespmem:$0x1B620] =	vst v63  }
0xea: {  	s28 =	sadd.s32 $0x50, s0  }
0xeb: {  	[tilespmem:s26], [sflag:$0x2] =	stream.indirect.gather [hbm4b:s4+s14], $0x40, s28, s14, $0xb8;
	[tilespmem:$0x1B620] =	vst v63  }
.Ltmp0:
0xec: {  	s28 =	sadd.s32 $0xA0, s0;
	(pc) =	sbr.rel @p0 .LBB2_2-.Ltmp0, $4  }
0xed: {  	[tilespmem:s29], [sflag:$0x2] =	stream.indirect.gather [hbm4b:s4+s14], $0x40, s28, s14, $0xb8;
	[tilespmem:$0x1B620] =	vst v63  }
0xee: {  	s28 =	sadd.s32 $0xF0, s0  }
0xef: {  	[tilespmem:s31], [sflag:$0x2] =	stream.indirect.gather [hbm4b:s4+s14], $0x40, s28, s14, $0xb8;
	[tilespmem:$0x1B620] =	vst v63  }
0xf0: {  	s28 =	sadd.s32 $0x140, s0  }
0xf1: {  	[tilespmem:s1], [sflag:$0x2] =	stream.indirect.gather [hbm4b:s4+s14], $0x40, s28, s14, $0xb8;
	[tilespmem:$0x1B620] =	vst v63  }
0xf2: {  	_ =	swait.ge [sflag:s13], $0x1400  }
0xf3: {  	[sflag:s13] =	ssyncset.done $0x0  }
0xf4: {  	[sflag:s13] =	ssyncadd.s32 $0xFFFFEC00  }
0xf5: {  	_ =	swait.ge [sflag:s13], $0x1400  }
0xf6: {  	[sflag:s13] =	ssyncset.done $0x0  }
0xf7: {  	[sflag:s13] =	ssyncadd.s32 $0xFFFFEC00  }
0xf8: {  	_ =	swait.ge [sflag:s13], $0x1400  }
0xf9: {  	[sflag:s13] =	ssyncset.done $0x0  }
0xfa: {  	[sflag:s13] =	ssyncadd.s32 $0xFFFFEC00  }
0xfb: {  	_ =	swait.ge [sflag:s13], $0x1400  }
0xfc: {  	[sflag:s13] =	ssyncset.done $0x0  }
0xfd: {  	[sflag:s13] =	ssyncadd.s32 $0xFFFFEC00  }
0xfe: {  	_ =	swait.ge [sflag:s13], $0x1400  }
0xff: {  	[sflag:s13] =	ssyncset.done $0x0  }
0x100: {  	s0 =	simm.s32 $0x4C90;
	[sflag:s13] =	ssyncadd.s32 $0xFFFFEC00  }
0x101: {  	[spmem:s2] =	stream.indirect.scatter.add.f32 [tilespmem:s15], [sflag:$0x3], $0x40, s0, s14, $0xb8;
	[tilespmem:$0x1B620] =	vst v63  }
0x102: {  	s30 =	simm.s32 $0x4CE0  }
0x103: {  	[spmem:s2] =	stream.indirect.scatter.add.f32 [tilespmem:s16], [sflag:$0x3], $0x40, s30, s14, $0xb8;
	[tilespmem:$0x1B620] =	vst v63  }
0x104: {  	s25 =	simm.s32 $0x4D30  }
0x105: {  	[spmem:s2] =	stream.indirect.scatter.add.f32 [tilespmem:s18], [sflag:$0x3], $0x40, s25, s14, $0xb8;
	[tilespmem:$0x1B620] =	vst v63  }
0x106: {  	s28 =	simm.s32 $0x4D80  }
0x107: {  	[spmem:s2] =	stream.indirect.scatter.add.f32 [tilespmem:s20], [sflag:$0x3], $0x40, s28, s14, $0xb8;
	[tilespmem:$0x1B620] =	vst v63  }
0x108: {  	s30 =	simm.s32 $0x4DD0  }
0x109: {  	[spmem:s2] =	stream.indirect.scatter.add.f32 [tilespmem:s22], [sflag:$0x3], $0x40, s30, s14, $0xb8;
	[tilespmem:$0x1B620] =	vst v63  }
0x10a: {  	_ =	swait.ge [sflag:s17], $0x1400  }
0x10b: {  	[sflag:s17] =	ssyncset.done $0x0  }
0x10c: {  	[sflag:s17] =	ssyncadd.s32 $0xFFFFEC00  }
0x10d: {  	_ =	swait.ge [sflag:s17], $0x1400  }
0x10e: {  	[sflag:s17] =	ssyncset.done $0x0  }
0x10f: {  	[sflag:s17] =	ssyncadd.s32 $0xFFFFEC00  }
0x110: {  	_ =	swait.ge [sflag:s17], $0x1400  }
0x111: {  	[sflag:s17] =	ssyncset.done $0x0  }
0x112: {  	[sflag:s17] =	ssyncadd.s32 $0xFFFFEC00  }
0x113: {  	_ =	swait.ge [sflag:s17], $0x1400  }
0x114: {  	[sflag:s17] =	ssyncset.done $0x0  }
0x115: {  	[sflag:s17] =	ssyncadd.s32 $0xFFFFEC00  }
0x116: {  	_ =	swait.ge [sflag:s17], $0x1400  }
0x117: {  	[sflag:s17] =	ssyncset.done $0x0  }
0x118: {  	[sflag:s17] =	ssyncadd.s32 $0xFFFFEC00  }
0x119: {  	_ =	swait.ge [sflag:s19], $0x1400  }
0x11a: {  	[sflag:s19] =	ssyncset.done $0x0  }
0x11b: {  	[sflag:s19] =	ssyncadd.s32 $0xFFFFEC00  }
0x11c: {  	_ =	swait.ge [sflag:s19], $0x1400  }
0x11d: {  	[sflag:s19] =	ssyncset.done $0x0  }
0x11e: {  	[sflag:s19] =	ssyncadd.s32 $0xFFFFEC00  }
0x11f: {  	_ =	swait.ge [sflag:s19], $0x1400  }
0x120: {  	[sflag:s19] =	ssyncset.done $0x0  }
0x121: {  	[sflag:s19] =	ssyncadd.s32 $0xFFFFEC00  }
0x122: {  	_ =	swait.ge [sflag:s19], $0x1400  }
0x123: {  	[sflag:s19] =	ssyncset.done $0x0  }
0x124: {  	[sflag:s19] =	ssyncadd.s32 $0xFFFFEC00  }
0x125: {  	_ =	swait.ge [sflag:s19], $0x1400  }
0x126: {  	s23 =	sadd.s32 $0x1, s23;
	[sflag:s19] =	ssyncset.done $0x0  }
0x127: {  	p0 =	sne.s32 s23, s10;
	[sflag:s19] =	ssyncadd.s32 $0xFFFFEC00  }
.Ltmp1:
0x128: {  	[bflag:$0x0] =	sbarrier.arrive $0xFFFF;
	(pc) =	sbr.rel @p0 .LBB2_1-.Ltmp1, $4  }
0x129: {  	[hbm:s9], [sflag:s6] =	dma.local [spmem:s11], $0x1400  }
0x12a: {  	_ =	swait.ge [sflag:s12], $0x1400  }
0x12b: {  	[sflag:s12] =	ssyncset.done $0x0  }
0x12c: {  	[sflag:s12] =	ssyncadd.s32 $0xFFFFEC00  }
0x12d: {  	_ =	sfence.sel $0x180000  }
0x12e: {  	[bflag:$0x0] =	sbarrier.arrive $0xFFFF  }
0x12f: {  	_ =	strace $0x9000004A  }
0x130: {  	s0 =	stileid.u32;
	[bflag:$0x2] =	sbarrier.arrive $0xFFFF  }
0x131: {  	p0 =	sne.s32 s0, $0x0;
	s0 =	rddreg [dreg:$0x2]  }
0x132: {  	s0 =	sadd.s32 @!p0 $0x100000, s0  }
0x133: {  	[sflag:s0] =	ssyncadd.tile.s32 @!p0 $0x1;
	_ =	shalt  }
.Lfunc_end2:
_tile_overlayer_lowered:
.L_overlay_start_2:
0x134: {  	(tag) =	ssettag $0x2  }
0x135: {  	s0 =	rddreg [dreg:$0x0];
	s2 =	stileid.u32  }
0x136: {  	s1 =	rddreg [dreg:$0x1];
	p0 =	sne.s32 s2, $0x0  }
0x137: {  	s3 =	rddreg [dreg:$0x2];
	[bflag:$0x3] =	sbarrier.arrive $0xFFFF;
	s2 =	simm.s32 @!p0 $0x1C05  }
0x138: {  	[timem:s3], [sflag:s2] =	dma.local @!p0 [hbm:s0], s1  }
0x139: {  	s0 =	simm.s32 @!p0 $0x5  }
0x13a: {  	_ =	swait.ge @!p0 [sflag:s0], s1  }
0x13b: {  	s1 =	ssub.s32 @!p0 $0x0, s1;
	[sflag:s0] =	ssyncset.done @!p0 $0x0  }
0x13c: {  	[sflag:s0] =	ssyncadd.s32 @!p0 s1  }
0x13d: {  	[bflag:$0x3] =	sbarrier.arrive $0xFFFF  }
0x13e: {  	_ =	shalt  }

// kernel: kernel.14.cloned.1.call-start
scs
__scs_entry_jumppad:
0x0: {  	(pc) =	sbr.rel $0x88, $3  }
0x1: {  	(tag) =	ssettag $0x0;
	lr =	simm.s32 $0x1  }
0x2: {  	[smem:$0x3F92] =	sst lr;
	_ =	strace $0xD0000000  }
0x3: {  	_ = 	snop  }
0x4: {  	_ = 	snop  }
0x5: {  	_ = 	snop  }
0x6: {  	_ = 	snop  }
0x7: {  	_ = 	snop  }
__scs_overlays_trampoline_lowered:
0x8: {  	[smem:$0x3FA1] =	sst s0  }
0x9: {  	[smem:$0x3FA2] =	sst s1  }
0xa: {  	[smem:$0x3FA3] =	sst s2  }
0xb: {  	[smem:$0x3FA4] =	sst s3  }
0xc: {  	[smem:$0x3FA5] =	sst s4  }
0xd: {  	[smem:$0x3FA6] =	sst s5  }
0xe: {  	[smem:$0x3FA7] =	sst s6  }
0xf: {  	[smem:$0x3FA8] =	sst s7  }
0x10: {  	[smem:$0x3FA9] =	sst s8  }
0x11: {  	[smem:$0x3FAA] =	sst s9;
	s0 =	simm.s32 @!p0 $0x0  }
0x12: {  	s1 =	sld [smem:$0x3F90];
	s0 =	simm.s32 @p0 $0x1  }
0x13: {  	[smem:$0x3FAB] =	sst s0;
	s0 =	simm.s32 @!p1 $0x0  }
0x14: {  	s2 =	sld [smem:$0x3F8F];
	s0 =	simm.s32 @p1 $0x1  }
0x15: {  	[smem:$0x3FAC] =	sst s0;
	s0 =	simm.s32 @!p2 $0x0  }
0x16: {  	s3 =	sld [smem:$0x3FDB];
	s0 =	simm.s32 @p2 $0x1  }
0x17: {  	s4 =	simm.s32 $0x1BF5;
	[smem:$0x3FAE] =	sst s0  }
0x18: {  	s0 =	sld [smem:$0x3F91];
	_ =	swait.ge [sflag:s4], $0x0  }
0x19: {  	s7 =	sld [smem:$0x3F92]  }
0x1a: {  	s8 =	sadd.s32 $0xFFFFE003, lr  }
0x1b: {  	s9 =	sadd.s32 $0xFFFFFEF7, lr;
	s5 =	simm.s32 $0xFFFFFFFF;
	p2 =	slt.u32 s8, $0xFFFFF086  }
0x1c: {  	p1 =	slt.u32 s9, $0xF7A;
	s5 =	simm.s32 @!p2 $0x0  }
0x1d: {  	s5 =	simm.s32 @p1 $0x1;
	p0 =	seq.s32 s7, s2  }
0x1e: {  	s7 =	smul.u32 @!p0 $0xF7A, s2;
	p2 =	seq.s32 @!p0 s5, $0x0  }
0x1f: {  	s9 =	smul.u32 $0xF7A, s1;
	s8 =	simm.s32 @!p0 $0x1BF5;
	p2 =	por !p2, p0  }
0x20: {  	[sflag:s8] =	ssyncset.s32 @!p0 $0xFFFFF086;
	s6 =	sadd.s32 @!p0 s3, s7;
	s7 =	simm.s32 @!p0 $0x108  }
0x21: {  	s3 =	sadd.s32 s3, s9;
	s6 =	sadd.s32 @!p0 $0x88, s6;
	s7 =	simm.s32 @p2 $0x1082  }
0x22: {  	[simem:s7], [sflag:s8] =	dma.local @!p0 [hbm:s6], $0xF7A  }
0x23: {  	s9 =	sor.u32 $0xD0000000, s2;
	s6 =	simm.s32 $0x108;
	_ =	swait.ge @!p0 [sflag:s8], $0x0  }
0x24: {  	s3 =	sadd.s32 $0x88, s3;
	s6 =	simm.s32 @!p1 $0x1082;
	[sflag:s4] =	ssyncset.s32 $0xFFFFF086  }
0x25: {  	[simem:s6], [sflag:s4] =	dma.local [hbm:s3], $0xF7A  }
0x26: {  	[smem:$0x3F92] =	sst s1;
	(tag) =	ssettag s2;
	_ =	strace s9  }
0x27: {  	s1 =	sld [smem:$0x3FA2]  }
0x28: {  	s2 =	sld [smem:$0x3FA3]  }
0x29: {  	s4 =	sld [smem:$0x3FA5]  }
0x2a: {  	p0 =	seq.s32 s5, $0x0;
	s5 =	sld [smem:$0x3FA6]  }
0x2b: {  	s6 =	sld [smem:$0x3FA7]  }
0x2c: {  	s7 =	sld [smem:$0x3FA8]  }
0x2d: {  	s3 =	simm.s32 $0x108;
	s8 =	sld [smem:$0x3FA9]  }
0x2e: {  	s3 =	simm.s32 @!p0 $0x1082;
	s9 =	sld [smem:$0x3FAA]  }
0x2f: {  	lr =	sadd.s32 s0, s3;
	s0 =	sld [smem:$0x3FA1]  }
0x30: {  	s3 =	sld [smem:$0x3FA4]  }
0x31: {  	[smem:$0x3FAD] =	sst s10  }
0x32: {  	s10 =	sld [smem:$0x3FAB];
	_ =	sdelay $0x3  }
0x33: {  	p0 =	seq.s32 s10, $0x1;
	s10 =	sld [smem:$0x3FAD];
	_ =	sdelay $0x3  }
0x34: {  	[smem:$0x3FAD] =	sst s10  }
0x35: {  	s10 =	sld [smem:$0x3FAC];
	_ =	sdelay $0x3  }
0x36: {  	p1 =	seq.s32 s10, $0x1;
	s10 =	sld [smem:$0x3FAD];
	_ =	sdelay $0x3  }
0x37: {  	[smem:$0x3FAD] =	sst s10  }
0x38: {  	s10 =	sld [smem:$0x3FAE]  }
0x39: {  	_ = 	snop;
	(pc) =	sbr.ind lr, $3  }
0x3a: {  	_ = 	snop  }
0x3b: {  	_ = 	snop  }
0x3c: {  	p2 =	seq.s32 s10, $0x1;
	s10 =	sld [smem:$0x3FAD]  }
0x3d: {  	_ =	shalt  }
0x3e: {  	_ =	shalt  }
0x3f: {  	_ =	shalt  }
0x40: {  	_ =	shalt  }
0x41: {  	_ =	shalt  }
0x42: {  	_ =	shalt  }
0x43: {  	_ =	shalt  }
0x44: {  	_ =	shalt  }
0x45: {  	_ =	shalt  }
0x46: {  	_ =	shalt  }
0x47: {  	_ =	shalt  }
0x48: {  	_ =	shalt  }
0x49: {  	_ =	shalt  }
0x4a: {  	_ =	shalt  }
0x4b: {  	_ =	shalt  }
0x4c: {  	_ =	shalt  }
0x4d: {  	_ =	shalt  }
0x4e: {  	_ =	shalt  }
0x4f: {  	_ =	shalt  }
0x50: {  	_ =	shalt  }
0x51: {  	_ =	shalt  }
0x52: {  	_ =	shalt  }
0x53: {  	_ =	shalt  }
0x54: {  	_ =	shalt  }
0x55: {  	_ =	shalt  }
0x56: {  	_ =	shalt  }
0x57: {  	_ =	shalt  }
0x58: {  	_ =	shalt  }
0x59: {  	_ =	shalt  }
0x5a: {  	_ =	shalt  }
0x5b: {  	_ =	shalt  }
0x5c: {  	_ =	shalt  }
0x5d: {  	_ =	shalt  }
0x5e: {  	_ =	shalt  }
0x5f: {  	_ =	shalt  }
0x60: {  	_ =	shalt  }
0x61: {  	_ =	shalt  }
0x62: {  	_ =	shalt  }
0x63: {  	_ =	shalt  }
0x64: {  	_ =	shalt  }
0x65: {  	_ =	shalt  }
0x66: {  	_ =	shalt  }
0x67: {  	_ =	shalt  }
0x68: {  	_ =	shalt  }
0x69: {  	_ =	shalt  }
0x6a: {  	_ =	shalt  }
0x6b: {  	_ =	shalt  }
0x6c: {  	_ =	shalt  }
0x6d: {  	_ =	shalt  }
0x6e: {  	_ =	shalt  }
0x6f: {  	_ =	shalt  }
0x70: {  	_ =	shalt  }
0x71: {  	_ =	shalt  }
0x72: {  	_ =	shalt  }
0x73: {  	_ =	shalt  }
0x74: {  	_ =	shalt  }
0x75: {  	_ =	shalt  }
0x76: {  	_ =	shalt  }
0x77: {  	_ =	shalt  }
0x78: {  	_ =	shalt  }
0x79: {  	_ =	shalt  }
0x7a: {  	_ =	shalt  }
0x7b: {  	_ =	shalt  }
0x7c: {  	_ =	shalt  }
0x7d: {  	_ =	shalt  }
0x7e: {  	_ =	shalt  }
0x7f: {  	_ =	shalt  }
0x80: {  	_ =	shalt  }
0x81: {  	_ =	shalt  }
0x82: {  	_ =	shalt  }
0x83: {  	_ =	shalt  }
0x84: {  	_ =	shalt  }
0x85: {  	_ =	shalt  }
0x86: {  	_ =	shalt  }
0x87: {  	_ =	shalt  }
.Lfunc_end0:
.L_simem_size_0:
called_computation.2_lowered:
.L_overlay_start_0:
0x88: {  	s2 =	sld [smem:$0x3FD9]  }
0x89: {  	s3 =	sld [smem:$0x3FFE];
	_ =	sdelay $0x1  }
0x8a: {  	s1 =	srdreg.scid  }
0x8b: {  	s0 =	sand.u32 $0x1, s1  }
0x8c: {  	s16 =	sshll.u32 s0, $0xA;
	s2 =	sadd.s32 s3, s2  }
0x8d: {  	s2 =	sadd.s32 s2, s16  }
0x8e: {  	[smem:$0x3FB9] =	sst s2  }
0x8f: {  	_ = 	snop  }
0x90: {  	(tm) =	ssettm $0x1  }
0x91: {  	s17 =	sld [smem:$0x3FFB];
	_ =	sdelay $0x3  }
0x92: {  	_ =	strace s17  }
0x93: {  	s2 =	sld [smem:$0x3FFC];
	_ =	sdelay $0x3  }
0x94: {  	_ =	strace s2  }
0x95: {  	s2 =	sld [smem:$0x3FFD];
	_ =	sdelay $0x3  }
0x96: {  	_ =	strace s2  }
0x97: {  	_ =	strace $0x8FFFFFFF  }
0x98: {  	s18 =	sld [smem:$0x3FDB];
	_ =	sdelay $0x1  }
0x99: {  	s19 =	simm.s32 $_scs_section_size  }
0x9a: {  	s4 =	simm.s32 $_size__tile_overlayer_lowered;
	s5 =	simm.s32 $_tile_overlayer_lowered  }
0x9b: {  	s22 =	simm.s32 $0x1BFF;
	s21 =	sshll.u32 s5, $0x1;
	s2 =	sadd.s32 s19, s18  }
0x9c: {  	s6 =	simm.s32 $0x0;
	s20 =	sshll.u32 s4, $0x1;
	s4 =	sadd.s32 s21, s2  }
0x9d: {  	[timem:s6], [sflag:s22] =	dma.local [hbm:s4], s20  }
0x9e: {  	_ =	swait.ge [sflag:s22], s20  }
0x9f: {  	s3 =	ssub.s32 $0x0, s20;
	[sflag:s22] =	ssyncset.done $0x0  }
0xa0: {  	[sflag:s22] =	ssyncadd.s32 s3;
	_ =	sdelay $0x1  }
0xa1: {  	s23 =	simm.s32 $0x1B8B  }
0xa2: {  	_ =	swait.ge [sflag:s23], $0x1  }
0xa3: {  	[sflag:s23] =	ssyncset.done $0x0  }
0xa4: {  	s25 =	simm.s32 $0x1B8E;
	s24 =	sld [smem:$0x3FFE];
	[sflag:s23] =	ssyncadd.s32 $0xFFFFFFFF  }
0xa5: {  	s26 =	simm.s32 $execute0_lowered;
	[smem:$0x3FD2] =	sst s25  }
0xa6: {  	s4 =	sshll.u32 s26, $0x1;
	_ =	strace $0x8000004C;
	[dreg:$0x1] =	wrdreg $0xFFFFFFFF  }
0xa7: {  	s28 =	simm.s32 $_size_execute0_lowered;
	s2 =	sadd.s32 s2, s4;
	[dreg:$0x0] =	wrdreg $0x0  }
0xa8: {  	s4 =	sshll.u32 s28, $0x1;
	[dreg:$0x2] =	wrdreg s2  }
0xa9: {  	[dreg:$0x3] =	wrdreg s4  }
0xaa: {  	[dreg:$0x4] =	wrdreg $0xC0  }
0xab: {  	_ =	task [dreg:s6], $0x5FFFF  }
0xac: {  	[dreg:$0x1] =	wrdreg $0xFFFFFFFF  }
0xad: {  	[dreg:$0x0] =	wrdreg $0x60  }
0xae: {  	[dreg:$0x2] =	wrdreg s24  }
0xaf: {  	[dreg:$0x3] =	wrdreg $0x9E200  }
0xb0: {  	[dreg:$0x4] =	wrdreg $0x9  }
0xb1: {  	_ =	task.clear_ibuf [dreg:s6], $0x5FFFF;
	_ =	strace $0x9000004C  }
0xb2: {  	s29 =	simm.s32 $0x9;
	_ =	strace $0x8000004E  }
0xb3: {  	_ =	swait.ge [sflag:s29], $0x1  }
0xb4: {  	[sflag:s29] =	ssyncadd.s32 $0xFFFFFFFF  }
0xb5: {  	_ =	strace $0x9000004E  }
0xb6: {  	_ =	sfence  }
0xb7: {  	s30 =	sld [smem:$0x0];
	_ =	sdelay $0x2  }
0xb8: {  	s31 =	sshll.u32 s1, $0xD;
	s1 =	sshrl.u32 s1, $0x2  }
0xb9: {  	s3 =	sand.u32 $0x4000, s31;
	s1 =	sadd.s32 s1, s30  }
0xba: {  	s0 =	sor.u32 s3, s0;
	s1 =	sshll.u32 s1, $0x11  }
0xbb: {  	s0 =	sor.u32 s1, s0  }
0xbc: {  	s0 =	sadd.s32 $0x8F2B, s0  }
0xbd: {  	[sflag:s0] =	ssyncadd.remote.s32 $0x1  }
0xbe: {  	_ =	sfence.sel $0xFFFF  }
0xbf: {  	[dreg:$0x0] =	wrdreg $0xFFFFFFFF;
	(pc) =	sbr.abs _section_cstart, $3  }
0xc0: {  	[dreg:$0x1] =	wrdreg $0xFFFFFFFF  }
0xc1: {  	_ =	task.clear_ibuf [dreg:s6], $0x2FFFF;
	_ =	strace $0x9FFFFFFF  }
0xc2: {  	(tm) =	ssettm $0x7FFFFFFF  }
0xc3: {  	_ =	shalt  }
tec
execute0_lowered:
.L_overlay_start_1:
0x0: {  	(tag) =	ssettag $0x1  }
0x1: {  	s5 =	rddreg [dreg:$0x0]  }
0x2: {  	s2 =	rddreg [dreg:$0x1]  }
0x3: {  	s0 =	rddreg [dreg:$0x2];
	s4 =	srdreg.scid  }
0x4: {  	s1 =	stileid.u32;
	s3 =	simm.s32 $0x0;
	s14 =	simm.s32 $0x50  }
0x5: {  	s15 =	simm.s32 $0x4E20;
	s16 =	simm.s32 $0x7620;
	s17 =	simm.s32 $0x1  }
0x6: {  	s18 =	simm.s32 $0x3;
	s19 =	simm.s32 $0x2;
	s20 =	simm.s32 $0x4  }
0x7: {  	s21 =	simm.s32 $0x4D30;
	s22 =	simm.s32 $0x26C0;
	s23 =	simm.s32 $0x4D80  }
0x8: {  	s24 =	simm.s32 $0x4DD0;
	s25 =	simm.s32 $0x0;
	s4 =	sand.u32 $0x1, s4  }
0x9: {  	s6 =	smul.u32 $0x14000, s1;
	[smem:$0x7FF] =	sst s3;
	s31 =	sshll.u32 s1, $0x6  }
0xa: {  	s7 =	sshll.u32 s4, $0x4;
	s8 =	smul.u32 $0x140000, s4;
	_ =	strace $0x8000004D  }
0xb: {  	s9 =	ssub.s32 $0x2, s4;
	s4 =	sadd.s32 $0x67200, s5;
	s7 =	sor.u32 s1, s7  }
0xc: {  	s10 =	sshrl.u32 s9, $0x1;
	s13 =	sadd.s32 s6, s2;
	s30 =	sshrl.u32 s6, $0x3  }
0xd: {  	s7 =	smul.u32 $0x4E2, s7;
	s8 =	sadd.s32 s6, s8;
	s10 =	ssub.s32 s9, s10  }
0xe: {  	s6 =	sor.u32 $0x1C05, s31;
	s8 =	sshrl.u32 s8, $0x3;
	s10 =	smax.u32 s10, $0x1  }
0xf: {  	s11 =	sadd.s32 s7, s5;
	s12 =	sadd.s32 s8, s5;
	s5 =	sadd.s32 s4, s30  }
0x10: {  	s7 =	sadd.s32 $0x3600, s11;
	s8 =	sadd.s32 $0xD400, s11;
	s9 =	sadd.s32 $0x8F200, s12  }
0x11: {  	s11 =	sshrl.u32 s13, $0x3;
	s12 =	simm.s32 $0x5;
	s13 =	simm.s32 $0x2710  }
.LBB2_1:
0x12: {  	[spmem:s11], [sflag:s6] =	dma.local [hbm:s5], $0x2800  }
0x13: {  	_ =	swait.ge [sflag:s12], $0x2800  }
0x14: {  	[sflag:s12] =	ssyncset.done $0x0  }
0x15: {  	[sflag:s12] =	ssyncadd.s32 $0xFFFFD800  }
0x16: {  	[tilespmem:s3], [sflag:$0x5] =	stream.linear.gather [hbm4b:s7+s3], $0x2710, $0x38;
	[tilespmem:$0x1DE20] =	vst v63  }
0x17: {  	_ =	swait.ge [sflag:s12], $0x2710  }
0x18: {  	[sflag:s12] =	ssyncset.done $0x0  }
0x19: {  	[sflag:s12] =	ssyncadd.s32 $0xFFFFD8F0  }
0x1a: {  	[tilespmem:s13], [sflag:$0x5] =	stream.linear.gather [hbm4b:s8+s3], $0x2710, $0x38;
	[tilespmem:$0x1DE20] =	vst v63  }
0x1b: {  	_ =	swait.ge [sflag:s12], $0x2710  }
0x1c: {  	[sflag:s12] =	ssyncset.done $0x0  }
0x1d: {  	[sflag:s12] =	ssyncadd.s32 $0xFFFFD8F0  }
0x1e: {  	[bflag:$0x0] =	sbarrier.arrive $0xFFFF  }
0x1f: {  	[tilespmem:s15], [sflag:$0x1] =	stream.indirect.gather [hbm4b:s4+s14], $0x80, s3, s14, $0xb8;
	[tilespmem:$0x1DE20] =	vst v63  }
0x20: {  	_ = 	snop  }
0x21: {  	[tilespmem:s16], [sflag:$0x2] =	stream.indirect.gather [hbm4b:s4+s14], $0x80, s14, s14, $0xb8;
	[tilespmem:$0x1DE20] =	vst v63  }
0x22: {  	_ =	swait.ge [sflag:s17], $0x2800  }
0x23: {  	[sflag:s17] =	ssyncset.done $0x0  }
0x24: {  	s26 =	simm.s32 $0x2710;
	[sflag:s17] =	ssyncadd.s32 $0xFFFFD800  }
0x25: {  	[spmem:s2] =	stream.indirect.scatter.add.f32 [tilespmem:s15], [sflag:$0x3], $0x80, s26, s14, $0xb8;
	[tilespmem:$0x1DE20] =	vst v63  }
0x26: {  	_ =	swait.ge [sflag:s18], $0x2800  }
0x27: {  	[sflag:s18] =	ssyncset.done $0x0  }
0x28: {  	s30 =	simm.s32 $0xA0;
	[sflag:s18] =	ssyncadd.s32 $0xFFFFD800  }
0x29: {  	[tilespmem:s15], [sflag:$0x1] =	stream.indirect.gather [hbm4b:s4+s14], $0x80, s30, s14, $0xb8;
	[tilespmem:$0x1DE20] =	vst v63  }
0x2a: {  	_ =	swait.ge [sflag:s19], $0x2800  }
0x2b: {  	[sflag:s19] =	ssyncset.done $0x0  }
0x2c: {  	s31 =	simm.s32 $0x2760;
	[sflag:s19] =	ssyncadd.s32 $0xFFFFD800  }
0x2d: {  	[spmem:s2] =	stream.indirect.scatter.add.f32 [tilespmem:s16], [sflag:$0x4], $0x80, s31, s14, $0xb8;
	[tilespmem:$0x1DE20] =	vst v63  }
0x2e: {  	_ =	swait.ge [sflag:s20], $0x2800  }
0x2f: {  	[sflag:s20] =	ssyncset.done $0x0  }
0x30: {  	s28 =	simm.s32 $0xF0;
	s26 =	simm.s32 $0x280;
	[sflag:s20] =	ssyncadd.s32 $0xFFFFD800  }
.LBB2_2:
0x31: {  	[tilespmem:s16], [sflag:$0x2] =	stream.indirect.gather [hbm4b:s4+s14], $0x80, s28, s14, $0xb8;
	[tilespmem:$0x1DE20] =	vst v63  }
0x32: {  	s28 =	smov.u32 s26  }
0x33: {  	p0 =	sne.s32 s26, $0x9600;
	s26 =	sadd.s32 $0x280, s26;
	_ =	swait.ge [sflag:s17], $0x2800  }
0x34: {  	s28 =	sshra.s32 s28, $0x2;
	[sflag:s17] =	ssyncset.done $0x0  }
0x35: {  	s29 =	sadd.s32 $0x2710, s28;
	[sflag:s17] =	ssyncadd.s32 $0xFFFFD800  }
0x36: {  	[spmem:s2] =	stream.indirect.scatter.add.f32 [tilespmem:s15], [sflag:$0x3], $0x80, s29, s14, $0xb8;
	[tilespmem:$0x1DE20] =	vst v63  }
0x37: {  	_ =	swait.ge [sflag:s18], $0x2800  }
0x38: {  	[sflag:s18] =	ssyncset.done $0x0  }
0x39: {  	s29 =	sadd.s32 $0xA0, s28;
	[sflag:s18] =	ssyncadd.s32 $0xFFFFD800  }
0x3a: {  	[tilespmem:s15], [sflag:$0x1] =	stream.indirect.gather [hbm4b:s4+s14], $0x80, s29, s14, $0xb8;
	[tilespmem:$0x1DE20] =	vst v63  }
0x3b: {  	_ =	swait.ge [sflag:s19], $0x2800  }
0x3c: {  	[sflag:s19] =	ssyncset.done $0x0  }
.Ltmp0:
0x3d: {  	s29 =	sadd.s32 $0x2760, s28;
	[sflag:s19] =	ssyncadd.s32 $0xFFFFD800;
	(pc) =	sbr.rel @p0 .LBB2_2-.Ltmp0, $4  }
0x3e: {  	[spmem:s2] =	stream.indirect.scatter.add.f32 [tilespmem:s16], [sflag:$0x4], $0x80, s29, s14, $0xb8;
	[tilespmem:$0x1DE20] =	vst v63  }
0x3f: {  	_ =	swait.ge [sflag:s20], $0x2800  }
0x40: {  	[sflag:s20] =	ssyncset.done $0x0  }
0x41: {  	s28 =	sadd.s32 $0xF0, s28;
	[sflag:s20] =	ssyncadd.s32 $0xFFFFD800  }
0x42: {  	[tilespmem:s16], [sflag:$0x2] =	stream.indirect.gather [hbm4b:s4+s14], $0x80, s28, s14, $0xb8;
	[tilespmem:$0x1DE20] =	vst v63  }
0x43: {  	_ =	swait.ge [sflag:s17], $0x2800  }
0x44: {  	[sflag:s17] =	ssyncset.done $0x0  }
0x45: {  	[sflag:s17] =	ssyncadd.s32 $0xFFFFD800  }
0x46: {  	[spmem:s2] =	stream.indirect.scatter.add.f32 [tilespmem:s15], [sflag:$0x3], $0x80, s21, s14, $0xb8;
	[tilespmem:$0x1DE20] =	vst v63  }
0x47: {  	_ =	swait.ge [sflag:s18], $0x2800  }
0x48: {  	[sflag:s18] =	ssyncset.done $0x0  }
0x49: {  	[sflag:s18] =	ssyncadd.s32 $0xFFFFD800  }
0x4a: {  	[tilespmem:s15], [sflag:$0x1] =	stream.indirect.gather [hbm4b:s4+s14], $0x80, s22, s14, $0xb8;
	[tilespmem:$0x1DE20] =	vst v63  }
0x4b: {  	_ =	swait.ge [sflag:s19], $0x2800  }
0x4c: {  	[sflag:s19] =	ssyncset.done $0x0  }
0x4d: {  	[sflag:s19] =	ssyncadd.s32 $0xFFFFD800  }
0x4e: {  	[spmem:s2] =	stream.indirect.scatter.add.f32 [tilespmem:s16], [sflag:$0x4], $0x80, s23, s14, $0xb8;
	[tilespmem:$0x1DE20] =	vst v63  }
0x4f: {  	_ =	swait.ge [sflag:s20], $0x2800  }
0x50: {  	[sflag:s20] =	ssyncset.done $0x0  }
0x51: {  	[sflag:s20] =	ssyncadd.s32 $0xFFFFD800  }
0x52: {  	[tilespmem:s16], [sflag:$0x2] =	stream.indirect.gather [hbm4b:s4+s14], $0x80, s3, s14, $0xb8;
	[tilespmem:$0x1DE20] =	vst v63  }
0x53: {  	_ =	swait.ge [sflag:s17], $0x2800  }
0x54: {  	[sflag:s17] =	ssyncset.done $0x0  }
0x55: {  	[sflag:s17] =	ssyncadd.s32 $0xFFFFD800  }
0x56: {  	[spmem:s2] =	stream.indirect.scatter.add.f32 [tilespmem:s15], [sflag:$0x3], $0x80, s24, s14, $0xb8;
	[tilespmem:$0x1DE20] =	vst v63  }
0x57: {  	_ =	swait.ge [sflag:s18], $0x2800  }
0x58: {  	[sflag:s18] =	ssyncset.done $0x0  }
0x59: {  	[sflag:s18] =	ssyncadd.s32 $0xFFFFD800  }
0x5a: {  	_ =	swait.ge [sflag:s19], $0x2800  }
0x5b: {  	s25 =	sadd.s32 $0x1, s25;
	[sflag:s19] =	ssyncset.done $0x0  }
0x5c: {  	p0 =	sne.s32 s25, s10;
	[sflag:s19] =	ssyncadd.s32 $0xFFFFD800  }
.Ltmp1:
0x5d: {  	[bflag:$0x0] =	sbarrier.arrive $0xFFFF;
	(pc) =	sbr.rel @p0 .LBB2_1-.Ltmp1, $4  }
0x5e: {  	[hbm:s9], [sflag:s6] =	dma.local [spmem:s11], $0x2800  }
0x5f: {  	_ =	swait.ge [sflag:s12], $0x2800  }
0x60: {  	[sflag:s12] =	ssyncset.done $0x0  }
0x61: {  	[sflag:s12] =	ssyncadd.s32 $0xFFFFD800  }
0x62: {  	_ =	sfence.sel $0x180000  }
0x63: {  	[bflag:$0x0] =	sbarrier.arrive $0xFFFF  }
0x64: {  	p0 =	sne.s32 s1, $0x0;
	_ =	strace $0x9000004D  }
0x65: {  	s0 =	sadd.s32 @!p0 $0x100000, s0;
	[bflag:$0x2] =	sbarrier.arrive $0xFFFF  }
0x66: {  	[sflag:s0] =	ssyncadd.tile.s32 @!p0 $0x1;
	_ =	shalt  }
.Lfunc_end2:
_tile_overlayer_lowered:
.L_overlay_start_2:
0x67: {  	(tag) =	ssettag $0x2  }
0x68: {  	s0 =	rddreg [dreg:$0x0];
	s2 =	stileid.u32  }
0x69: {  	s1 =	rddreg [dreg:$0x1];
	p0 =	sne.s32 s2, $0x0  }
0x6a: {  	s3 =	rddreg [dreg:$0x2];
	[bflag:$0x3] =	sbarrier.arrive $0xFFFF;
	s2 =	simm.s32 @!p0 $0x1C05  }
0x6b: {  	[timem:s3], [sflag:s2] =	dma.local @!p0 [hbm:s0], s1  }
0x6c: {  	s0 =	simm.s32 @!p0 $0x5  }
0x6d: {  	_ =	swait.ge @!p0 [sflag:s0], s1  }
0x6e: {  	s1 =	ssub.s32 @!p0 $0x0, s1;
	[sflag:s0] =	ssyncset.done @!p0 $0x0  }
0x6f: {  	[sflag:s0] =	ssyncadd.s32 @!p0 s1  }
0x70: {  	[bflag:$0x3] =	sbarrier.arrive $0xFFFF  }
0x71: {  	_ =	shalt  }

// kernel: kernel.8.cloned.1.call-start
scs
__scs_entry_jumppad:
0x0: {  	(pc) =	sbr.rel $0x88, $3  }
0x1: {  	(tag) =	ssettag $0x0;
	lr =	simm.s32 $0x1  }
0x2: {  	[smem:$0x3F92] =	sst lr;
	_ =	strace $0xD0000000  }
0x3: {  	_ = 	snop  }
0x4: {  	_ = 	snop  }
0x5: {  	_ = 	snop  }
0x6: {  	_ = 	snop  }
0x7: {  	_ = 	snop  }
__scs_overlays_trampoline_lowered:
0x8: {  	[smem:$0x3FA1] =	sst s0  }
0x9: {  	[smem:$0x3FA2] =	sst s1  }
0xa: {  	[smem:$0x3FA3] =	sst s2  }
0xb: {  	[smem:$0x3FA4] =	sst s3  }
0xc: {  	[smem:$0x3FA5] =	sst s4  }
0xd: {  	[smem:$0x3FA6] =	sst s5  }
0xe: {  	[smem:$0x3FA7] =	sst s6  }
0xf: {  	[smem:$0x3FA8] =	sst s7  }
0x10: {  	[smem:$0x3FA9] =	sst s8  }
0x11: {  	[smem:$0x3FAA] =	sst s9;
	s0 =	simm.s32 @!p0 $0x0  }
0x12: {  	s1 =	sld [smem:$0x3F90];
	s0 =	simm.s32 @p0 $0x1  }
0x13: {  	[smem:$0x3FAB] =	sst s0;
	s0 =	simm.s32 @!p1 $0x0  }
0x14: {  	s2 =	sld [smem:$0x3F8F];
	s0 =	simm.s32 @p1 $0x1  }
0x15: {  	[smem:$0x3FAC] =	sst s0;
	s0 =	simm.s32 @!p2 $0x0  }
0x16: {  	s3 =	sld [smem:$0x3FDB];
	s0 =	simm.s32 @p2 $0x1  }
0x17: {  	s4 =	simm.s32 $0x1BF5;
	[smem:$0x3FAE] =	sst s0  }
0x18: {  	s0 =	sld [smem:$0x3F91];
	_ =	swait.ge [sflag:s4], $0x0  }
0x19: {  	s7 =	sld [smem:$0x3F92]  }
0x1a: {  	s8 =	sadd.s32 $0xFFFFE003, lr  }
0x1b: {  	s9 =	sadd.s32 $0xFFFFFEF7, lr;
	s5 =	simm.s32 $0xFFFFFFFF;
	p2 =	slt.u32 s8, $0xFFFFF086  }
0x1c: {  	p1 =	slt.u32 s9, $0xF7A;
	s5 =	simm.s32 @!p2 $0x0  }
0x1d: {  	s5 =	simm.s32 @p1 $0x1;
	p0 =	seq.s32 s7, s2  }
0x1e: {  	s7 =	smul.u32 @!p0 $0xF7A, s2;
	p2 =	seq.s32 @!p0 s5, $0x0  }
0x1f: {  	s9 =	smul.u32 $0xF7A, s1;
	s8 =	simm.s32 @!p0 $0x1BF5;
	p2 =	por !p2, p0  }
0x20: {  	[sflag:s8] =	ssyncset.s32 @!p0 $0xFFFFF086;
	s6 =	sadd.s32 @!p0 s3, s7;
	s7 =	simm.s32 @!p0 $0x108  }
0x21: {  	s3 =	sadd.s32 s3, s9;
	s6 =	sadd.s32 @!p0 $0x88, s6;
	s7 =	simm.s32 @p2 $0x1082  }
0x22: {  	[simem:s7], [sflag:s8] =	dma.local @!p0 [hbm:s6], $0xF7A  }
0x23: {  	s9 =	sor.u32 $0xD0000000, s2;
	s6 =	simm.s32 $0x108;
	_ =	swait.ge @!p0 [sflag:s8], $0x0  }
0x24: {  	s3 =	sadd.s32 $0x88, s3;
	s6 =	simm.s32 @!p1 $0x1082;
	[sflag:s4] =	ssyncset.s32 $0xFFFFF086  }
0x25: {  	[simem:s6], [sflag:s4] =	dma.local [hbm:s3], $0xF7A  }
0x26: {  	[smem:$0x3F92] =	sst s1;
	(tag) =	ssettag s2;
	_ =	strace s9  }
0x27: {  	s1 =	sld [smem:$0x3FA2]  }
0x28: {  	s2 =	sld [smem:$0x3FA3]  }
0x29: {  	s4 =	sld [smem:$0x3FA5]  }
0x2a: {  	p0 =	seq.s32 s5, $0x0;
	s5 =	sld [smem:$0x3FA6]  }
0x2b: {  	s6 =	sld [smem:$0x3FA7]  }
0x2c: {  	s7 =	sld [smem:$0x3FA8]  }
0x2d: {  	s3 =	simm.s32 $0x108;
	s8 =	sld [smem:$0x3FA9]  }
0x2e: {  	s3 =	simm.s32 @!p0 $0x1082;
	s9 =	sld [smem:$0x3FAA]  }
0x2f: {  	lr =	sadd.s32 s0, s3;
	s0 =	sld [smem:$0x3FA1]  }
0x30: {  	s3 =	sld [smem:$0x3FA4]  }
0x31: {  	[smem:$0x3FAD] =	sst s10  }
0x32: {  	s10 =	sld [smem:$0x3FAB];
	_ =	sdelay $0x3  }
0x33: {  	p0 =	seq.s32 s10, $0x1;
	s10 =	sld [smem:$0x3FAD];
	_ =	sdelay $0x3  }
0x34: {  	[smem:$0x3FAD] =	sst s10  }
0x35: {  	s10 =	sld [smem:$0x3FAC];
	_ =	sdelay $0x3  }
0x36: {  	p1 =	seq.s32 s10, $0x1;
	s10 =	sld [smem:$0x3FAD];
	_ =	sdelay $0x3  }
0x37: {  	[smem:$0x3FAD] =	sst s10  }
0x38: {  	s10 =	sld [smem:$0x3FAE]  }
0x39: {  	_ = 	snop;
	(pc) =	sbr.ind lr, $3  }
0x3a: {  	_ = 	snop  }
0x3b: {  	_ = 	snop  }
0x3c: {  	p2 =	seq.s32 s10, $0x1;
	s10 =	sld [smem:$0x3FAD]  }
0x3d: {  	_ =	shalt  }
0x3e: {  	_ =	shalt  }
0x3f: {  	_ =	shalt  }
0x40: {  	_ =	shalt  }
0x41: {  	_ =	shalt  }
0x42: {  	_ =	shalt  }
0x43: {  	_ =	shalt  }
0x44: {  	_ =	shalt  }
0x45: {  	_ =	shalt  }
0x46: {  	_ =	shalt  }
0x47: {  	_ =	shalt  }
0x48: {  	_ =	shalt  }
0x49: {  	_ =	shalt  }
0x4a: {  	_ =	shalt  }
0x4b: {  	_ =	shalt  }
0x4c: {  	_ =	shalt  }
0x4d: {  	_ =	shalt  }
0x4e: {  	_ =	shalt  }
0x4f: {  	_ =	shalt  }
0x50: {  	_ =	shalt  }
0x51: {  	_ =	shalt  }
0x52: {  	_ =	shalt  }
0x53: {  	_ =	shalt  }
0x54: {  	_ =	shalt  }
0x55: {  	_ =	shalt  }
0x56: {  	_ =	shalt  }
0x57: {  	_ =	shalt  }
0x58: {  	_ =	shalt  }
0x59: {  	_ =	shalt  }
0x5a: {  	_ =	shalt  }
0x5b: {  	_ =	shalt  }
0x5c: {  	_ =	shalt  }
0x5d: {  	_ =	shalt  }
0x5e: {  	_ =	shalt  }
0x5f: {  	_ =	shalt  }
0x60: {  	_ =	shalt  }
0x61: {  	_ =	shalt  }
0x62: {  	_ =	shalt  }
0x63: {  	_ =	shalt  }
0x64: {  	_ =	shalt  }
0x65: {  	_ =	shalt  }
0x66: {  	_ =	shalt  }
0x67: {  	_ =	shalt  }
0x68: {  	_ =	shalt  }
0x69: {  	_ =	shalt  }
0x6a: {  	_ =	shalt  }
0x6b: {  	_ =	shalt  }
0x6c: {  	_ =	shalt  }
0x6d: {  	_ =	shalt  }
0x6e: {  	_ =	shalt  }
0x6f: {  	_ =	shalt  }
0x70: {  	_ =	shalt  }
0x71: {  	_ =	shalt  }
0x72: {  	_ =	shalt  }
0x73: {  	_ =	shalt  }
0x74: {  	_ =	shalt  }
0x75: {  	_ =	shalt  }
0x76: {  	_ =	shalt  }
0x77: {  	_ =	shalt  }
0x78: {  	_ =	shalt  }
0x79: {  	_ =	shalt  }
0x7a: {  	_ =	shalt  }
0x7b: {  	_ =	shalt  }
0x7c: {  	_ =	shalt  }
0x7d: {  	_ =	shalt  }
0x7e: {  	_ =	shalt  }
0x7f: {  	_ =	shalt  }
0x80: {  	_ =	shalt  }
0x81: {  	_ =	shalt  }
0x82: {  	_ =	shalt  }
0x83: {  	_ =	shalt  }
0x84: {  	_ =	shalt  }
0x85: {  	_ =	shalt  }
0x86: {  	_ =	shalt  }
0x87: {  	_ =	shalt  }
.Lfunc_end0:
.L_simem_size_0:
called_computation_lowered:
.L_overlay_start_0:
0x88: {  	s2 =	sld [smem:$0x3FD9]  }
0x89: {  	s3 =	sld [smem:$0x3FFE];
	_ =	sdelay $0x1  }
0x8a: {  	s1 =	srdreg.scid  }
0x8b: {  	s0 =	sand.u32 $0x1, s1  }
0x8c: {  	s16 =	sshll.u32 s0, $0xA;
	s2 =	sadd.s32 s3, s2  }
0x8d: {  	s2 =	sadd.s32 s2, s16  }
0x8e: {  	[smem:$0x3FB9] =	sst s2  }
0x8f: {  	_ = 	snop  }
0x90: {  	(tm) =	ssettm $0x1  }
0x91: {  	s17 =	sld [smem:$0x3FFB];
	_ =	sdelay $0x3  }
0x92: {  	_ =	strace s17  }
0x93: {  	s2 =	sld [smem:$0x3FFC];
	_ =	sdelay $0x3  }
0x94: {  	_ =	strace s2  }
0x95: {  	s2 =	sld [smem:$0x3FFD];
	_ =	sdelay $0x3  }
0x96: {  	_ =	strace s2  }
0x97: {  	_ =	strace $0x8FFFFFFF  }
0x98: {  	s18 =	sld [smem:$0x3FDB];
	_ =	sdelay $0x1  }
0x99: {  	s19 =	simm.s32 $_scs_section_size  }
0x9a: {  	s4 =	simm.s32 $_size__tile_overlayer_lowered;
	s5 =	simm.s32 $_tile_overlayer_lowered  }
0x9b: {  	s22 =	simm.s32 $0x1BFF;
	s21 =	sshll.u32 s5, $0x1;
	s2 =	sadd.s32 s19, s18  }
0x9c: {  	s6 =	simm.s32 $0x0;
	s20 =	sshll.u32 s4, $0x1;
	s4 =	sadd.s32 s21, s2  }
0x9d: {  	[timem:s6], [sflag:s22] =	dma.local [hbm:s4], s20  }
0x9e: {  	_ =	swait.ge [sflag:s22], s20  }
0x9f: {  	s3 =	ssub.s32 $0x0, s20;
	[sflag:s22] =	ssyncset.done $0x0  }
0xa0: {  	[sflag:s22] =	ssyncadd.s32 s3;
	_ =	sdelay $0x1  }
0xa1: {  	s23 =	simm.s32 $0x1B8B  }
0xa2: {  	_ =	swait.ge [sflag:s23], $0x1  }
0xa3: {  	[sflag:s23] =	ssyncset.done $0x0  }
0xa4: {  	s25 =	simm.s32 $0x1B8E;
	s24 =	sld [smem:$0x3FFE];
	[sflag:s23] =	ssyncadd.s32 $0xFFFFFFFF  }
0xa5: {  	s26 =	simm.s32 $execute0_lowered;
	[smem:$0x3FD2] =	sst s25  }
0xa6: {  	s4 =	sshll.u32 s26, $0x1;
	_ =	strace $0x80000046;
	[dreg:$0x1] =	wrdreg $0xFFFFFFFF  }
0xa7: {  	s28 =	simm.s32 $_size_execute0_lowered;
	s2 =	sadd.s32 s2, s4;
	[dreg:$0x0] =	wrdreg $0x0  }
0xa8: {  	s4 =	sshll.u32 s28, $0x1;
	[dreg:$0x2] =	wrdreg s2  }
0xa9: {  	[dreg:$0x3] =	wrdreg s4  }
0xaa: {  	[dreg:$0x4] =	wrdreg $0xC0  }
0xab: {  	_ =	task [dreg:s6], $0x5FFFF  }
0xac: {  	[dreg:$0x1] =	wrdreg $0xFFFFFFFF  }
0xad: {  	[dreg:$0x0] =	wrdreg $0x60  }
0xae: {  	[dreg:$0x2] =	wrdreg s24  }
0xaf: {  	[dreg:$0x3] =	wrdreg $0x54100  }
0xb0: {  	[dreg:$0x4] =	wrdreg $0x9  }
0xb1: {  	_ =	task.clear_ibuf [dreg:s6], $0x5FFFF;
	_ =	strace $0x90000046  }
0xb2: {  	s29 =	simm.s32 $0x9;
	_ =	strace $0x80000048  }
0xb3: {  	_ =	swait.ge [sflag:s29], $0x1  }
0xb4: {  	[sflag:s29] =	ssyncadd.s32 $0xFFFFFFFF  }
0xb5: {  	_ =	strace $0x90000048  }
0xb6: {  	_ =	sfence  }
0xb7: {  	s30 =	sld [smem:$0x0];
	_ =	sdelay $0x2  }
0xb8: {  	s31 =	sshll.u32 s1, $0xD;
	s1 =	sshrl.u32 s1, $0x2  }
0xb9: {  	s3 =	sand.u32 $0x4000, s31;
	s1 =	sadd.s32 s1, s30  }
0xba: {  	s0 =	sor.u32 s3, s0;
	s1 =	sshll.u32 s1, $0x11  }
0xbb: {  	s0 =	sor.u32 s1, s0  }
0xbc: {  	s0 =	sadd.s32 $0x8F2B, s0  }
0xbd: {  	[sflag:s0] =	ssyncadd.remote.s32 $0x1  }
0xbe: {  	_ =	sfence.sel $0xFFFF  }
0xbf: {  	[dreg:$0x0] =	wrdreg $0xFFFFFFFF;
	(pc) =	sbr.abs _section_cstart, $3  }
0xc0: {  	[dreg:$0x1] =	wrdreg $0xFFFFFFFF  }
0xc1: {  	_ =	task.clear_ibuf [dreg:s6], $0x2FFFF;
	_ =	strace $0x9FFFFFFF  }
0xc2: {  	(tm) =	ssettm $0x7FFFFFFF  }
0xc3: {  	_ =	shalt  }
tec
execute0_lowered:
.L_overlay_start_1:
0x0: {  	(tag) =	ssettag $0x1  }
0x1: {  	s4 =	rddreg [dreg:$0x0];
	s0 =	srdreg.scid  }
0x2: {  	s2 =	rddreg [dreg:$0x1];
	s1 =	stileid.u32  }
0x3: {  	s3 =	simm.s32 $0x0;
	s10 =	simm.s32 $0x50;
	s11 =	simm.s32 $0x2710  }
0x4: {  	s12 =	simm.s32 $0xA0;
	s13 =	simm.s32 $0xF0;
	s14 =	simm.s32 $0x140  }
0x5: {  	s15 =	simm.s32 $0x1;
	s5 =	sand.u32 $0x1, s0;
	s0 =	rddreg [dreg:$0x2]  }
0x6: {  	s18 =	simm.s32 $0x0;
	s7 =	smul.u32 $0x2800, s1;
	[smem:$0x7FF] =	sst s3  }
0x7: {  	s16 =	sshll.u32 s1, $0x6;
	s6 =	sshll.u32 s5, $0x4;
	s8 =	smul.u32 $0x28000, s5  }
0x8: {  	_ =	strace $0x80000047;
	s5 =	ssub.s32 $0x2, s5;
	s6 =	sor.u32 s1, s6  }
0x9: {  	s9 =	sshrl.u32 s5, $0x1;
	s6 =	smul.u32 $0x4E2, s6;
	s8 =	sadd.s32 s7, s8  }
0xa: {  	s16 =	sor.u32 $0x1C02, s16;
	s9 =	ssub.s32 s5, s9;
	s8 =	sshrl.u32 s8, $0x3  }
0xb: {  	s6 =	sadd.s32 s6, s4;
	s8 =	sadd.s32 s8, s4;
	s4 =	sadd.s32 s7, s2  }
0xc: {  	s7 =	smax.u32 s9, $0x1;
	s9 =	simm.s32 $0x2;
	s5 =	sadd.s32 $0xD400, s6  }
0xd: {  	v0 =	vimm.f32 $0.0e+00;
	v1 =	vimm.f32 $1.000000000e+00;
	s6 =	sadd.s32 $0x17200, s8;
	s8 =	simm.s32 $0x2C10;
	s17 =	sshrl.u32 s4, $0x3  }
.LBB2_1:
0xe: {  	s19 =	simm.s32 $0x0  }
.LBB2_2:
0xf: {  	p0 =	sne.s32 s19, $0x9FC0  }
.Ltmp0:
0x10: {  	_ = 	snop;
	(pc) =	sbr.rel @p0 .LBB2_2-.Ltmp0, $3  }
0x11: {  	_ =	sdelay $0x1  }
0x12: {  	s20 =	sshra.s32 s19, $0x2  }
0x13: {  	s19 =	sadd.s32 $0x40, s19;
	[tilespmem:s20+$0x2C10] =	vst v0  }
0x14: {  	s19 =	simm.s32 $0x40;
	s20 =	simm.s32 $0x0  }
.LBB2_4:
0x15: {  	p0 =	sne.s32 s19, $0x13C0;
	[tilespmem:s20+$0x2710] =	vst v1;
	s20 =	smov.u32 s19;
	s19 =	sadd.s32 $0x40, s19  }
.Ltmp1:
0x16: {  	(pc) =	sbr.rel @p0 .LBB2_4-.Ltmp1, $2  }
0x17: {  	_ =	sdelay $0x2  }
0x18: {  	s20 =	sshra.s32 s20, $0x2  }
0x19: {  	[tilespmem:s20+$0x2710] =	vst v1  }
0x1a: {  	[spmem:s4] =	stream.linear.scatter [tilespmem:s8], [sflag:$0x2], $0x2800, $0x38;
	[tilespmem:$0x7C10] =	vst v63  }
0x1b: {  	_ =	swait.ge [sflag:s9], $0x2800  }
0x1c: {  	[sflag:s9] =	ssyncset.done $0x0  }
0x1d: {  	[sflag:s9] =	ssyncadd.s32 $0xFFFFD800  }
0x1e: {  	[tilespmem:s3], [sflag:$0x2] =	stream.linear.gather [hbm4b:s5+s3], $0x2710, $0x38;
	[tilespmem:$0x7C10] =	vst v63  }
0x1f: {  	_ =	swait.ge [sflag:s9], $0x2710  }
0x20: {  	[sflag:s9] =	ssyncset.done $0x0  }
0x21: {  	[sflag:s9] =	ssyncadd.s32 $0xFFFFD8F0  }
0x22: {  	[bflag:$0x0] =	sbarrier.arrive $0xFFFF  }
0x23: {  	[spmem:s2] =	stream.indirect.scatter.add.f32 [tilespmem:s11], [sflag:$0x1], $0x10, s3, s10, $0xb8;
	[tilespmem:$0x7C10] =	vst v63  }
0x24: {  	_ = 	snop  }
0x25: {  	[spmem:s2] =	stream.indirect.scatter.add.f32 [tilespmem:s11], [sflag:$0x1], $0x10, s10, s10, $0xb8;
	[tilespmem:$0x7C10] =	vst v63  }
0x26: {  	_ = 	snop  }
0x27: {  	[spmem:s2] =	stream.indirect.scatter.add.f32 [tilespmem:s11], [sflag:$0x1], $0x10, s12, s10, $0xb8;
	[tilespmem:$0x7C10] =	vst v63  }
0x28: {  	_ = 	snop  }
0x29: {  	[spmem:s2] =	stream.indirect.scatter.add.f32 [tilespmem:s11], [sflag:$0x1], $0x10, s13, s10, $0xb8;
	[tilespmem:$0x7C10] =	vst v63  }
0x2a: {  	_ = 	snop  }
0x2b: {  	[spmem:s2] =	stream.indirect.scatter.add.f32 [tilespmem:s11], [sflag:$0x1], $0x10, s14, s10, $0xb8;
	[tilespmem:$0x7C10] =	vst v63  }
0x2c: {  	s19 =	simm.s32 $0x190  }
0x2d: {  	[spmem:s2] =	stream.indirect.scatter.add.f32 [tilespmem:s11], [sflag:$0x1], $0x10, s19, s10, $0xb8;
	[tilespmem:$0x7C10] =	vst v63  }
0x2e: {  	s28 =	simm.s32 $0x1E0  }
0x2f: {  	[spmem:s2] =	stream.indirect.scatter.add.f32 [tilespmem:s11], [sflag:$0x1], $0x10, s28, s10, $0xb8;
	[tilespmem:$0x7C10] =	vst v63  }
0x30: {  	s29 =	simm.s32 $0x230  }
0x31: {  	[spmem:s2] =	stream.indirect.scatter.add.f32 [tilespmem:s11], [sflag:$0x1], $0x10, s29, s10, $0xb8;
	[tilespmem:$0x7C10] =	vst v63  }
0x32: {  	s30 =	simm.s32 $0x280  }
0x33: {  	[spmem:s2] =	stream.indirect.scatter.add.f32 [tilespmem:s11], [sflag:$0x1], $0x10, s30, s10, $0xb8;
	[tilespmem:$0x7C10] =	vst v63  }
0x34: {  	s31 =	simm.s32 $0x2D0  }
0x35: {  	[spmem:s2] =	stream.indirect.scatter.add.f32 [tilespmem:s11], [sflag:$0x1], $0x10, s31, s10, $0xb8;
	[tilespmem:$0x7C10] =	vst v63  }
0x36: {  	_ =	swait.ge [sflag:s15], $0x500  }
0x37: {  	[sflag:s15] =	ssyncset.done $0x0  }
0x38: {  	[sflag:s15] =	ssyncadd.s32 $0xFFFFFB00  }
0x39: {  	_ =	swait.ge [sflag:s15], $0x500  }
0x3a: {  	[sflag:s15] =	ssyncset.done $0x0  }
0x3b: {  	[sflag:s15] =	ssyncadd.s32 $0xFFFFFB00  }
0x3c: {  	_ =	swait.ge [sflag:s15], $0x500  }
0x3d: {  	[sflag:s15] =	ssyncset.done $0x0  }
0x3e: {  	[sflag:s15] =	ssyncadd.s32 $0xFFFFFB00  }
0x3f: {  	_ =	swait.ge [sflag:s15], $0x500  }
0x40: {  	[sflag:s15] =	ssyncset.done $0x0  }
0x41: {  	[sflag:s15] =	ssyncadd.s32 $0xFFFFFB00  }
0x42: {  	_ =	swait.ge [sflag:s15], $0x500  }
0x43: {  	s20 =	simm.s32 $0xFFFF7680;
	s19 =	simm.s32 $0xFFFFDC10;
	[sflag:s15] =	ssyncset.done $0x0  }
.LBB2_6:
0x44: {  	s21 =	sadd.s32 $0x2710, s19  }
0x45: {  	[sflag:s15] =	ssyncadd.s32 $0xFFFFFB00;
	s22 =	smov.u32 s20;
	s23 =	sadd.s32 $0x640, s20  }
0x46: {  	[spmem:s2] =	stream.indirect.scatter.add.f32 [tilespmem:s11], [sflag:$0x1], $0x10, s21, s10, $0xb8;
	[tilespmem:$0x7C10] =	vst v63  }
0x47: {  	p0 =	sne.s32 s20, $0xFFFFF9C0;
	s20 =	sadd.s32 $0x2760, s19  }
0x48: {  	[spmem:s2] =	stream.indirect.scatter.add.f32 [tilespmem:s11], [sflag:$0x1], $0x10, s20, s10, $0xb8;
	[tilespmem:$0x7C10] =	vst v63  }
0x49: {  	s20 =	sadd.s32 $0x27B0, s19  }
0x4a: {  	[spmem:s2] =	stream.indirect.scatter.add.f32 [tilespmem:s11], [sflag:$0x1], $0x10, s20, s10, $0xb8;
	[tilespmem:$0x7C10] =	vst v63  }
0x4b: {  	s20 =	sadd.s32 $0x2800, s19  }
0x4c: {  	[spmem:s2] =	stream.indirect.scatter.add.f32 [tilespmem:s11], [sflag:$0x1], $0x10, s20, s10, $0xb8;
	[tilespmem:$0x7C10] =	vst v63  }
0x4d: {  	s19 =	sadd.s32 $0x2850, s19  }
0x4e: {  	[spmem:s2] =	stream.indirect.scatter.add.f32 [tilespmem:s11], [sflag:$0x1], $0x10, s19, s10, $0xb8;
	[tilespmem:$0x7C10] =	vst v63  }
0x4f: {  	_ =	swait.ge [sflag:s15], $0x500  }
0x50: {  	[sflag:s15] =	ssyncset.done $0x0  }
0x51: {  	[sflag:s15] =	ssyncadd.s32 $0xFFFFFB00  }
0x52: {  	_ =	swait.ge [sflag:s15], $0x500  }
0x53: {  	[sflag:s15] =	ssyncset.done $0x0  }
0x54: {  	[sflag:s15] =	ssyncadd.s32 $0xFFFFFB00  }
0x55: {  	_ =	swait.ge [sflag:s15], $0x500  }
0x56: {  	[sflag:s15] =	ssyncset.done $0x0  }
0x57: {  	[sflag:s15] =	ssyncadd.s32 $0xFFFFFB00  }
.Ltmp2:
0x58: {  	_ =	swait.ge [sflag:s15], $0x500;
	(pc) =	sbr.rel @p0 .LBB2_6-.Ltmp2, $4  }
0x59: {  	[sflag:s15] =	ssyncset.done $0x0  }
0x5a: {  	[sflag:s15] =	ssyncadd.s32 $0xFFFFFB00  }
0x5b: {  	_ =	swait.ge [sflag:s15], $0x500  }
0x5c: {  	s20 =	smov.u32 s23;
	s19 =	sshra.s32 s22, $0x2;
	[sflag:s15] =	ssyncset.done $0x0  }
0x5d: {  	s20 =	sadd.s32 $0x2710, s19;
	[sflag:s15] =	ssyncadd.s32 $0xFFFFFB00  }
0x5e: {  	[spmem:s2] =	stream.indirect.scatter.add.f32 [tilespmem:s11], [sflag:$0x1], $0x10, s20, s10, $0xb8;
	[tilespmem:$0x7C10] =	vst v63  }
0x5f: {  	s28 =	sadd.s32 $0x2760, s19  }
0x60: {  	[spmem:s2] =	stream.indirect.scatter.add.f32 [tilespmem:s11], [sflag:$0x1], $0x10, s28, s10, $0xb8;
	[tilespmem:$0x7C10] =	vst v63  }
0x61: {  	s29 =	sadd.s32 $0x27B0, s19  }
0x62: {  	[spmem:s2] =	stream.indirect.scatter.add.f32 [tilespmem:s11], [sflag:$0x1], $0x10, s29, s10, $0xb8;
	[tilespmem:$0x7C10] =	vst v63  }
0x63: {  	s30 =	sadd.s32 $0x2800, s19  }
0x64: {  	[spmem:s2] =	stream.indirect.scatter.add.f32 [tilespmem:s11], [sflag:$0x1], $0x10, s30, s10, $0xb8;
	[tilespmem:$0x7C10] =	vst v63  }
0x65: {  	s31 =	sadd.s32 $0x2850, s19  }
0x66: {  	[spmem:s2] =	stream.indirect.scatter.add.f32 [tilespmem:s11], [sflag:$0x1], $0x10, s31, s10, $0xb8;
	[tilespmem:$0x7C10] =	vst v63  }
0x67: {  	_ =	swait.ge [sflag:s15], $0x500  }
0x68: {  	[sflag:s15] =	ssyncset.done $0x0  }
0x69: {  	[sflag:s15] =	ssyncadd.s32 $0xFFFFFB00  }
0x6a: {  	_ =	swait.ge [sflag:s15], $0x500  }
0x6b: {  	[sflag:s15] =	ssyncset.done $0x0  }
0x6c: {  	[sflag:s15] =	ssyncadd.s32 $0xFFFFFB00  }
0x6d: {  	_ =	swait.ge [sflag:s15], $0x500  }
0x6e: {  	[sflag:s15] =	ssyncset.done $0x0  }
0x6f: {  	[sflag:s15] =	ssyncadd.s32 $0xFFFFFB00  }
0x70: {  	_ =	swait.ge [sflag:s15], $0x500  }
0x71: {  	[sflag:s15] =	ssyncset.done $0x0  }
0x72: {  	[sflag:s15] =	ssyncadd.s32 $0xFFFFFB00  }
0x73: {  	_ =	swait.ge [sflag:s15], $0x500  }
0x74: {  	[sflag:s15] =	ssyncset.done $0x0  }
0x75: {  	[sflag:s15] =	ssyncadd.s32 $0xFFFFFB00  }
0x76: {  	_ =	swait.ge [sflag:s15], $0x500  }
0x77: {  	[sflag:s15] =	ssyncset.done $0x0  }
0x78: {  	[sflag:s15] =	ssyncadd.s32 $0xFFFFFB00  }
0x79: {  	_ =	swait.ge [sflag:s15], $0x500  }
0x7a: {  	[sflag:s15] =	ssyncset.done $0x0  }
0x7b: {  	[sflag:s15] =	ssyncadd.s32 $0xFFFFFB00  }
0x7c: {  	_ =	swait.ge [sflag:s15], $0x500  }
0x7d: {  	[sflag:s15] =	ssyncset.done $0x0  }
0x7e: {  	[sflag:s15] =	ssyncadd.s32 $0xFFFFFB00  }
0x7f: {  	_ =	swait.ge [sflag:s15], $0x500  }
0x80: {  	[sflag:s15] =	ssyncset.done $0x0  }
0x81: {  	[sflag:s15] =	ssyncadd.s32 $0xFFFFFB00  }
0x82: {  	_ =	swait.ge [sflag:s15], $0x500  }
0x83: {  	s18 =	sadd.s32 $0x1, s18;
	[sflag:s15] =	ssyncset.done $0x0  }
0x84: {  	p0 =	sne.s32 s18, s7;
	[sflag:s15] =	ssyncadd.s32 $0xFFFFFB00  }
.Ltmp3:
0x85: {  	[bflag:$0x0] =	sbarrier.arrive $0xFFFF;
	(pc) =	sbr.rel @p0 .LBB2_1-.Ltmp3, $4  }
0x86: {  	[hbm:s6], [sflag:s16] =	dma.local [spmem:s17], $0x500  }
0x87: {  	_ =	swait.ge [sflag:s9], $0x500  }
0x88: {  	[sflag:s9] =	ssyncset.done $0x0  }
0x89: {  	[sflag:s9] =	ssyncadd.s32 $0xFFFFFB00  }
0x8a: {  	_ =	sfence.sel $0x180000  }
0x8b: {  	[bflag:$0x0] =	sbarrier.arrive $0xFFFF  }
0x8c: {  	p0 =	sne.s32 s1, $0x0;
	_ =	strace $0x90000047  }
0x8d: {  	s0 =	sadd.s32 @!p0 $0x100000, s0;
	[bflag:$0x2] =	sbarrier.arrive $0xFFFF  }
0x8e: {  	[sflag:s0] =	ssyncadd.tile.s32 @!p0 $0x1;
	_ =	shalt  }
.Lfunc_end2:
_tile_overlayer_lowered:
.L_overlay_start_2:
0x8f: {  	(tag) =	ssettag $0x2  }
0x90: {  	s0 =	rddreg [dreg:$0x0];
	s2 =	stileid.u32  }
0x91: {  	s1 =	rddreg [dreg:$0x1];
	p0 =	sne.s32 s2, $0x0  }
0x92: {  	s3 =	rddreg [dreg:$0x2];
	[bflag:$0x3] =	sbarrier.arrive $0xFFFF;
	s2 =	simm.s32 @!p0 $0x1C02  }
0x93: {  	[timem:s3], [sflag:s2] =	dma.local @!p0 [hbm:s0], s1  }
0x94: {  	s0 =	simm.s32 @!p0 $0x2  }
0x95: {  	_ =	swait.ge @!p0 [sflag:s0], s1  }
0x96: {  	s1 =	ssub.s32 @!p0 $0x0, s1;
	[sflag:s0] =	ssyncset.done @!p0 $0x0  }
0x97: {  	[sflag:s0] =	ssyncadd.s32 @!p0 s1  }
0x98: {  	[bflag:$0x3] =	sbarrier.arrive $0xFFFF  }
0x99: {  	_ =	shalt  }

</sc_bundles>
